<compile_context>
chip_gen: v7x
topology: tpu7x:2x2x1
jax: 0.10.2.dev20260603
libtpu: 0.0.44.dev20260713+nightly
codegen_flags: <defaults>
</compile_context>

<pallas_src>
import functools

import jax
import jax.numpy as jnp
from jax import lax
from jax.experimental import pallas as pl
from jax.experimental.pallas import tpu as pltpu
from jax.experimental.pallas import tpu_sc as plsc

NC = 2
NS = 16
NW = NC * NS
CHUNK = 96


def _positional_encoding(seq_len, d_model):
    pos = jnp.arange(seq_len, dtype=jnp.float32)[:, None]
    i = jnp.arange(d_model // 2, dtype=jnp.float32)[None, :]
    angle = pos / jnp.power(10000.0, (2.0 * i) / d_model)
    pe = jnp.zeros((seq_len, d_model), dtype=jnp.float32)
    pe = pe.at[:, 0::2].set(jnp.sin(angle))
    pe = pe.at[:, 1::2].set(jnp.cos(angle))
    return pe


@functools.partial(jax.jit, static_argnames=("n_rows", "d"))
def _sc_gather(table, idx3, *, n_rows, d):
    rpw = n_rows // NW
    n_chunks = rpw // CHUNK
    mesh = plsc.VectorSubcoreMesh(core_axis_name="c", subcore_axis_name="s")

    @functools.partial(
        pl.kernel,
        out_type=jax.ShapeDtypeStruct((n_rows, d), jnp.float32),
        mesh=mesh,
        scratch_types=[
            pltpu.VMEM((n_chunks, CHUNK), jnp.int32),
            pltpu.VMEM((2, CHUNK, d), jnp.float32),
            pltpu.SemaphoreType.DMA,
            pltpu.SemaphoreType.DMA,
        ],
    )
    def k(table_hbm, idx_hbm, out_hbm, idx_v, buf_v, gsem, ssem):
        wid = lax.axis_index("s") * NC + lax.axis_index("c")
        base = wid * rpw
        pltpu.sync_copy(idx_hbm.at[wid], idx_v)

        def gather(c, slot):
            return pltpu.async_copy(table_hbm.at[idx_v.at[c]],
                                    buf_v.at[slot], gsem)

        def writeback(c, slot):
            return pltpu.async_copy(buf_v.at[slot],
                                    out_hbm.at[pl.ds(base + c * CHUNK, CHUNK)],
                                    ssem)

        scat = {}
        gath = {0: gather(0, 0)}
        for c in range(n_chunks):
            slot = c & 1
            gath[c].wait()
            scat[c] = writeback(c, slot)
            if c + 1 < n_chunks:
                if c - 1 >= 0:
                    scat.pop(c - 1).wait()
                gath[c + 1] = gather(c + 1, slot ^ 1)
        for c in sorted(scat):
            scat[c].wait()

    return k(table, idx3)


def kernel(tokens, charges, aa_table, charge_table):
    B, S = tokens.shape
    V, D = aa_table.shape
    MC = charge_table.shape[0]
    P = S + 1
    n_rows = B * P

    pe = _positional_encoding(P, D)
    aa_z = aa_table.at[0].set(0.0)
    fused = jnp.concatenate(
        [charge_table + pe[0:1],
         (aa_z[None, :, :] + pe[1:, None, :]).reshape(S * V, D)],
        axis=0)


    pos_off = MC + jnp.arange(S, dtype=jnp.int32) * V
    idx_t = jnp.concatenate(
        [charges[None, :].astype(jnp.int32),
         tokens.astype(jnp.int32).T + pos_off[:, None]],
        axis=0)
    idx3 = idx_t.reshape(NW, -1, CHUNK)

    out = _sc_gather(fused, idx3, n_rows=n_rows, d=D)
    return out.reshape(P, B, D).transpose(1, 0, 2)

# --- scband reference (transcript-rebuilt; emitter-appended) ---
"""Pipeline reference for scband-peptide-transformer-2637109920291 (READ-ONLY COPY).

The authoritative reference and input builder live on the scoring server;
editing this copy changes nothing except your own understanding.
"""

import jax, jax.numpy as jnp
import numpy as np

DIM_MODEL = 512
VOCAB = 23          # 20 canonical residues + '<back>' + '$' + padding idx 0
MAX_CHARGE = 10
BATCH = 1024
SEQ = 50


def positional_encoding(seq_len, d_model):
    pos = jnp.arange(seq_len, dtype=jnp.float32)[:, None]
    i = jnp.arange(d_model // 2, dtype=jnp.float32)[None, :]
    angle = pos / jnp.power(10000.0, (2.0 * i) / d_model)
    pe = jnp.zeros((seq_len, d_model), dtype=jnp.float32)
    pe = pe.at[:, 0::2].set(jnp.sin(angle))
    pe = pe.at[:, 1::2].set(jnp.cos(angle))
    return pe


def setup_inputs(seed: int = 0) -> dict:
    key = jax.random.key(seed)
    k1, k2, k3, k4 = jax.random.split(key, 4)
    tokens = jax.random.randint(k1, (BATCH, SEQ), 0, VOCAB, dtype=jnp.int64 if jax.config.jax_enable_x64 else jnp.int32)
    charges = jax.random.randint(k2, (BATCH,), 0, MAX_CHARGE, dtype=jnp.int64 if jax.config.jax_enable_x64 else jnp.int32)
    aa_table = jax.random.normal(k3, (VOCAB, DIM_MODEL), dtype=jnp.float32) * 0.02
    aa_table = aa_table.at[0].set(0.0)  # padding_idx=0
    charge_table = jax.random.normal(k4, (MAX_CHARGE, DIM_MODEL), dtype=jnp.float32) * 0.02
    return {"tokens": tokens, "charges": charges, "aa_table": aa_table, "charge_table": charge_table}


def reference(tokens, charges, aa_table, charge_table):
    # aa_encoder: embedding gather with padding_idx=0 (row 0 contributes zeros)
    pad_mask = (tokens != 0).astype(jnp.float32)[..., None]
    aa_emb = jnp.take(aa_table, tokens, axis=0) * pad_mask  # [B, S, D]
    # charge_encoder: gather charge embedding, prepend as first token
    c_emb = jnp.take(charge_table, charges, axis=0)[:, None, :]  # [B, 1, D]
    x = jnp.concatenate([c_emb, aa_emb], axis=1)  # [B, S+1, D]
    # pos_encoder: sinusoidal positional encoding added to the sequence
    pe = positional_encoding(x.shape[1], x.shape[2])
    return x + pe[None, :, :]

if __name__ == "__main__":
    import jax
    _d = setup_inputs()
    print(jax.jit(kernel)(*tuple(_d.values())))

</pallas_src>

<mosaic_0001>
#map = affine_map<(d0, d1) -> (0, 0)>
#map1 = affine_map<(d0, d1) -> (0, 0, 0)>
module attributes {stable_mosaic.version = 14 : i64} {
  func.func @k(%arg0: i32, %arg1: i32, %arg2: memref<1160x512xf32, #tpu.memory_space<hbm>>, %arg3: memref<32x17x96xi32, #tpu.memory_space<hbm>>, %arg4: memref<52224x512xf32, #tpu.memory_space<hbm>>, %arg5: memref<17x96xi32, #tpu.memory_space<vmem>>, %arg6: memref<2x96x512xf32, #tpu.memory_space<vmem>>, %arg7: memref<!tpu.dma_semaphore, #tpu.memory_space<semaphore_mem>>, %arg8: memref<!tpu.dma_semaphore, #tpu.memory_space<semaphore_mem>>) attributes {dimension_semantics = [#tpu.dimension_semantics<core_parallel>, #tpu.dimension_semantics<subcore_parallel>], iteration_bounds = array<i64: 2, 16>, scalar_prefetch = 0 : i64, scratch_operands = 4 : i64, tpu.core_type = #tpu.core_type<sc_vector_subcore>, window_params = [{transform_indices = #map}, {transform_indices = #map1}, {transform_indices = #map}]} {
    %mul3A = arith.constant 2 : i32
    %mul3A_0 = arith.muli %arg1, %mul3A : i32
    %add3A = arith.addi %mul3A_0, %arg0 : i32
    %mul3A_1 = arith.constant 1632 : i32
    %mul3A_2 = arith.muli %add3A, %mul3A_1 : i32
    "tpu.region"() ({
      %run_scoped3A = tpu.sem_alloc : memref<!tpu.dma_semaphore, #tpu.memory_space<semaphore_mem>>
      %dma_start3A_885 = arith.constant 0 : i32
      %dma_start3A_886 = arith.constant 0 : i32
      %dma_start3A_887 = tpu.memref_slice %arg3[%add3A, %dma_start3A_885, %dma_start3A_886] : memref<32x17x96xi32, #tpu.memory_space<hbm>> -> memref<1x17x96xi32, #tpu.memory_space<hbm>>
      %dma_start3A_888 = tpu.memref_squeeze %dma_start3A_887 : memref<1x17x96xi32, #tpu.memory_space<hbm>> -> memref<17x96xi32, #tpu.memory_space<hbm>>
      %dma_start3A_889 = arith.constant 0 : i32
      %dma_start3A_890 = arith.constant 0 : i32
      %dma_start3A_891 = tpu.memref_slice %arg3[%add3A, %dma_start3A_889, %dma_start3A_890] : memref<32x17x96xi32, #tpu.memory_space<hbm>> -> memref<1x17x96xi32, #tpu.memory_space<hbm>>
      %dma_start3A_892 = tpu.memref_squeeze %dma_start3A_891 : memref<1x17x96xi32, #tpu.memory_space<hbm>> -> memref<17x96xi32, #tpu.memory_space<hbm>>
      tpu.enqueue_dma source(%dma_start3A_892 : memref<17x96xi32, #tpu.memory_space<hbm>>) target(%arg5 : memref<17x96xi32, #tpu.memory_space<vmem>>) target_semaphore(%run_scoped3A : memref<!tpu.dma_semaphore, #tpu.memory_space<semaphore_mem>>)
      %dma_wait3A_893 = arith.constant 0 : i32
      %dma_wait3A_894 = arith.constant 0 : i32
      %dma_wait3A_895 = tpu.memref_slice %arg3[%add3A, %dma_wait3A_893, %dma_wait3A_894] : memref<32x17x96xi32, #tpu.memory_space<hbm>> -> memref<1x17x96xi32, #tpu.memory_space<hbm>>
      %dma_wait3A_896 = tpu.memref_squeeze %dma_wait3A_895 : memref<1x17x96xi32, #tpu.memory_space<hbm>> -> memref<17x96xi32, #tpu.memory_space<hbm>>
      %dma_wait3A_897 = arith.constant 0 : i32
      %dma_wait3A_898 = arith.constant 0 : i32
      %dma_wait3A_899 = tpu.memref_slice %arg3[%add3A, %dma_wait3A_897, %dma_wait3A_898] : memref<32x17x96xi32, #tpu.memory_space<hbm>> -> memref<1x17x96xi32, #tpu.memory_space<hbm>>
      %dma_wait3A_900 = tpu.memref_squeeze %dma_wait3A_899 : memref<1x17x96xi32, #tpu.memory_space<hbm>> -> memref<17x96xi32, #tpu.memory_space<hbm>>
      tpu.wait_dma2 semaphore(%run_scoped3A : memref<!tpu.dma_semaphore, #tpu.memory_space<semaphore_mem>>) src(%dma_wait3A_900 : memref<17x96xi32, #tpu.memory_space<hbm>>) dst(%arg5 : memref<17x96xi32, #tpu.memory_space<vmem>>)
      tpu.yield
    }) : () -> ()
    %dma_start3A = arith.constant 0 : i32
    %dma_start3A_3 = arith.constant 0 : i32
    %dma_start3A_4 = arith.constant 0 : i32
    %dma_start3A_5 = arith.constant 0 : i32
    %dma_start3A_6 = tpu.memref_slice %arg6[%dma_start3A_3, %dma_start3A_4, %dma_start3A_5] : memref<2x96x512xf32, #tpu.memory_space<vmem>> -> memref<1x96x512xf32, #tpu.memory_space<vmem>>
    %dma_start3A_7 = tpu.memref_squeeze %dma_start3A_6 : memref<1x96x512xf32, #tpu.memory_space<vmem>> -> memref<96x512xf32, #tpu.memory_space<vmem>>
    %dma_start3A_8 = arith.constant 0 : i32
    %dma_start3A_9 = tpu.memref_slice %arg5[%dma_start3A, %dma_start3A_8] : memref<17x96xi32, #tpu.memory_space<vmem>> -> memref<1x96xi32, #tpu.memory_space<vmem>>
    %dma_start3A_10 = tpu.memref_squeeze %dma_start3A_9 : memref<1x96xi32, #tpu.memory_space<vmem>> -> memref<96xi32, #tpu.memory_space<vmem>>
    %dma_start3A_11 = arith.constant 0 : i32
    %dma_start3A_12 = arith.constant 0 : i32
    %dma_start3A_13 = tpu.memref_slice %arg2[%dma_start3A_11, %dma_start3A_12] : memref<1160x512xf32, #tpu.memory_space<hbm>> -> memref<1160x512xf32, #tpu.memory_space<hbm>>
    tpu.enqueue_indirect_dma source(%dma_start3A_13 : memref<1160x512xf32, #tpu.memory_space<hbm>>) target(%dma_start3A_7 : memref<96x512xf32, #tpu.memory_space<vmem>>) offsets(%dma_start3A_10 : memref<96xi32, #tpu.memory_space<vmem>>) semaphore(%arg7 : memref<!tpu.dma_semaphore, #tpu.memory_space<semaphore_mem>>)
    %dma_wait3A = arith.constant 0 : i32
    %dma_wait3A_14 = arith.constant 0 : i32
    %dma_wait3A_15 = arith.constant 0 : i32
    %dma_wait3A_16 = arith.constant 0 : i32
    %dma_wait3A_17 = tpu.memref_slice %arg6[%dma_wait3A_14, %dma_wait3A_15, %dma_wait3A_16] : memref<2x96x512xf32, #tpu.memory_space<vmem>> -> memref<1x96x512xf32, #tpu.memory_space<vmem>>
    %dma_wait3A_18 = tpu.memref_squeeze %dma_wait3A_17 : memref<1x96x512xf32, #tpu.memory_space<vmem>> -> memref<96x512xf32, #tpu.memory_space<vmem>>
    %dma_wait3A_19 = arith.constant 0 : i32
    %dma_wait3A_20 = tpu.memref_slice %arg5[%dma_wait3A, %dma_wait3A_19] : memref<17x96xi32, #tpu.memory_space<vmem>> -> memref<1x96xi32, #tpu.memory_space<vmem>>
    %dma_wait3A_21 = tpu.memref_squeeze %dma_wait3A_20 : memref<1x96xi32, #tpu.memory_space<vmem>> -> memref<96xi32, #tpu.memory_space<vmem>>
    %dma_wait3A_22 = arith.constant 0 : i32
    %dma_wait3A_23 = arith.constant 0 : i32
    %dma_wait3A_24 = tpu.memref_slice %arg2[%dma_wait3A_22, %dma_wait3A_23] : memref<1160x512xf32, #tpu.memory_space<hbm>> -> memref<1160x512xf32, #tpu.memory_space<hbm>>
    tpu.wait_indirect_dma semaphore(%arg7 : memref<!tpu.dma_semaphore, #tpu.memory_space<semaphore_mem>>) src(%dma_wait3A_24 : memref<1160x512xf32, #tpu.memory_space<hbm>>) dst(%dma_wait3A_18 : memref<96x512xf32, #tpu.memory_space<vmem>>)
    %add3A_25 = arith.constant 0 : i32
    %add3A_26 = arith.addi %mul3A_2, %add3A_25 : i32
    %dma_start3A_27 = arith.constant 0 : i32
    %dma_start3A_28 = arith.constant 0 : i32
    %dma_start3A_29 = arith.constant 0 : i32
    %dma_start3A_30 = tpu.memref_slice %arg6[%dma_start3A_27, %dma_start3A_28, %dma_start3A_29] : memref<2x96x512xf32, #tpu.memory_space<vmem>> -> memref<1x96x512xf32, #tpu.memory_space<vmem>>
    %dma_start3A_31 = tpu.memref_squeeze %dma_start3A_30 : memref<1x96x512xf32, #tpu.memory_space<vmem>> -> memref<96x512xf32, #tpu.memory_space<vmem>>
    %dma_start3A_32 = arith.constant 0 : i32
    %dma_start3A_33 = tpu.memref_slice %arg4[%add3A_26, %dma_start3A_32] : memref<52224x512xf32, #tpu.memory_space<hbm>> -> memref<96x512xf32, #tpu.memory_space<hbm>>
    %dma_start3A_34 = arith.constant 0 : i32
    %dma_start3A_35 = tpu.memref_slice %arg4[%add3A_26, %dma_start3A_34] : memref<52224x512xf32, #tpu.memory_space<hbm>> -> memref<96x512xf32, #tpu.memory_space<hbm>>
    %dma_start3A_36 = arith.constant 0 : i32
    %dma_start3A_37 = arith.constant 0 : i32
    %dma_start3A_38 = tpu.memref_slice %arg6[%dma_start3A_27, %dma_start3A_36, %dma_start3A_37] : memref<2x96x512xf32, #tpu.memory_space<vmem>> -> memref<1x96x512xf32, #tpu.memory_space<vmem>>
    %dma_start3A_39 = tpu.memref_squeeze %dma_start3A_38 : memref<1x96x512xf32, #tpu.memory_space<vmem>> -> memref<96x512xf32, #tpu.memory_space<vmem>>
    tpu.enqueue_dma source(%dma_start3A_39 : memref<96x512xf32, #tpu.memory_space<vmem>>) target(%dma_start3A_35 : memref<96x512xf32, #tpu.memory_space<hbm>>) target_semaphore(%arg8 : memref<!tpu.dma_semaphore, #tpu.memory_space<semaphore_mem>>)
    %dma_start3A_40 = arith.constant 1 : i32
    %dma_start3A_41 = arith.constant 1 : i32
    %dma_start3A_42 = arith.constant 0 : i32
    %dma_start3A_43 = arith.constant 0 : i32
    %dma_start3A_44 = tpu.memref_slice %arg6[%dma_start3A_41, %dma_start3A_42, %dma_start3A_43] : memref<2x96x512xf32, #tpu.memory_space<vmem>> -> memref<1x96x512xf32, #tpu.memory_space<vmem>>
    %dma_start3A_45 = tpu.memref_squeeze %dma_start3A_44 : memref<1x96x512xf32, #tpu.memory_space<vmem>> -> memref<96x512xf32, #tpu.memory_space<vmem>>
    %dma_start3A_46 = arith.constant 0 : i32
    %dma_start3A_47 = tpu.memref_slice %arg5[%dma_start3A_40, %dma_start3A_46] : memref<17x96xi32, #tpu.memory_space<vmem>> -> memref<1x96xi32, #tpu.memory_space<vmem>>
    %dma_start3A_48 = tpu.memref_squeeze %dma_start3A_47 : memref<1x96xi32, #tpu.memory_space<vmem>> -> memref<96xi32, #tpu.memory_space<vmem>>
    %dma_start3A_49 = arith.constant 0 : i32
    %dma_start3A_50 = arith.constant 0 : i32
    %dma_start3A_51 = tpu.memref_slice %arg2[%dma_start3A_49, %dma_start3A_50] : memref<1160x512xf32, #tpu.memory_space<hbm>> -> memref<1160x512xf32, #tpu.memory_space<hbm>>
    tpu.enqueue_indirect_dma source(%dma_start3A_51 : memref<1160x512xf32, #tpu.memory_space<hbm>>) target(%dma_start3A_45 : memref<96x512xf32, #tpu.memory_space<vmem>>) offsets(%dma_start3A_48 : memref<96xi32, #tpu.memory_space<vmem>>) semaphore(%arg7 : memref<!tpu.dma_semaphore, #tpu.memory_space<semaphore_mem>>)
    %dma_wait3A_52 = arith.constant 1 : i32
    %dma_wait3A_53 = arith.constant 1 : i32
    %dma_wait3A_54 = arith.constant 0 : i32
    %dma_wait3A_55 = arith.constant 0 : i32
    %dma_wait3A_56 = tpu.memref_slice %arg6[%dma_wait3A_53, %dma_wait3A_54, %dma_wait3A_55] : memref<2x96x512xf32, #tpu.memory_space<vmem>> -> memref<1x96x512xf32, #tpu.memory_space<vmem>>
    %dma_wait3A_57 = tpu.memref_squeeze %dma_wait3A_56 : memref<1x96x512xf32, #tpu.memory_space<vmem>> -> memref<96x512xf32, #tpu.memory_space<vmem>>
    %dma_wait3A_58 = arith.constant 0 : i32
    %dma_wait3A_59 = tpu.memref_slice %arg5[%dma_wait3A_52, %dma_wait3A_58] : memref<17x96xi32, #tpu.memory_space<vmem>> -> memref<1x96xi32, #tpu.memory_space<vmem>>
    %dma_wait3A_60 = tpu.memref_squeeze %dma_wait3A_59 : memref<1x96xi32, #tpu.memory_space<vmem>> -> memref<96xi32, #tpu.memory_space<vmem>>
    %dma_wait3A_61 = arith.constant 0 : i32
    %dma_wait3A_62 = arith.constant 0 : i32
    %dma_wait3A_63 = tpu.memref_slice %arg2[%dma_wait3A_61, %dma_wait3A_62] : memref<1160x512xf32, #tpu.memory_space<hbm>> -> memref<1160x512xf32, #tpu.memory_space<hbm>>
    tpu.wait_indirect_dma semaphore(%arg7 : memref<!tpu.dma_semaphore, #tpu.memory_space<semaphore_mem>>) src(%dma_wait3A_63 : memref<1160x512xf32, #tpu.memory_space<hbm>>) dst(%dma_wait3A_57 : memref<96x512xf32, #tpu.memory_space<vmem>>)
    %add3A_64 = arith.constant 96 : i32
    %add3A_65 = arith.addi %mul3A_2, %add3A_64 : i32
    %dma_start3A_66 = arith.constant 1 : i32
    %dma_start3A_67 = arith.constant 0 : i32
    %dma_start3A_68 = arith.constant 0 : i32
    %dma_start3A_69 = tpu.memref_slice %arg6[%dma_start3A_66, %dma_start3A_67, %dma_start3A_68] : memref<2x96x512xf32, #tpu.memory_space<vmem>> -> memref<1x96x512xf32, #tpu.memory_space<vmem>>
    %dma_start3A_70 = tpu.memref_squeeze %dma_start3A_69 : memref<1x96x512xf32, #tpu.memory_space<vmem>> -> memref<96x512xf32, #tpu.memory_space<vmem>>
    %dma_start3A_71 = arith.constant 0 : i32
    %dma_start3A_72 = tpu.memref_slice %arg4[%add3A_65, %dma_start3A_71] : memref<52224x512xf32, #tpu.memory_space<hbm>> -> memref<96x512xf32, #tpu.memory_space<hbm>>
    %dma_start3A_73 = arith.constant 0 : i32
    %dma_start3A_74 = tpu.memref_slice %arg4[%add3A_65, %dma_start3A_73] : memref<52224x512xf32, #tpu.memory_space<hbm>> -> memref<96x512xf32, #tpu.memory_space<hbm>>
    %dma_start3A_75 = arith.constant 0 : i32
    %dma_start3A_76 = arith.constant 0 : i32
    %dma_start3A_77 = tpu.memref_slice %arg6[%dma_start3A_66, %dma_start3A_75, %dma_start3A_76] : memref<2x96x512xf32, #tpu.memory_space<vmem>> -> memref<1x96x512xf32, #tpu.memory_space<vmem>>
    %dma_start3A_78 = tpu.memref_squeeze %dma_start3A_77 : memref<1x96x512xf32, #tpu.memory_space<vmem>> -> memref<96x512xf32, #tpu.memory_space<vmem>>
    tpu.enqueue_dma source(%dma_start3A_78 : memref<96x512xf32, #tpu.memory_space<vmem>>) target(%dma_start3A_74 : memref<96x512xf32, #tpu.memory_space<hbm>>) target_semaphore(%arg8 : memref<!tpu.dma_semaphore, #tpu.memory_space<semaphore_mem>>)
    %dma_wait3A_79 = arith.constant 0 : i32
    %dma_wait3A_80 = arith.constant 0 : i32
    %dma_wait3A_81 = arith.constant 0 : i32
    %dma_wait3A_82 = tpu.memref_slice %arg6[%dma_wait3A_79, %dma_wait3A_80, %dma_wait3A_81] : memref<2x96x512xf32, #tpu.memory_space<vmem>> -> memref<1x96x512xf32, #tpu.memory_space<vmem>>
    %dma_wait3A_83 = tpu.memref_squeeze %dma_wait3A_82 : memref<1x96x512xf32, #tpu.memory_space<vmem>> -> memref<96x512xf32, #tpu.memory_space<vmem>>
    %dma_wait3A_84 = arith.constant 0 : i32
    %dma_wait3A_85 = tpu.memref_slice %arg4[%add3A_26, %dma_wait3A_84] : memref<52224x512xf32, #tpu.memory_space<hbm>> -> memref<96x512xf32, #tpu.memory_space<hbm>>
    %dma_wait3A_86 = arith.constant 0 : i32
    %dma_wait3A_87 = tpu.memref_slice %arg4[%add3A_26, %dma_wait3A_86] : memref<52224x512xf32, #tpu.memory_space<hbm>> -> memref<96x512xf32, #tpu.memory_space<hbm>>
    %dma_wait3A_88 = arith.constant 0 : i32
    %dma_wait3A_89 = arith.constant 0 : i32
    %dma_wait3A_90 = tpu.memref_slice %arg6[%dma_wait3A_79, %dma_wait3A_88, %dma_wait3A_89] : memref<2x96x512xf32, #tpu.memory_space<vmem>> -> memref<1x96x512xf32, #tpu.memory_space<vmem>>
    %dma_wait3A_91 = tpu.memref_squeeze %dma_wait3A_90 : memref<1x96x512xf32, #tpu.memory_space<vmem>> -> memref<96x512xf32, #tpu.memory_space<vmem>>
    tpu.wait_dma2 semaphore(%arg8 : memref<!tpu.dma_semaphore, #tpu.memory_space<semaphore_mem>>) src(%dma_wait3A_91 : memref<96x512xf32, #tpu.memory_space<vmem>>) dst(%dma_wait3A_87 : memref<96x512xf32, #tpu.memory_space<hbm>>)
    %dma_start3A_92 = arith.constant 2 : i32
    %dma_start3A_93 = arith.constant 0 : i32
    %dma_start3A_94 = arith.constant 0 : i32
    %dma_start3A_95 = arith.constant 0 : i32
    %dma_start3A_96 = tpu.memref_slice %arg6[%dma_start3A_93, %dma_start3A_94, %dma_start3A_95] : memref<2x96x512xf32, #tpu.memory_space<vmem>> -> memref<1x96x512xf32, #tpu.memory_space<vmem>>
    %dma_start3A_97 = tpu.memref_squeeze %dma_start3A_96 : memref<1x96x512xf32, #tpu.memory_space<vmem>> -> memref<96x512xf32, #tpu.memory_space<vmem>>
    %dma_start3A_98 = arith.constant 0 : i32
    %dma_start3A_99 = tpu.memref_slice %arg5[%dma_start3A_92, %dma_start3A_98] : memref<17x96xi32, #tpu.memory_space<vmem>> -> memref<1x96xi32, #tpu.memory_space<vmem>>
    %dma_start3A_100 = tpu.memref_squeeze %dma_start3A_99 : memref<1x96xi32, #tpu.memory_space<vmem>> -> memref<96xi32, #tpu.memory_space<vmem>>
    %dma_start3A_101 = arith.constant 0 : i32
    %dma_start3A_102 = arith.constant 0 : i32
    %dma_start3A_103 = tpu.memref_slice %arg2[%dma_start3A_101, %dma_start3A_102] : memref<1160x512xf32, #tpu.memory_space<hbm>> -> memref<1160x512xf32, #tpu.memory_space<hbm>>
    tpu.enqueue_indirect_dma source(%dma_start3A_103 : memref<1160x512xf32, #tpu.memory_space<hbm>>) target(%dma_start3A_97 : memref<96x512xf32, #tpu.memory_space<vmem>>) offsets(%dma_start3A_100 : memref<96xi32, #tpu.memory_space<vmem>>) semaphore(%arg7 : memref<!tpu.dma_semaphore, #tpu.memory_space<semaphore_mem>>)
    %dma_wait3A_104 = arith.constant 2 : i32
    %dma_wait3A_105 = arith.constant 0 : i32
    %dma_wait3A_106 = arith.constant 0 : i32
    %dma_wait3A_107 = arith.constant 0 : i32
    %dma_wait3A_108 = tpu.memref_slice %arg6[%dma_wait3A_105, %dma_wait3A_106, %dma_wait3A_107] : memref<2x96x512xf32, #tpu.memory_space<vmem>> -> memref<1x96x512xf32, #tpu.memory_space<vmem>>
    %dma_wait3A_109 = tpu.memref_squeeze %dma_wait3A_108 : memref<1x96x512xf32, #tpu.memory_space<vmem>> -> memref<96x512xf32, #tpu.memory_space<vmem>>
    %dma_wait3A_110 = arith.constant 0 : i32
    %dma_wait3A_111 = tpu.memref_slice %arg5[%dma_wait3A_104, %dma_wait3A_110] : memref<17x96xi32, #tpu.memory_space<vmem>> -> memref<1x96xi32, #tpu.memory_space<vmem>>
    %dma_wait3A_112 = tpu.memref_squeeze %dma_wait3A_111 : memref<1x96xi32, #tpu.memory_space<vmem>> -> memref<96xi32, #tpu.memory_space<vmem>>
    %dma_wait3A_113 = arith.constant 0 : i32
    %dma_wait3A_114 = arith.constant 0 : i32
    %dma_wait3A_115 = tpu.memref_slice %arg2[%dma_wait3A_113, %dma_wait3A_114] : memref<1160x512xf32, #tpu.memory_space<hbm>> -> memref<1160x512xf32, #tpu.memory_space<hbm>>
    tpu.wait_indirect_dma semaphore(%arg7 : memref<!tpu.dma_semaphore, #tpu.memory_space<semaphore_mem>>) src(%dma_wait3A_115 : memref<1160x512xf32, #tpu.memory_space<hbm>>) dst(%dma_wait3A_109 : memref<96x512xf32, #tpu.memory_space<vmem>>)
    %add3A_116 = arith.constant 192 : i32
    %add3A_117 = arith.addi %mul3A_2, %add3A_116 : i32
    %dma_start3A_118 = arith.constant 0 : i32
    %dma_start3A_119 = arith.constant 0 : i32
    %dma_start3A_120 = arith.constant 0 : i32
    %dma_start3A_121 = tpu.memref_slice %arg6[%dma_start3A_118, %dma_start3A_119, %dma_start3A_120] : memref<2x96x512xf32, #tpu.memory_space<vmem>> -> memref<1x96x512xf32, #tpu.memory_space<vmem>>
    %dma_start3A_122 = tpu.memref_squeeze %dma_start3A_121 : memref<1x96x512xf32, #tpu.memory_space<vmem>> -> memref<96x512xf32, #tpu.memory_space<vmem>>
    %dma_start3A_123 = arith.constant 0 : i32
    %dma_start3A_124 = tpu.memref_slice %arg4[%add3A_117, %dma_start3A_123] : memref<52224x512xf32, #tpu.memory_space<hbm>> -> memref<96x512xf32, #tpu.memory_space<hbm>>
    %dma_start3A_125 = arith.constant 0 : i32
    %dma_start3A_126 = tpu.memref_slice %arg4[%add3A_117, %dma_start3A_125] : memref<52224x512xf32, #tpu.memory_space<hbm>> -> memref<96x512xf32, #tpu.memory_space<hbm>>
    %dma_start3A_127 = arith.constant 0 : i32
    %dma_start3A_128 = arith.constant 0 : i32
    %dma_start3A_129 = tpu.memref_slice %arg6[%dma_start3A_118, %dma_start3A_127, %dma_start3A_128] : memref<2x96x512xf32, #tpu.memory_space<vmem>> -> memref<1x96x512xf32, #tpu.memory_space<vmem>>
    %dma_start3A_130 = tpu.memref_squeeze %dma_start3A_129 : memref<1x96x512xf32, #tpu.memory_space<vmem>> -> memref<96x512xf32, #tpu.memory_space<vmem>>
    tpu.enqueue_dma source(%dma_start3A_130 : memref<96x512xf32, #tpu.memory_space<vmem>>) target(%dma_start3A_126 : memref<96x512xf32, #tpu.memory_space<hbm>>) target_semaphore(%arg8 : memref<!tpu.dma_semaphore, #tpu.memory_space<semaphore_mem>>)
    %dma_wait3A_131 = arith.constant 1 : i32
    %dma_wait3A_132 = arith.constant 0 : i32
    %dma_wait3A_133 = arith.constant 0 : i32
    %dma_wait3A_134 = tpu.memref_slice %arg6[%dma_wait3A_131, %dma_wait3A_132, %dma_wait3A_133] : memref<2x96x512xf32, #tpu.memory_space<vmem>> -> memref<1x96x512xf32, #tpu.memory_space<vmem>>
    %dma_wait3A_135 = tpu.memref_squeeze %dma_wait3A_134 : memref<1x96x512xf32, #tpu.memory_space<vmem>> -> memref<96x512xf32, #tpu.memory_space<vmem>>
    %dma_wait3A_136 = arith.constant 0 : i32
    %dma_wait3A_137 = tpu.memref_slice %arg4[%add3A_65, %dma_wait3A_136] : memref<52224x512xf32, #tpu.memory_space<hbm>> -> memref<96x512xf32, #tpu.memory_space<hbm>>
    %dma_wait3A_138 = arith.constant 0 : i32
    %dma_wait3A_139 = tpu.memref_slice %arg4[%add3A_65, %dma_wait3A_138] : memref<52224x512xf32, #tpu.memory_space<hbm>> -> memref<96x512xf32, #tpu.memory_space<hbm>>
    %dma_wait3A_140 = arith.constant 0 : i32
    %dma_wait3A_141 = arith.constant 0 : i32
    %dma_wait3A_142 = tpu.memref_slice %arg6[%dma_wait3A_131, %dma_wait3A_140, %dma_wait3A_141] : memref<2x96x512xf32, #tpu.memory_space<vmem>> -> memref<1x96x512xf32, #tpu.memory_space<vmem>>
    %dma_wait3A_143 = tpu.memref_squeeze %dma_wait3A_142 : memref<1x96x512xf32, #tpu.memory_space<vmem>> -> memref<96x512xf32, #tpu.memory_space<vmem>>
    tpu.wait_dma2 semaphore(%arg8 : memref<!tpu.dma_semaphore, #tpu.memory_space<semaphore_mem>>) src(%dma_wait3A_143 : memref<96x512xf32, #tpu.memory_space<vmem>>) dst(%dma_wait3A_139 : memref<96x512xf32, #tpu.memory_space<hbm>>)
    %dma_start3A_144 = arith.constant 3 : i32
    %dma_start3A_145 = arith.constant 1 : i32
    %dma_start3A_146 = arith.constant 0 : i32
    %dma_start3A_147 = arith.constant 0 : i32
    %dma_start3A_148 = tpu.memref_slice %arg6[%dma_start3A_145, %dma_start3A_146, %dma_start3A_147] : memref<2x96x512xf32, #tpu.memory_space<vmem>> -> memref<1x96x512xf32, #tpu.memory_space<vmem>>
    %dma_start3A_149 = tpu.memref_squeeze %dma_start3A_148 : memref<1x96x512xf32, #tpu.memory_space<vmem>> -> memref<96x512xf32, #tpu.memory_space<vmem>>
    %dma_start3A_150 = arith.constant 0 : i32
    %dma_start3A_151 = tpu.memref_slice %arg5[%dma_start3A_144, %dma_start3A_150] : memref<17x96xi32, #tpu.memory_space<vmem>> -> memref<1x96xi32, #tpu.memory_space<vmem>>
    %dma_start3A_152 = tpu.memref_squeeze %dma_start3A_151 : memref<1x96xi32, #tpu.memory_space<vmem>> -> memref<96xi32, #tpu.memory_space<vmem>>
    %dma_start3A_153 = arith.constant 0 : i32
    %dma_start3A_154 = arith.constant 0 : i32
    %dma_start3A_155 = tpu.memref_slice %arg2[%dma_start3A_153, %dma_start3A_154] : memref<1160x512xf32, #tpu.memory_space<hbm>> -> memref<1160x512xf32, #tpu.memory_space<hbm>>
    tpu.enqueue_indirect_dma source(%dma_start3A_155 : memref<1160x512xf32, #tpu.memory_space<hbm>>) target(%dma_start3A_149 : memref<96x512xf32, #tpu.memory_space<vmem>>) offsets(%dma_start3A_152 : memref<96xi32, #tpu.memory_space<vmem>>) semaphore(%arg7 : memref<!tpu.dma_semaphore, #tpu.memory_space<semaphore_mem>>)
    %dma_wait3A_156 = arith.constant 3 : i32
    %dma_wait3A_157 = arith.constant 1 : i32
    %dma_wait3A_158 = arith.constant 0 : i32
    %dma_wait3A_159 = arith.constant 0 : i32
    %dma_wait3A_160 = tpu.memref_slice %arg6[%dma_wait3A_157, %dma_wait3A_158, %dma_wait3A_159] : memref<2x96x512xf32, #tpu.memory_space<vmem>> -> memref<1x96x512xf32, #tpu.memory_space<vmem>>
    %dma_wait3A_161 = tpu.memref_squeeze %dma_wait3A_160 : memref<1x96x512xf32, #tpu.memory_space<vmem>> -> memref<96x512xf32, #tpu.memory_space<vmem>>
    %dma_wait3A_162 = arith.constant 0 : i32
    %dma_wait3A_163 = tpu.memref_slice %arg5[%dma_wait3A_156, %dma_wait3A_162] : memref<17x96xi32, #tpu.memory_space<vmem>> -> memref<1x96xi32, #tpu.memory_space<vmem>>
    %dma_wait3A_164 = tpu.memref_squeeze %dma_wait3A_163 : memref<1x96xi32, #tpu.memory_space<vmem>> -> memref<96xi32, #tpu.memory_space<vmem>>
    %dma_wait3A_165 = arith.constant 0 : i32
    %dma_wait3A_166 = arith.constant 0 : i32
    %dma_wait3A_167 = tpu.memref_slice %arg2[%dma_wait3A_165, %dma_wait3A_166] : memref<1160x512xf32, #tpu.memory_space<hbm>> -> memref<1160x512xf32, #tpu.memory_space<hbm>>
    tpu.wait_indirect_dma semaphore(%arg7 : memref<!tpu.dma_semaphore, #tpu.memory_space<semaphore_mem>>) src(%dma_wait3A_167 : memref<1160x512xf32, #tpu.memory_space<hbm>>) dst(%dma_wait3A_161 : memref<96x512xf32, #tpu.memory_space<vmem>>)
    %add3A_168 = arith.constant 288 : i32
    %add3A_169 = arith.addi %mul3A_2, %add3A_168 : i32
    %dma_start3A_170 = arith.constant 1 : i32
    %dma_start3A_171 = arith.constant 0 : i32
    %dma_start3A_172 = arith.constant 0 : i32
    %dma_start3A_173 = tpu.memref_slice %arg6[%dma_start3A_170, %dma_start3A_171, %dma_start3A_172] : memref<2x96x512xf32, #tpu.memory_space<vmem>> -> memref<1x96x512xf32, #tpu.memory_space<vmem>>
    %dma_start3A_174 = tpu.memref_squeeze %dma_start3A_173 : memref<1x96x512xf32, #tpu.memory_space<vmem>> -> memref<96x512xf32, #tpu.memory_space<vmem>>
    %dma_start3A_175 = arith.constant 0 : i32
    %dma_start3A_176 = tpu.memref_slice %arg4[%add3A_169, %dma_start3A_175] : memref<52224x512xf32, #tpu.memory_space<hbm>> -> memref<96x512xf32, #tpu.memory_space<hbm>>
    %dma_start3A_177 = arith.constant 0 : i32
    %dma_start3A_178 = tpu.memref_slice %arg4[%add3A_169, %dma_start3A_177] : memref<52224x512xf32, #tpu.memory_space<hbm>> -> memref<96x512xf32, #tpu.memory_space<hbm>>
    %dma_start3A_179 = arith.constant 0 : i32
    %dma_start3A_180 = arith.constant 0 : i32
    %dma_start3A_181 = tpu.memref_slice %arg6[%dma_start3A_170, %dma_start3A_179, %dma_start3A_180] : memref<2x96x512xf32, #tpu.memory_space<vmem>> -> memref<1x96x512xf32, #tpu.memory_space<vmem>>
    %dma_start3A_182 = tpu.memref_squeeze %dma_start3A_181 : memref<1x96x512xf32, #tpu.memory_space<vmem>> -> memref<96x512xf32, #tpu.memory_space<vmem>>
    tpu.enqueue_dma source(%dma_start3A_182 : memref<96x512xf32, #tpu.memory_space<vmem>>) target(%dma_start3A_178 : memref<96x512xf32, #tpu.memory_space<hbm>>) target_semaphore(%arg8 : memref<!tpu.dma_semaphore, #tpu.memory_space<semaphore_mem>>)
    %dma_wait3A_183 = arith.constant 0 : i32
    %dma_wait3A_184 = arith.constant 0 : i32
    %dma_wait3A_185 = arith.constant 0 : i32
    %dma_wait3A_186 = tpu.memref_slice %arg6[%dma_wait3A_183, %dma_wait3A_184, %dma_wait3A_185] : memref<2x96x512xf32, #tpu.memory_space<vmem>> -> memref<1x96x512xf32, #tpu.memory_space<vmem>>
    %dma_wait3A_187 = tpu.memref_squeeze %dma_wait3A_186 : memref<1x96x512xf32, #tpu.memory_space<vmem>> -> memref<96x512xf32, #tpu.memory_space<vmem>>
    %dma_wait3A_188 = arith.constant 0 : i32
    %dma_wait3A_189 = tpu.memref_slice %arg4[%add3A_117, %dma_wait3A_188] : memref<52224x512xf32, #tpu.memory_space<hbm>> -> memref<96x512xf32, #tpu.memory_space<hbm>>
    %dma_wait3A_190 = arith.constant 0 : i32
    %dma_wait3A_191 = tpu.memref_slice %arg4[%add3A_117, %dma_wait3A_190] : memref<52224x512xf32, #tpu.memory_space<hbm>> -> memref<96x512xf32, #tpu.memory_space<hbm>>
    %dma_wait3A_192 = arith.constant 0 : i32
    %dma_wait3A_193 = arith.constant 0 : i32
    %dma_wait3A_194 = tpu.memref_slice %arg6[%dma_wait3A_183, %dma_wait3A_192, %dma_wait3A_193] : memref<2x96x512xf32, #tpu.memory_space<vmem>> -> memref<1x96x512xf32, #tpu.memory_space<vmem>>
    %dma_wait3A_195 = tpu.memref_squeeze %dma_wait3A_194 : memref<1x96x512xf32, #tpu.memory_space<vmem>> -> memref<96x512xf32, #tpu.memory_space<vmem>>
    tpu.wait_dma2 semaphore(%arg8 : memref<!tpu.dma_semaphore, #tpu.memory_space<semaphore_mem>>) src(%dma_wait3A_195 : memref<96x512xf32, #tpu.memory_space<vmem>>) dst(%dma_wait3A_191 : memref<96x512xf32, #tpu.memory_space<hbm>>)
    %dma_start3A_196 = arith.constant 4 : i32
    %dma_start3A_197 = arith.constant 0 : i32
    %dma_start3A_198 = arith.constant 0 : i32
    %dma_start3A_199 = arith.constant 0 : i32
    %dma_start3A_200 = tpu.memref_slice %arg6[%dma_start3A_197, %dma_start3A_198, %dma_start3A_199] : memref<2x96x512xf32, #tpu.memory_space<vmem>> -> memref<1x96x512xf32, #tpu.memory_space<vmem>>
    %dma_start3A_201 = tpu.memref_squeeze %dma_start3A_200 : memref<1x96x512xf32, #tpu.memory_space<vmem>> -> memref<96x512xf32, #tpu.memory_space<vmem>>
    %dma_start3A_202 = arith.constant 0 : i32
    %dma_start3A_203 = tpu.memref_slice %arg5[%dma_start3A_196, %dma_start3A_202] : memref<17x96xi32, #tpu.memory_space<vmem>> -> memref<1x96xi32, #tpu.memory_space<vmem>>
    %dma_start3A_204 = tpu.memref_squeeze %dma_start3A_203 : memref<1x96xi32, #tpu.memory_space<vmem>> -> memref<96xi32, #tpu.memory_space<vmem>>
    %dma_start3A_205 = arith.constant 0 : i32
    %dma_start3A_206 = arith.constant 0 : i32
    %dma_start3A_207 = tpu.memref_slice %arg2[%dma_start3A_205, %dma_start3A_206] : memref<1160x512xf32, #tpu.memory_space<hbm>> -> memref<1160x512xf32, #tpu.memory_space<hbm>>
    tpu.enqueue_indirect_dma source(%dma_start3A_207 : memref<1160x512xf32, #tpu.memory_space<hbm>>) target(%dma_start3A_201 : memref<96x512xf32, #tpu.memory_space<vmem>>) offsets(%dma_start3A_204 : memref<96xi32, #tpu.memory_space<vmem>>) semaphore(%arg7 : memref<!tpu.dma_semaphore, #tpu.memory_space<semaphore_mem>>)
    %dma_wait3A_208 = arith.constant 4 : i32
    %dma_wait3A_209 = arith.constant 0 : i32
    %dma_wait3A_210 = arith.constant 0 : i32
    %dma_wait3A_211 = arith.constant 0 : i32
    %dma_wait3A_212 = tpu.memref_slice %arg6[%dma_wait3A_209, %dma_wait3A_210, %dma_wait3A_211] : memref<2x96x512xf32, #tpu.memory_space<vmem>> -> memref<1x96x512xf32, #tpu.memory_space<vmem>>
    %dma_wait3A_213 = tpu.memref_squeeze %dma_wait3A_212 : memref<1x96x512xf32, #tpu.memory_space<vmem>> -> memref<96x512xf32, #tpu.memory_space<vmem>>
    %dma_wait3A_214 = arith.constant 0 : i32
    %dma_wait3A_215 = tpu.memref_slice %arg5[%dma_wait3A_208, %dma_wait3A_214] : memref<17x96xi32, #tpu.memory_space<vmem>> -> memref<1x96xi32, #tpu.memory_space<vmem>>
    %dma_wait3A_216 = tpu.memref_squeeze %dma_wait3A_215 : memref<1x96xi32, #tpu.memory_space<vmem>> -> memref<96xi32, #tpu.memory_space<vmem>>
    %dma_wait3A_217 = arith.constant 0 : i32
    %dma_wait3A_218 = arith.constant 0 : i32
    %dma_wait3A_219 = tpu.memref_slice %arg2[%dma_wait3A_217, %dma_wait3A_218] : memref<1160x512xf32, #tpu.memory_space<hbm>> -> memref<1160x512xf32, #tpu.memory_space<hbm>>
    tpu.wait_indirect_dma semaphore(%arg7 : memref<!tpu.dma_semaphore, #tpu.memory_space<semaphore_mem>>) src(%dma_wait3A_219 : memref<1160x512xf32, #tpu.memory_space<hbm>>) dst(%dma_wait3A_213 : memref<96x512xf32, #tpu.memory_space<vmem>>)
    %add3A_220 = arith.constant 384 : i32
    %add3A_221 = arith.addi %mul3A_2, %add3A_220 : i32
    %dma_start3A_222 = arith.constant 0 : i32
    %dma_start3A_223 = arith.constant 0 : i32
    %dma_start3A_224 = arith.constant 0 : i32
    %dma_start3A_225 = tpu.memref_slice %arg6[%dma_start3A_222, %dma_start3A_223, %dma_start3A_224] : memref<2x96x512xf32, #tpu.memory_space<vmem>> -> memref<1x96x512xf32, #tpu.memory_space<vmem>>
    %dma_start3A_226 = tpu.memref_squeeze %dma_start3A_225 : memref<1x96x512xf32, #tpu.memory_space<vmem>> -> memref<96x512xf32, #tpu.memory_space<vmem>>
    %dma_start3A_227 = arith.constant 0 : i32
    %dma_start3A_228 = tpu.memref_slice %arg4[%add3A_221, %dma_start3A_227] : memref<52224x512xf32, #tpu.memory_space<hbm>> -> memref<96x512xf32, #tpu.memory_space<hbm>>
    %dma_start3A_229 = arith.constant 0 : i32
    %dma_start3A_230 = tpu.memref_slice %arg4[%add3A_221, %dma_start3A_229] : memref<52224x512xf32, #tpu.memory_space<hbm>> -> memref<96x512xf32, #tpu.memory_space<hbm>>
    %dma_start3A_231 = arith.constant 0 : i32
    %dma_start3A_232 = arith.constant 0 : i32
    %dma_start3A_233 = tpu.memref_slice %arg6[%dma_start3A_222, %dma_start3A_231, %dma_start3A_232] : memref<2x96x512xf32, #tpu.memory_space<vmem>> -> memref<1x96x512xf32, #tpu.memory_space<vmem>>
    %dma_start3A_234 = tpu.memref_squeeze %dma_start3A_233 : memref<1x96x512xf32, #tpu.memory_space<vmem>> -> memref<96x512xf32, #tpu.memory_space<vmem>>
    tpu.enqueue_dma source(%dma_start3A_234 : memref<96x512xf32, #tpu.memory_space<vmem>>) target(%dma_start3A_230 : memref<96x512xf32, #tpu.memory_space<hbm>>) target_semaphore(%arg8 : memref<!tpu.dma_semaphore, #tpu.memory_space<semaphore_mem>>)
    %dma_wait3A_235 = arith.constant 1 : i32
    %dma_wait3A_236 = arith.constant 0 : i32
    %dma_wait3A_237 = arith.constant 0 : i32
    %dma_wait3A_238 = tpu.memref_slice %arg6[%dma_wait3A_235, %dma_wait3A_236, %dma_wait3A_237] : memref<2x96x512xf32, #tpu.memory_space<vmem>> -> memref<1x96x512xf32, #tpu.memory_space<vmem>>
    %dma_wait3A_239 = tpu.memref_squeeze %dma_wait3A_238 : memref<1x96x512xf32, #tpu.memory_space<vmem>> -> memref<96x512xf32, #tpu.memory_space<vmem>>
    %dma_wait3A_240 = arith.constant 0 : i32
    %dma_wait3A_241 = tpu.memref_slice %arg4[%add3A_169, %dma_wait3A_240] : memref<52224x512xf32, #tpu.memory_space<hbm>> -> memref<96x512xf32, #tpu.memory_space<hbm>>
    %dma_wait3A_242 = arith.constant 0 : i32
    %dma_wait3A_243 = tpu.memref_slice %arg4[%add3A_169, %dma_wait3A_242] : memref<52224x512xf32, #tpu.memory_space<hbm>> -> memref<96x512xf32, #tpu.memory_space<hbm>>
    %dma_wait3A_244 = arith.constant 0 : i32
    %dma_wait3A_245 = arith.constant 0 : i32
    %dma_wait3A_246 = tpu.memref_slice %arg6[%dma_wait3A_235, %dma_wait3A_244, %dma_wait3A_245] : memref<2x96x512xf32, #tpu.memory_space<vmem>> -> memref<1x96x512xf32, #tpu.memory_space<vmem>>
    %dma_wait3A_247 = tpu.memref_squeeze %dma_wait3A_246 : memref<1x96x512xf32, #tpu.memory_space<vmem>> -> memref<96x512xf32, #tpu.memory_space<vmem>>
    tpu.wait_dma2 semaphore(%arg8 : memref<!tpu.dma_semaphore, #tpu.memory_space<semaphore_mem>>) src(%dma_wait3A_247 : memref<96x512xf32, #tpu.memory_space<vmem>>) dst(%dma_wait3A_243 : memref<96x512xf32, #tpu.memory_space<hbm>>)
    %dma_start3A_248 = arith.constant 5 : i32
    %dma_start3A_249 = arith.constant 1 : i32
    %dma_start3A_250 = arith.constant 0 : i32
    %dma_start3A_251 = arith.constant 0 : i32
    %dma_start3A_252 = tpu.memref_slice %arg6[%dma_start3A_249, %dma_start3A_250, %dma_start3A_251] : memref<2x96x512xf32, #tpu.memory_space<vmem>> -> memref<1x96x512xf32, #tpu.memory_space<vmem>>
    %dma_start3A_253 = tpu.memref_squeeze %dma_start3A_252 : memref<1x96x512xf32, #tpu.memory_space<vmem>> -> memref<96x512xf32, #tpu.memory_space<vmem>>
    %dma_start3A_254 = arith.constant 0 : i32
    %dma_start3A_255 = tpu.memref_slice %arg5[%dma_start3A_248, %dma_start3A_254] : memref<17x96xi32, #tpu.memory_space<vmem>> -> memref<1x96xi32, #tpu.memory_space<vmem>>
    %dma_start3A_256 = tpu.memref_squeeze %dma_start3A_255 : memref<1x96xi32, #tpu.memory_space<vmem>> -> memref<96xi32, #tpu.memory_space<vmem>>
    %dma_start3A_257 = arith.constant 0 : i32
    %dma_start3A_258 = arith.constant 0 : i32
    %dma_start3A_259 = tpu.memref_slice %arg2[%dma_start3A_257, %dma_start3A_258] : memref<1160x512xf32, #tpu.memory_space<hbm>> -> memref<1160x512xf32, #tpu.memory_space<hbm>>
    tpu.enqueue_indirect_dma source(%dma_start3A_259 : memref<1160x512xf32, #tpu.memory_space<hbm>>) target(%dma_start3A_253 : memref<96x512xf32, #tpu.memory_space<vmem>>) offsets(%dma_start3A_256 : memref<96xi32, #tpu.memory_space<vmem>>) semaphore(%arg7 : memref<!tpu.dma_semaphore, #tpu.memory_space<semaphore_mem>>)
    %dma_wait3A_260 = arith.constant 5 : i32
    %dma_wait3A_261 = arith.constant 1 : i32
    %dma_wait3A_262 = arith.constant 0 : i32
    %dma_wait3A_263 = arith.constant 0 : i32
    %dma_wait3A_264 = tpu.memref_slice %arg6[%dma_wait3A_261, %dma_wait3A_262, %dma_wait3A_263] : memref<2x96x512xf32, #tpu.memory_space<vmem>> -> memref<1x96x512xf32, #tpu.memory_space<vmem>>
    %dma_wait3A_265 = tpu.memref_squeeze %dma_wait3A_264 : memref<1x96x512xf32, #tpu.memory_space<vmem>> -> memref<96x512xf32, #tpu.memory_space<vmem>>
    %dma_wait3A_266 = arith.constant 0 : i32
    %dma_wait3A_267 = tpu.memref_slice %arg5[%dma_wait3A_260, %dma_wait3A_266] : memref<17x96xi32, #tpu.memory_space<vmem>> -> memref<1x96xi32, #tpu.memory_space<vmem>>
    %dma_wait3A_268 = tpu.memref_squeeze %dma_wait3A_267 : memref<1x96xi32, #tpu.memory_space<vmem>> -> memref<96xi32, #tpu.memory_space<vmem>>
    %dma_wait3A_269 = arith.constant 0 : i32
    %dma_wait3A_270 = arith.constant 0 : i32
    %dma_wait3A_271 = tpu.memref_slice %arg2[%dma_wait3A_269, %dma_wait3A_270] : memref<1160x512xf32, #tpu.memory_space<hbm>> -> memref<1160x512xf32, #tpu.memory_space<hbm>>
    tpu.wait_indirect_dma semaphore(%arg7 : memref<!tpu.dma_semaphore, #tpu.memory_space<semaphore_mem>>) src(%dma_wait3A_271 : memref<1160x512xf32, #tpu.memory_space<hbm>>) dst(%dma_wait3A_265 : memref<96x512xf32, #tpu.memory_space<vmem>>)
    %add3A_272 = arith.constant 480 : i32
    %add3A_273 = arith.addi %mul3A_2, %add3A_272 : i32
    %dma_start3A_274 = arith.constant 1 : i32
    %dma_start3A_275 = arith.constant 0 : i32
    %dma_start3A_276 = arith.constant 0 : i32
    %dma_start3A_277 = tpu.memref_slice %arg6[%dma_start3A_274, %dma_start3A_275, %dma_start3A_276] : memref<2x96x512xf32, #tpu.memory_space<vmem>> -> memref<1x96x512xf32, #tpu.memory_space<vmem>>
    %dma_start3A_278 = tpu.memref_squeeze %dma_start3A_277 : memref<1x96x512xf32, #tpu.memory_space<vmem>> -> memref<96x512xf32, #tpu.memory_space<vmem>>
    %dma_start3A_279 = arith.constant 0 : i32
    %dma_start3A_280 = tpu.memref_slice %arg4[%add3A_273, %dma_start3A_279] : memref<52224x512xf32, #tpu.memory_space<hbm>> -> memref<96x512xf32, #tpu.memory_space<hbm>>
    %dma_start3A_281 = arith.constant 0 : i32
    %dma_start3A_282 = tpu.memref_slice %arg4[%add3A_273, %dma_start3A_281] : memref<52224x512xf32, #tpu.memory_space<hbm>> -> memref<96x512xf32, #tpu.memory_space<hbm>>
    %dma_start3A_283 = arith.constant 0 : i32
    %dma_start3A_284 = arith.constant 0 : i32
    %dma_start3A_285 = tpu.memref_slice %arg6[%dma_start3A_274, %dma_start3A_283, %dma_start3A_284] : memref<2x96x512xf32, #tpu.memory_space<vmem>> -> memref<1x96x512xf32, #tpu.memory_space<vmem>>
    %dma_start3A_286 = tpu.memref_squeeze %dma_start3A_285 : memref<1x96x512xf32, #tpu.memory_space<vmem>> -> memref<96x512xf32, #tpu.memory_space<vmem>>
    tpu.enqueue_dma source(%dma_start3A_286 : memref<96x512xf32, #tpu.memory_space<vmem>>) target(%dma_start3A_282 : memref<96x512xf32, #tpu.memory_space<hbm>>) target_semaphore(%arg8 : memref<!tpu.dma_semaphore, #tpu.memory_space<semaphore_mem>>)
    %dma_wait3A_287 = arith.constant 0 : i32
    %dma_wait3A_288 = arith.constant 0 : i32
    %dma_wait3A_289 = arith.constant 0 : i32
    %dma_wait3A_290 = tpu.memref_slice %arg6[%dma_wait3A_287, %dma_wait3A_288, %dma_wait3A_289] : memref<2x96x512xf32, #tpu.memory_space<vmem>> -> memref<1x96x512xf32, #tpu.memory_space<vmem>>
    %dma_wait3A_291 = tpu.memref_squeeze %dma_wait3A_290 : memref<1x96x512xf32, #tpu.memory_space<vmem>> -> memref<96x512xf32, #tpu.memory_space<vmem>>
    %dma_wait3A_292 = arith.constant 0 : i32
    %dma_wait3A_293 = tpu.memref_slice %arg4[%add3A_221, %dma_wait3A_292] : memref<52224x512xf32, #tpu.memory_space<hbm>> -> memref<96x512xf32, #tpu.memory_space<hbm>>
    %dma_wait3A_294 = arith.constant 0 : i32
    %dma_wait3A_295 = tpu.memref_slice %arg4[%add3A_221, %dma_wait3A_294] : memref<52224x512xf32, #tpu.memory_space<hbm>> -> memref<96x512xf32, #tpu.memory_space<hbm>>
    %dma_wait3A_296 = arith.constant 0 : i32
    %dma_wait3A_297 = arith.constant 0 : i32
    %dma_wait3A_298 = tpu.memref_slice %arg6[%dma_wait3A_287, %dma_wait3A_296, %dma_wait3A_297] : memref<2x96x512xf32, #tpu.memory_space<vmem>> -> memref<1x96x512xf32, #tpu.memory_space<vmem>>
    %dma_wait3A_299 = tpu.memref_squeeze %dma_wait3A_298 : memref<1x96x512xf32, #tpu.memory_space<vmem>> -> memref<96x512xf32, #tpu.memory_space<vmem>>
    tpu.wait_dma2 semaphore(%arg8 : memref<!tpu.dma_semaphore, #tpu.memory_space<semaphore_mem>>) src(%dma_wait3A_299 : memref<96x512xf32, #tpu.memory_space<vmem>>) dst(%dma_wait3A_295 : memref<96x512xf32, #tpu.memory_space<hbm>>)
    %dma_start3A_300 = arith.constant 6 : i32
    %dma_start3A_301 = arith.constant 0 : i32
    %dma_start3A_302 = arith.constant 0 : i32
    %dma_start3A_303 = arith.constant 0 : i32
    %dma_start3A_304 = tpu.memref_slice %arg6[%dma_start3A_301, %dma_start3A_302, %dma_start3A_303] : memref<2x96x512xf32, #tpu.memory_space<vmem>> -> memref<1x96x512xf32, #tpu.memory_space<vmem>>
    %dma_start3A_305 = tpu.memref_squeeze %dma_start3A_304 : memref<1x96x512xf32, #tpu.memory_space<vmem>> -> memref<96x512xf32, #tpu.memory_space<vmem>>
    %dma_start3A_306 = arith.constant 0 : i32
    %dma_start3A_307 = tpu.memref_slice %arg5[%dma_start3A_300, %dma_start3A_306] : memref<17x96xi32, #tpu.memory_space<vmem>> -> memref<1x96xi32, #tpu.memory_space<vmem>>
    %dma_start3A_308 = tpu.memref_squeeze %dma_start3A_307 : memref<1x96xi32, #tpu.memory_space<vmem>> -> memref<96xi32, #tpu.memory_space<vmem>>
    %dma_start3A_309 = arith.constant 0 : i32
    %dma_start3A_310 = arith.constant 0 : i32
    %dma_start3A_311 = tpu.memref_slice %arg2[%dma_start3A_309, %dma_start3A_310] : memref<1160x512xf32, #tpu.memory_space<hbm>> -> memref<1160x512xf32, #tpu.memory_space<hbm>>
    tpu.enqueue_indirect_dma source(%dma_start3A_311 : memref<1160x512xf32, #tpu.memory_space<hbm>>) target(%dma_start3A_305 : memref<96x512xf32, #tpu.memory_space<vmem>>) offsets(%dma_start3A_308 : memref<96xi32, #tpu.memory_space<vmem>>) semaphore(%arg7 : memref<!tpu.dma_semaphore, #tpu.memory_space<semaphore_mem>>)
    %dma_wait3A_312 = arith.constant 6 : i32
    %dma_wait3A_313 = arith.constant 0 : i32
    %dma_wait3A_314 = arith.constant 0 : i32
    %dma_wait3A_315 = arith.constant 0 : i32
    %dma_wait3A_316 = tpu.memref_slice %arg6[%dma_wait3A_313, %dma_wait3A_314, %dma_wait3A_315] : memref<2x96x512xf32, #tpu.memory_space<vmem>> -> memref<1x96x512xf32, #tpu.memory_space<vmem>>
    %dma_wait3A_317 = tpu.memref_squeeze %dma_wait3A_316 : memref<1x96x512xf32, #tpu.memory_space<vmem>> -> memref<96x512xf32, #tpu.memory_space<vmem>>
    %dma_wait3A_318 = arith.constant 0 : i32
    %dma_wait3A_319 = tpu.memref_slice %arg5[%dma_wait3A_312, %dma_wait3A_318] : memref<17x96xi32, #tpu.memory_space<vmem>> -> memref<1x96xi32, #tpu.memory_space<vmem>>
    %dma_wait3A_320 = tpu.memref_squeeze %dma_wait3A_319 : memref<1x96xi32, #tpu.memory_space<vmem>> -> memref<96xi32, #tpu.memory_space<vmem>>
    %dma_wait3A_321 = arith.constant 0 : i32
    %dma_wait3A_322 = arith.constant 0 : i32
    %dma_wait3A_323 = tpu.memref_slice %arg2[%dma_wait3A_321, %dma_wait3A_322] : memref<1160x512xf32, #tpu.memory_space<hbm>> -> memref<1160x512xf32, #tpu.memory_space<hbm>>
    tpu.wait_indirect_dma semaphore(%arg7 : memref<!tpu.dma_semaphore, #tpu.memory_space<semaphore_mem>>) src(%dma_wait3A_323 : memref<1160x512xf32, #tpu.memory_space<hbm>>) dst(%dma_wait3A_317 : memref<96x512xf32, #tpu.memory_space<vmem>>)
    %add3A_324 = arith.constant 576 : i32
    %add3A_325 = arith.addi %mul3A_2, %add3A_324 : i32
    %dma_start3A_326 = arith.constant 0 : i32
    %dma_start3A_327 = arith.constant 0 : i32
    %dma_start3A_328 = arith.constant 0 : i32
    %dma_start3A_329 = tpu.memref_slice %arg6[%dma_start3A_326, %dma_start3A_327, %dma_start3A_328] : memref<2x96x512xf32, #tpu.memory_space<vmem>> -> memref<1x96x512xf32, #tpu.memory_space<vmem>>
    %dma_start3A_330 = tpu.memref_squeeze %dma_start3A_329 : memref<1x96x512xf32, #tpu.memory_space<vmem>> -> memref<96x512xf32, #tpu.memory_space<vmem>>
    %dma_start3A_331 = arith.constant 0 : i32
    %dma_start3A_332 = tpu.memref_slice %arg4[%add3A_325, %dma_start3A_331] : memref<52224x512xf32, #tpu.memory_space<hbm>> -> memref<96x512xf32, #tpu.memory_space<hbm>>
    %dma_start3A_333 = arith.constant 0 : i32
    %dma_start3A_334 = tpu.memref_slice %arg4[%add3A_325, %dma_start3A_333] : memref<52224x512xf32, #tpu.memory_space<hbm>> -> memref<96x512xf32, #tpu.memory_space<hbm>>
    %dma_start3A_335 = arith.constant 0 : i32
    %dma_start3A_336 = arith.constant 0 : i32
    %dma_start3A_337 = tpu.memref_slice %arg6[%dma_start3A_326, %dma_start3A_335, %dma_start3A_336] : memref<2x96x512xf32, #tpu.memory_space<vmem>> -> memref<1x96x512xf32, #tpu.memory_space<vmem>>
    %dma_start3A_338 = tpu.memref_squeeze %dma_start3A_337 : memref<1x96x512xf32, #tpu.memory_space<vmem>> -> memref<96x512xf32, #tpu.memory_space<vmem>>
    tpu.enqueue_dma source(%dma_start3A_338 : memref<96x512xf32, #tpu.memory_space<vmem>>) target(%dma_start3A_334 : memref<96x512xf32, #tpu.memory_space<hbm>>) target_semaphore(%arg8 : memref<!tpu.dma_semaphore, #tpu.memory_space<semaphore_mem>>)
    %dma_wait3A_339 = arith.constant 1 : i32
    %dma_wait3A_340 = arith.constant 0 : i32
    %dma_wait3A_341 = arith.constant 0 : i32
    %dma_wait3A_342 = tpu.memref_slice %arg6[%dma_wait3A_339, %dma_wait3A_340, %dma_wait3A_341] : memref<2x96x512xf32, #tpu.memory_space<vmem>> -> memref<1x96x512xf32, #tpu.memory_space<vmem>>
    %dma_wait3A_343 = tpu.memref_squeeze %dma_wait3A_342 : memref<1x96x512xf32, #tpu.memory_space<vmem>> -> memref<96x512xf32, #tpu.memory_space<vmem>>
    %dma_wait3A_344 = arith.constant 0 : i32
    %dma_wait3A_345 = tpu.memref_slice %arg4[%add3A_273, %dma_wait3A_344] : memref<52224x512xf32, #tpu.memory_space<hbm>> -> memref<96x512xf32, #tpu.memory_space<hbm>>
    %dma_wait3A_346 = arith.constant 0 : i32
    %dma_wait3A_347 = tpu.memref_slice %arg4[%add3A_273, %dma_wait3A_346] : memref<52224x512xf32, #tpu.memory_space<hbm>> -> memref<96x512xf32, #tpu.memory_space<hbm>>
    %dma_wait3A_348 = arith.constant 0 : i32
    %dma_wait3A_349 = arith.constant 0 : i32
    %dma_wait3A_350 = tpu.memref_slice %arg6[%dma_wait3A_339, %dma_wait3A_348, %dma_wait3A_349] : memref<2x96x512xf32, #tpu.memory_space<vmem>> -> memref<1x96x512xf32, #tpu.memory_space<vmem>>
    %dma_wait3A_351 = tpu.memref_squeeze %dma_wait3A_350 : memref<1x96x512xf32, #tpu.memory_space<vmem>> -> memref<96x512xf32, #tpu.memory_space<vmem>>
    tpu.wait_dma2 semaphore(%arg8 : memref<!tpu.dma_semaphore, #tpu.memory_space<semaphore_mem>>) src(%dma_wait3A_351 : memref<96x512xf32, #tpu.memory_space<vmem>>) dst(%dma_wait3A_347 : memref<96x512xf32, #tpu.memory_space<hbm>>)
    %dma_start3A_352 = arith.constant 7 : i32
    %dma_start3A_353 = arith.constant 1 : i32
    %dma_start3A_354 = arith.constant 0 : i32
    %dma_start3A_355 = arith.constant 0 : i32
    %dma_start3A_356 = tpu.memref_slice %arg6[%dma_start3A_353, %dma_start3A_354, %dma_start3A_355] : memref<2x96x512xf32, #tpu.memory_space<vmem>> -> memref<1x96x512xf32, #tpu.memory_space<vmem>>
    %dma_start3A_357 = tpu.memref_squeeze %dma_start3A_356 : memref<1x96x512xf32, #tpu.memory_space<vmem>> -> memref<96x512xf32, #tpu.memory_space<vmem>>
    %dma_start3A_358 = arith.constant 0 : i32
    %dma_start3A_359 = tpu.memref_slice %arg5[%dma_start3A_352, %dma_start3A_358] : memref<17x96xi32, #tpu.memory_space<vmem>> -> memref<1x96xi32, #tpu.memory_space<vmem>>
    %dma_start3A_360 = tpu.memref_squeeze %dma_start3A_359 : memref<1x96xi32, #tpu.memory_space<vmem>> -> memref<96xi32, #tpu.memory_space<vmem>>
    %dma_start3A_361 = arith.constant 0 : i32
    %dma_start3A_362 = arith.constant 0 : i32
    %dma_start3A_363 = tpu.memref_slice %arg2[%dma_start3A_361, %dma_start3A_362] : memref<1160x512xf32, #tpu.memory_space<hbm>> -> memref<1160x512xf32, #tpu.memory_space<hbm>>
    tpu.enqueue_indirect_dma source(%dma_start3A_363 : memref<1160x512xf32, #tpu.memory_space<hbm>>) target(%dma_start3A_357 : memref<96x512xf32, #tpu.memory_space<vmem>>) offsets(%dma_start3A_360 : memref<96xi32, #tpu.memory_space<vmem>>) semaphore(%arg7 : memref<!tpu.dma_semaphore, #tpu.memory_space<semaphore_mem>>)
    %dma_wait3A_364 = arith.constant 7 : i32
    %dma_wait3A_365 = arith.constant 1 : i32
    %dma_wait3A_366 = arith.constant 0 : i32
    %dma_wait3A_367 = arith.constant 0 : i32
    %dma_wait3A_368 = tpu.memref_slice %arg6[%dma_wait3A_365, %dma_wait3A_366, %dma_wait3A_367] : memref<2x96x512xf32, #tpu.memory_space<vmem>> -> memref<1x96x512xf32, #tpu.memory_space<vmem>>
    %dma_wait3A_369 = tpu.memref_squeeze %dma_wait3A_368 : memref<1x96x512xf32, #tpu.memory_space<vmem>> -> memref<96x512xf32, #tpu.memory_space<vmem>>
    %dma_wait3A_370 = arith.constant 0 : i32
    %dma_wait3A_371 = tpu.memref_slice %arg5[%dma_wait3A_364, %dma_wait3A_370] : memref<17x96xi32, #tpu.memory_space<vmem>> -> memref<1x96xi32, #tpu.memory_space<vmem>>
    %dma_wait3A_372 = tpu.memref_squeeze %dma_wait3A_371 : memref<1x96xi32, #tpu.memory_space<vmem>> -> memref<96xi32, #tpu.memory_space<vmem>>
    %dma_wait3A_373 = arith.constant 0 : i32
    %dma_wait3A_374 = arith.constant 0 : i32
    %dma_wait3A_375 = tpu.memref_slice %arg2[%dma_wait3A_373, %dma_wait3A_374] : memref<1160x512xf32, #tpu.memory_space<hbm>> -> memref<1160x512xf32, #tpu.memory_space<hbm>>
    tpu.wait_indirect_dma semaphore(%arg7 : memref<!tpu.dma_semaphore, #tpu.memory_space<semaphore_mem>>) src(%dma_wait3A_375 : memref<1160x512xf32, #tpu.memory_space<hbm>>) dst(%dma_wait3A_369 : memref<96x512xf32, #tpu.memory_space<vmem>>)
    %add3A_376 = arith.constant 672 : i32
    %add3A_377 = arith.addi %mul3A_2, %add3A_376 : i32
    %dma_start3A_378 = arith.constant 1 : i32
    %dma_start3A_379 = arith.constant 0 : i32
    %dma_start3A_380 = arith.constant 0 : i32
    %dma_start3A_381 = tpu.memref_slice %arg6[%dma_start3A_378, %dma_start3A_379, %dma_start3A_380] : memref<2x96x512xf32, #tpu.memory_space<vmem>> -> memref<1x96x512xf32, #tpu.memory_space<vmem>>
    %dma_start3A_382 = tpu.memref_squeeze %dma_start3A_381 : memref<1x96x512xf32, #tpu.memory_space<vmem>> -> memref<96x512xf32, #tpu.memory_space<vmem>>
    %dma_start3A_383 = arith.constant 0 : i32
    %dma_start3A_384 = tpu.memref_slice %arg4[%add3A_377, %dma_start3A_383] : memref<52224x512xf32, #tpu.memory_space<hbm>> -> memref<96x512xf32, #tpu.memory_space<hbm>>
    %dma_start3A_385 = arith.constant 0 : i32
    %dma_start3A_386 = tpu.memref_slice %arg4[%add3A_377, %dma_start3A_385] : memref<52224x512xf32, #tpu.memory_space<hbm>> -> memref<96x512xf32, #tpu.memory_space<hbm>>
    %dma_start3A_387 = arith.constant 0 : i32
    %dma_start3A_388 = arith.constant 0 : i32
    %dma_start3A_389 = tpu.memref_slice %arg6[%dma_start3A_378, %dma_start3A_387, %dma_start3A_388] : memref<2x96x512xf32, #tpu.memory_space<vmem>> -> memref<1x96x512xf32, #tpu.memory_space<vmem>>
    %dma_start3A_390 = tpu.memref_squeeze %dma_start3A_389 : memref<1x96x512xf32, #tpu.memory_space<vmem>> -> memref<96x512xf32, #tpu.memory_space<vmem>>
    tpu.enqueue_dma source(%dma_start3A_390 : memref<96x512xf32, #tpu.memory_space<vmem>>) target(%dma_start3A_386 : memref<96x512xf32, #tpu.memory_space<hbm>>) target_semaphore(%arg8 : memref<!tpu.dma_semaphore, #tpu.memory_space<semaphore_mem>>)
    %dma_wait3A_391 = arith.constant 0 : i32
    %dma_wait3A_392 = arith.constant 0 : i32
    %dma_wait3A_393 = arith.constant 0 : i32
    %dma_wait3A_394 = tpu.memref_slice %arg6[%dma_wait3A_391, %dma_wait3A_392, %dma_wait3A_393] : memref<2x96x512xf32, #tpu.memory_space<vmem>> -> memref<1x96x512xf32, #tpu.memory_space<vmem>>
    %dma_wait3A_395 = tpu.memref_squeeze %dma_wait3A_394 : memref<1x96x512xf32, #tpu.memory_space<vmem>> -> memref<96x512xf32, #tpu.memory_space<vmem>>
    %dma_wait3A_396 = arith.constant 0 : i32
    %dma_wait3A_397 = tpu.memref_slice %arg4[%add3A_325, %dma_wait3A_396] : memref<52224x512xf32, #tpu.memory_space<hbm>> -> memref<96x512xf32, #tpu.memory_space<hbm>>
    %dma_wait3A_398 = arith.constant 0 : i32
    %dma_wait3A_399 = tpu.memref_slice %arg4[%add3A_325, %dma_wait3A_398] : memref<52224x512xf32, #tpu.memory_space<hbm>> -> memref<96x512xf32, #tpu.memory_space<hbm>>
    %dma_wait3A_400 = arith.constant 0 : i32
    %dma_wait3A_401 = arith.constant 0 : i32
    %dma_wait3A_402 = tpu.memref_slice %arg6[%dma_wait3A_391, %dma_wait3A_400, %dma_wait3A_401] : memref<2x96x512xf32, #tpu.memory_space<vmem>> -> memref<1x96x512xf32, #tpu.memory_space<vmem>>
    %dma_wait3A_403 = tpu.memref_squeeze %dma_wait3A_402 : memref<1x96x512xf32, #tpu.memory_space<vmem>> -> memref<96x512xf32, #tpu.memory_space<vmem>>
    tpu.wait_dma2 semaphore(%arg8 : memref<!tpu.dma_semaphore, #tpu.memory_space<semaphore_mem>>) src(%dma_wait3A_403 : memref<96x512xf32, #tpu.memory_space<vmem>>) dst(%dma_wait3A_399 : memref<96x512xf32, #tpu.memory_space<hbm>>)
    %dma_start3A_404 = arith.constant 8 : i32
    %dma_start3A_405 = arith.constant 0 : i32
    %dma_start3A_406 = arith.constant 0 : i32
    %dma_start3A_407 = arith.constant 0 : i32
    %dma_start3A_408 = tpu.memref_slice %arg6[%dma_start3A_405, %dma_start3A_406, %dma_start3A_407] : memref<2x96x512xf32, #tpu.memory_space<vmem>> -> memref<1x96x512xf32, #tpu.memory_space<vmem>>
    %dma_start3A_409 = tpu.memref_squeeze %dma_start3A_408 : memref<1x96x512xf32, #tpu.memory_space<vmem>> -> memref<96x512xf32, #tpu.memory_space<vmem>>
    %dma_start3A_410 = arith.constant 0 : i32
    %dma_start3A_411 = tpu.memref_slice %arg5[%dma_start3A_404, %dma_start3A_410] : memref<17x96xi32, #tpu.memory_space<vmem>> -> memref<1x96xi32, #tpu.memory_space<vmem>>
    %dma_start3A_412 = tpu.memref_squeeze %dma_start3A_411 : memref<1x96xi32, #tpu.memory_space<vmem>> -> memref<96xi32, #tpu.memory_space<vmem>>
    %dma_start3A_413 = arith.constant 0 : i32
    %dma_start3A_414 = arith.constant 0 : i32
    %dma_start3A_415 = tpu.memref_slice %arg2[%dma_start3A_413, %dma_start3A_414] : memref<1160x512xf32, #tpu.memory_space<hbm>> -> memref<1160x512xf32, #tpu.memory_space<hbm>>
    tpu.enqueue_indirect_dma source(%dma_start3A_415 : memref<1160x512xf32, #tpu.memory_space<hbm>>) target(%dma_start3A_409 : memref<96x512xf32, #tpu.memory_space<vmem>>) offsets(%dma_start3A_412 : memref<96xi32, #tpu.memory_space<vmem>>) semaphore(%arg7 : memref<!tpu.dma_semaphore, #tpu.memory_space<semaphore_mem>>)
    %dma_wait3A_416 = arith.constant 8 : i32
    %dma_wait3A_417 = arith.constant 0 : i32
    %dma_wait3A_418 = arith.constant 0 : i32
    %dma_wait3A_419 = arith.constant 0 : i32
    %dma_wait3A_420 = tpu.memref_slice %arg6[%dma_wait3A_417, %dma_wait3A_418, %dma_wait3A_419] : memref<2x96x512xf32, #tpu.memory_space<vmem>> -> memref<1x96x512xf32, #tpu.memory_space<vmem>>
    %dma_wait3A_421 = tpu.memref_squeeze %dma_wait3A_420 : memref<1x96x512xf32, #tpu.memory_space<vmem>> -> memref<96x512xf32, #tpu.memory_space<vmem>>
    %dma_wait3A_422 = arith.constant 0 : i32
    %dma_wait3A_423 = tpu.memref_slice %arg5[%dma_wait3A_416, %dma_wait3A_422] : memref<17x96xi32, #tpu.memory_space<vmem>> -> memref<1x96xi32, #tpu.memory_space<vmem>>
    %dma_wait3A_424 = tpu.memref_squeeze %dma_wait3A_423 : memref<1x96xi32, #tpu.memory_space<vmem>> -> memref<96xi32, #tpu.memory_space<vmem>>
    %dma_wait3A_425 = arith.constant 0 : i32
    %dma_wait3A_426 = arith.constant 0 : i32
    %dma_wait3A_427 = tpu.memref_slice %arg2[%dma_wait3A_425, %dma_wait3A_426] : memref<1160x512xf32, #tpu.memory_space<hbm>> -> memref<1160x512xf32, #tpu.memory_space<hbm>>
    tpu.wait_indirect_dma semaphore(%arg7 : memref<!tpu.dma_semaphore, #tpu.memory_space<semaphore_mem>>) src(%dma_wait3A_427 : memref<1160x512xf32, #tpu.memory_space<hbm>>) dst(%dma_wait3A_421 : memref<96x512xf32, #tpu.memory_space<vmem>>)
    %add3A_428 = arith.constant 768 : i32
    %add3A_429 = arith.addi %mul3A_2, %add3A_428 : i32
    %dma_start3A_430 = arith.constant 0 : i32
    %dma_start3A_431 = arith.constant 0 : i32
    %dma_start3A_432 = arith.constant 0 : i32
    %dma_start3A_433 = tpu.memref_slice %arg6[%dma_start3A_430, %dma_start3A_431, %dma_start3A_432] : memref<2x96x512xf32, #tpu.memory_space<vmem>> -> memref<1x96x512xf32, #tpu.memory_space<vmem>>
    %dma_start3A_434 = tpu.memref_squeeze %dma_start3A_433 : memref<1x96x512xf32, #tpu.memory_space<vmem>> -> memref<96x512xf32, #tpu.memory_space<vmem>>
    %dma_start3A_435 = arith.constant 0 : i32
    %dma_start3A_436 = tpu.memref_slice %arg4[%add3A_429, %dma_start3A_435] : memref<52224x512xf32, #tpu.memory_space<hbm>> -> memref<96x512xf32, #tpu.memory_space<hbm>>
    %dma_start3A_437 = arith.constant 0 : i32
    %dma_start3A_438 = tpu.memref_slice %arg4[%add3A_429, %dma_start3A_437] : memref<52224x512xf32, #tpu.memory_space<hbm>> -> memref<96x512xf32, #tpu.memory_space<hbm>>
    %dma_start3A_439 = arith.constant 0 : i32
    %dma_start3A_440 = arith.constant 0 : i32
    %dma_start3A_441 = tpu.memref_slice %arg6[%dma_start3A_430, %dma_start3A_439, %dma_start3A_440] : memref<2x96x512xf32, #tpu.memory_space<vmem>> -> memref<1x96x512xf32, #tpu.memory_space<vmem>>
    %dma_start3A_442 = tpu.memref_squeeze %dma_start3A_441 : memref<1x96x512xf32, #tpu.memory_space<vmem>> -> memref<96x512xf32, #tpu.memory_space<vmem>>
    tpu.enqueue_dma source(%dma_start3A_442 : memref<96x512xf32, #tpu.memory_space<vmem>>) target(%dma_start3A_438 : memref<96x512xf32, #tpu.memory_space<hbm>>) target_semaphore(%arg8 : memref<!tpu.dma_semaphore, #tpu.memory_space<semaphore_mem>>)
    %dma_wait3A_443 = arith.constant 1 : i32
    %dma_wait3A_444 = arith.constant 0 : i32
    %dma_wait3A_445 = arith.constant 0 : i32
    %dma_wait3A_446 = tpu.memref_slice %arg6[%dma_wait3A_443, %dma_wait3A_444, %dma_wait3A_445] : memref<2x96x512xf32, #tpu.memory_space<vmem>> -> memref<1x96x512xf32, #tpu.memory_space<vmem>>
    %dma_wait3A_447 = tpu.memref_squeeze %dma_wait3A_446 : memref<1x96x512xf32, #tpu.memory_space<vmem>> -> memref<96x512xf32, #tpu.memory_space<vmem>>
    %dma_wait3A_448 = arith.constant 0 : i32
    %dma_wait3A_449 = tpu.memref_slice %arg4[%add3A_377, %dma_wait3A_448] : memref<52224x512xf32, #tpu.memory_space<hbm>> -> memref<96x512xf32, #tpu.memory_space<hbm>>
    %dma_wait3A_450 = arith.constant 0 : i32
    %dma_wait3A_451 = tpu.memref_slice %arg4[%add3A_377, %dma_wait3A_450] : memref<52224x512xf32, #tpu.memory_space<hbm>> -> memref<96x512xf32, #tpu.memory_space<hbm>>
    %dma_wait3A_452 = arith.constant 0 : i32
    %dma_wait3A_453 = arith.constant 0 : i32
    %dma_wait3A_454 = tpu.memref_slice %arg6[%dma_wait3A_443, %dma_wait3A_452, %dma_wait3A_453] : memref<2x96x512xf32, #tpu.memory_space<vmem>> -> memref<1x96x512xf32, #tpu.memory_space<vmem>>
    %dma_wait3A_455 = tpu.memref_squeeze %dma_wait3A_454 : memref<1x96x512xf32, #tpu.memory_space<vmem>> -> memref<96x512xf32, #tpu.memory_space<vmem>>
    tpu.wait_dma2 semaphore(%arg8 : memref<!tpu.dma_semaphore, #tpu.memory_space<semaphore_mem>>) src(%dma_wait3A_455 : memref<96x512xf32, #tpu.memory_space<vmem>>) dst(%dma_wait3A_451 : memref<96x512xf32, #tpu.memory_space<hbm>>)
    %dma_start3A_456 = arith.constant 9 : i32
    %dma_start3A_457 = arith.constant 1 : i32
    %dma_start3A_458 = arith.constant 0 : i32
    %dma_start3A_459 = arith.constant 0 : i32
    %dma_start3A_460 = tpu.memref_slice %arg6[%dma_start3A_457, %dma_start3A_458, %dma_start3A_459] : memref<2x96x512xf32, #tpu.memory_space<vmem>> -> memref<1x96x512xf32, #tpu.memory_space<vmem>>
    %dma_start3A_461 = tpu.memref_squeeze %dma_start3A_460 : memref<1x96x512xf32, #tpu.memory_space<vmem>> -> memref<96x512xf32, #tpu.memory_space<vmem>>
    %dma_start3A_462 = arith.constant 0 : i32
    %dma_start3A_463 = tpu.memref_slice %arg5[%dma_start3A_456, %dma_start3A_462] : memref<17x96xi32, #tpu.memory_space<vmem>> -> memref<1x96xi32, #tpu.memory_space<vmem>>
    %dma_start3A_464 = tpu.memref_squeeze %dma_start3A_463 : memref<1x96xi32, #tpu.memory_space<vmem>> -> memref<96xi32, #tpu.memory_space<vmem>>
    %dma_start3A_465 = arith.constant 0 : i32
    %dma_start3A_466 = arith.constant 0 : i32
    %dma_start3A_467 = tpu.memref_slice %arg2[%dma_start3A_465, %dma_start3A_466] : memref<1160x512xf32, #tpu.memory_space<hbm>> -> memref<1160x512xf32, #tpu.memory_space<hbm>>
    tpu.enqueue_indirect_dma source(%dma_start3A_467 : memref<1160x512xf32, #tpu.memory_space<hbm>>) target(%dma_start3A_461 : memref<96x512xf32, #tpu.memory_space<vmem>>) offsets(%dma_start3A_464 : memref<96xi32, #tpu.memory_space<vmem>>) semaphore(%arg7 : memref<!tpu.dma_semaphore, #tpu.memory_space<semaphore_mem>>)
    %dma_wait3A_468 = arith.constant 9 : i32
    %dma_wait3A_469 = arith.constant 1 : i32
    %dma_wait3A_470 = arith.constant 0 : i32
    %dma_wait3A_471 = arith.constant 0 : i32
    %dma_wait3A_472 = tpu.memref_slice %arg6[%dma_wait3A_469, %dma_wait3A_470, %dma_wait3A_471] : memref<2x96x512xf32, #tpu.memory_space<vmem>> -> memref<1x96x512xf32, #tpu.memory_space<vmem>>
    %dma_wait3A_473 = tpu.memref_squeeze %dma_wait3A_472 : memref<1x96x512xf32, #tpu.memory_space<vmem>> -> memref<96x512xf32, #tpu.memory_space<vmem>>
    %dma_wait3A_474 = arith.constant 0 : i32
    %dma_wait3A_475 = tpu.memref_slice %arg5[%dma_wait3A_468, %dma_wait3A_474] : memref<17x96xi32, #tpu.memory_space<vmem>> -> memref<1x96xi32, #tpu.memory_space<vmem>>
    %dma_wait3A_476 = tpu.memref_squeeze %dma_wait3A_475 : memref<1x96xi32, #tpu.memory_space<vmem>> -> memref<96xi32, #tpu.memory_space<vmem>>
    %dma_wait3A_477 = arith.constant 0 : i32
    %dma_wait3A_478 = arith.constant 0 : i32
    %dma_wait3A_479 = tpu.memref_slice %arg2[%dma_wait3A_477, %dma_wait3A_478] : memref<1160x512xf32, #tpu.memory_space<hbm>> -> memref<1160x512xf32, #tpu.memory_space<hbm>>
    tpu.wait_indirect_dma semaphore(%arg7 : memref<!tpu.dma_semaphore, #tpu.memory_space<semaphore_mem>>) src(%dma_wait3A_479 : memref<1160x512xf32, #tpu.memory_space<hbm>>) dst(%dma_wait3A_473 : memref<96x512xf32, #tpu.memory_space<vmem>>)
    %add3A_480 = arith.constant 864 : i32
    %add3A_481 = arith.addi %mul3A_2, %add3A_480 : i32
    %dma_start3A_482 = arith.constant 1 : i32
    %dma_start3A_483 = arith.constant 0 : i32
    %dma_start3A_484 = arith.constant 0 : i32
    %dma_start3A_485 = tpu.memref_slice %arg6[%dma_start3A_482, %dma_start3A_483, %dma_start3A_484] : memref<2x96x512xf32, #tpu.memory_space<vmem>> -> memref<1x96x512xf32, #tpu.memory_space<vmem>>
    %dma_start3A_486 = tpu.memref_squeeze %dma_start3A_485 : memref<1x96x512xf32, #tpu.memory_space<vmem>> -> memref<96x512xf32, #tpu.memory_space<vmem>>
    %dma_start3A_487 = arith.constant 0 : i32
    %dma_start3A_488 = tpu.memref_slice %arg4[%add3A_481, %dma_start3A_487] : memref<52224x512xf32, #tpu.memory_space<hbm>> -> memref<96x512xf32, #tpu.memory_space<hbm>>
    %dma_start3A_489 = arith.constant 0 : i32
    %dma_start3A_490 = tpu.memref_slice %arg4[%add3A_481, %dma_start3A_489] : memref<52224x512xf32, #tpu.memory_space<hbm>> -> memref<96x512xf32, #tpu.memory_space<hbm>>
    %dma_start3A_491 = arith.constant 0 : i32
    %dma_start3A_492 = arith.constant 0 : i32
    %dma_start3A_493 = tpu.memref_slice %arg6[%dma_start3A_482, %dma_start3A_491, %dma_start3A_492] : memref<2x96x512xf32, #tpu.memory_space<vmem>> -> memref<1x96x512xf32, #tpu.memory_space<vmem>>
    %dma_start3A_494 = tpu.memref_squeeze %dma_start3A_493 : memref<1x96x512xf32, #tpu.memory_space<vmem>> -> memref<96x512xf32, #tpu.memory_space<vmem>>
    tpu.enqueue_dma source(%dma_start3A_494 : memref<96x512xf32, #tpu.memory_space<vmem>>) target(%dma_start3A_490 : memref<96x512xf32, #tpu.memory_space<hbm>>) target_semaphore(%arg8 : memref<!tpu.dma_semaphore, #tpu.memory_space<semaphore_mem>>)
    %dma_wait3A_495 = arith.constant 0 : i32
    %dma_wait3A_496 = arith.constant 0 : i32
    %dma_wait3A_497 = arith.constant 0 : i32
    %dma_wait3A_498 = tpu.memref_slice %arg6[%dma_wait3A_495, %dma_wait3A_496, %dma_wait3A_497] : memref<2x96x512xf32, #tpu.memory_space<vmem>> -> memref<1x96x512xf32, #tpu.memory_space<vmem>>
    %dma_wait3A_499 = tpu.memref_squeeze %dma_wait3A_498 : memref<1x96x512xf32, #tpu.memory_space<vmem>> -> memref<96x512xf32, #tpu.memory_space<vmem>>
    %dma_wait3A_500 = arith.constant 0 : i32
    %dma_wait3A_501 = tpu.memref_slice %arg4[%add3A_429, %dma_wait3A_500] : memref<52224x512xf32, #tpu.memory_space<hbm>> -> memref<96x512xf32, #tpu.memory_space<hbm>>
    %dma_wait3A_502 = arith.constant 0 : i32
    %dma_wait3A_503 = tpu.memref_slice %arg4[%add3A_429, %dma_wait3A_502] : memref<52224x512xf32, #tpu.memory_space<hbm>> -> memref<96x512xf32, #tpu.memory_space<hbm>>
    %dma_wait3A_504 = arith.constant 0 : i32
    %dma_wait3A_505 = arith.constant 0 : i32
    %dma_wait3A_506 = tpu.memref_slice %arg6[%dma_wait3A_495, %dma_wait3A_504, %dma_wait3A_505] : memref<2x96x512xf32, #tpu.memory_space<vmem>> -> memref<1x96x512xf32, #tpu.memory_space<vmem>>
    %dma_wait3A_507 = tpu.memref_squeeze %dma_wait3A_506 : memref<1x96x512xf32, #tpu.memory_space<vmem>> -> memref<96x512xf32, #tpu.memory_space<vmem>>
    tpu.wait_dma2 semaphore(%arg8 : memref<!tpu.dma_semaphore, #tpu.memory_space<semaphore_mem>>) src(%dma_wait3A_507 : memref<96x512xf32, #tpu.memory_space<vmem>>) dst(%dma_wait3A_503 : memref<96x512xf32, #tpu.memory_space<hbm>>)
    %dma_start3A_508 = arith.constant 10 : i32
    %dma_start3A_509 = arith.constant 0 : i32
    %dma_start3A_510 = arith.constant 0 : i32
    %dma_start3A_511 = arith.constant 0 : i32
    %dma_start3A_512 = tpu.memref_slice %arg6[%dma_start3A_509, %dma_start3A_510, %dma_start3A_511] : memref<2x96x512xf32, #tpu.memory_space<vmem>> -> memref<1x96x512xf32, #tpu.memory_space<vmem>>
    %dma_start3A_513 = tpu.memref_squeeze %dma_start3A_512 : memref<1x96x512xf32, #tpu.memory_space<vmem>> -> memref<96x512xf32, #tpu.memory_space<vmem>>
    %dma_start3A_514 = arith.constant 0 : i32
    %dma_start3A_515 = tpu.memref_slice %arg5[%dma_start3A_508, %dma_start3A_514] : memref<17x96xi32, #tpu.memory_space<vmem>> -> memref<1x96xi32, #tpu.memory_space<vmem>>
    %dma_start3A_516 = tpu.memref_squeeze %dma_start3A_515 : memref<1x96xi32, #tpu.memory_space<vmem>> -> memref<96xi32, #tpu.memory_space<vmem>>
    %dma_start3A_517 = arith.constant 0 : i32
    %dma_start3A_518 = arith.constant 0 : i32
    %dma_start3A_519 = tpu.memref_slice %arg2[%dma_start3A_517, %dma_start3A_518] : memref<1160x512xf32, #tpu.memory_space<hbm>> -> memref<1160x512xf32, #tpu.memory_space<hbm>>
    tpu.enqueue_indirect_dma source(%dma_start3A_519 : memref<1160x512xf32, #tpu.memory_space<hbm>>) target(%dma_start3A_513 : memref<96x512xf32, #tpu.memory_space<vmem>>) offsets(%dma_start3A_516 : memref<96xi32, #tpu.memory_space<vmem>>) semaphore(%arg7 : memref<!tpu.dma_semaphore, #tpu.memory_space<semaphore_mem>>)
    %dma_wait3A_520 = arith.constant 10 : i32
    %dma_wait3A_521 = arith.constant 0 : i32
    %dma_wait3A_522 = arith.constant 0 : i32
    %dma_wait3A_523 = arith.constant 0 : i32
    %dma_wait3A_524 = tpu.memref_slice %arg6[%dma_wait3A_521, %dma_wait3A_522, %dma_wait3A_523] : memref<2x96x512xf32, #tpu.memory_space<vmem>> -> memref<1x96x512xf32, #tpu.memory_space<vmem>>
    %dma_wait3A_525 = tpu.memref_squeeze %dma_wait3A_524 : memref<1x96x512xf32, #tpu.memory_space<vmem>> -> memref<96x512xf32, #tpu.memory_space<vmem>>
    %dma_wait3A_526 = arith.constant 0 : i32
    %dma_wait3A_527 = tpu.memref_slice %arg5[%dma_wait3A_520, %dma_wait3A_526] : memref<17x96xi32, #tpu.memory_space<vmem>> -> memref<1x96xi32, #tpu.memory_space<vmem>>
    %dma_wait3A_528 = tpu.memref_squeeze %dma_wait3A_527 : memref<1x96xi32, #tpu.memory_space<vmem>> -> memref<96xi32, #tpu.memory_space<vmem>>
    %dma_wait3A_529 = arith.constant 0 : i32
    %dma_wait3A_530 = arith.constant 0 : i32
    %dma_wait3A_531 = tpu.memref_slice %arg2[%dma_wait3A_529, %dma_wait3A_530] : memref<1160x512xf32, #tpu.memory_space<hbm>> -> memref<1160x512xf32, #tpu.memory_space<hbm>>
    tpu.wait_indirect_dma semaphore(%arg7 : memref<!tpu.dma_semaphore, #tpu.memory_space<semaphore_mem>>) src(%dma_wait3A_531 : memref<1160x512xf32, #tpu.memory_space<hbm>>) dst(%dma_wait3A_525 : memref<96x512xf32, #tpu.memory_space<vmem>>)
    %add3A_532 = arith.constant 960 : i32
    %add3A_533 = arith.addi %mul3A_2, %add3A_532 : i32
    %dma_start3A_534 = arith.constant 0 : i32
    %dma_start3A_535 = arith.constant 0 : i32
    %dma_start3A_536 = arith.constant 0 : i32
    %dma_start3A_537 = tpu.memref_slice %arg6[%dma_start3A_534, %dma_start3A_535, %dma_start3A_536] : memref<2x96x512xf32, #tpu.memory_space<vmem>> -> memref<1x96x512xf32, #tpu.memory_space<vmem>>
    %dma_start3A_538 = tpu.memref_squeeze %dma_start3A_537 : memref<1x96x512xf32, #tpu.memory_space<vmem>> -> memref<96x512xf32, #tpu.memory_space<vmem>>
    %dma_start3A_539 = arith.constant 0 : i32
    %dma_start3A_540 = tpu.memref_slice %arg4[%add3A_533, %dma_start3A_539] : memref<52224x512xf32, #tpu.memory_space<hbm>> -> memref<96x512xf32, #tpu.memory_space<hbm>>
    %dma_start3A_541 = arith.constant 0 : i32
    %dma_start3A_542 = tpu.memref_slice %arg4[%add3A_533, %dma_start3A_541] : memref<52224x512xf32, #tpu.memory_space<hbm>> -> memref<96x512xf32, #tpu.memory_space<hbm>>
    %dma_start3A_543 = arith.constant 0 : i32
    %dma_start3A_544 = arith.constant 0 : i32
    %dma_start3A_545 = tpu.memref_slice %arg6[%dma_start3A_534, %dma_start3A_543, %dma_start3A_544] : memref<2x96x512xf32, #tpu.memory_space<vmem>> -> memref<1x96x512xf32, #tpu.memory_space<vmem>>
    %dma_start3A_546 = tpu.memref_squeeze %dma_start3A_545 : memref<1x96x512xf32, #tpu.memory_space<vmem>> -> memref<96x512xf32, #tpu.memory_space<vmem>>
    tpu.enqueue_dma source(%dma_start3A_546 : memref<96x512xf32, #tpu.memory_space<vmem>>) target(%dma_start3A_542 : memref<96x512xf32, #tpu.memory_space<hbm>>) target_semaphore(%arg8 : memref<!tpu.dma_semaphore, #tpu.memory_space<semaphore_mem>>)
    %dma_wait3A_547 = arith.constant 1 : i32
    %dma_wait3A_548 = arith.constant 0 : i32
    %dma_wait3A_549 = arith.constant 0 : i32
    %dma_wait3A_550 = tpu.memref_slice %arg6[%dma_wait3A_547, %dma_wait3A_548, %dma_wait3A_549] : memref<2x96x512xf32, #tpu.memory_space<vmem>> -> memref<1x96x512xf32, #tpu.memory_space<vmem>>
    %dma_wait3A_551 = tpu.memref_squeeze %dma_wait3A_550 : memref<1x96x512xf32, #tpu.memory_space<vmem>> -> memref<96x512xf32, #tpu.memory_space<vmem>>
    %dma_wait3A_552 = arith.constant 0 : i32
    %dma_wait3A_553 = tpu.memref_slice %arg4[%add3A_481, %dma_wait3A_552] : memref<52224x512xf32, #tpu.memory_space<hbm>> -> memref<96x512xf32, #tpu.memory_space<hbm>>
    %dma_wait3A_554 = arith.constant 0 : i32
    %dma_wait3A_555 = tpu.memref_slice %arg4[%add3A_481, %dma_wait3A_554] : memref<52224x512xf32, #tpu.memory_space<hbm>> -> memref<96x512xf32, #tpu.memory_space<hbm>>
    %dma_wait3A_556 = arith.constant 0 : i32
    %dma_wait3A_557 = arith.constant 0 : i32
    %dma_wait3A_558 = tpu.memref_slice %arg6[%dma_wait3A_547, %dma_wait3A_556, %dma_wait3A_557] : memref<2x96x512xf32, #tpu.memory_space<vmem>> -> memref<1x96x512xf32, #tpu.memory_space<vmem>>
    %dma_wait3A_559 = tpu.memref_squeeze %dma_wait3A_558 : memref<1x96x512xf32, #tpu.memory_space<vmem>> -> memref<96x512xf32, #tpu.memory_space<vmem>>
    tpu.wait_dma2 semaphore(%arg8 : memref<!tpu.dma_semaphore, #tpu.memory_space<semaphore_mem>>) src(%dma_wait3A_559 : memref<96x512xf32, #tpu.memory_space<vmem>>) dst(%dma_wait3A_555 : memref<96x512xf32, #tpu.memory_space<hbm>>)
    %dma_start3A_560 = arith.constant 11 : i32
    %dma_start3A_561 = arith.constant 1 : i32
    %dma_start3A_562 = arith.constant 0 : i32
    %dma_start3A_563 = arith.constant 0 : i32
    %dma_start3A_564 = tpu.memref_slice %arg6[%dma_start3A_561, %dma_start3A_562, %dma_start3A_563] : memref<2x96x512xf32, #tpu.memory_space<vmem>> -> memref<1x96x512xf32, #tpu.memory_space<vmem>>
    %dma_start3A_565 = tpu.memref_squeeze %dma_start3A_564 : memref<1x96x512xf32, #tpu.memory_space<vmem>> -> memref<96x512xf32, #tpu.memory_space<vmem>>
    %dma_start3A_566 = arith.constant 0 : i32
    %dma_start3A_567 = tpu.memref_slice %arg5[%dma_start3A_560, %dma_start3A_566] : memref<17x96xi32, #tpu.memory_space<vmem>> -> memref<1x96xi32, #tpu.memory_space<vmem>>
    %dma_start3A_568 = tpu.memref_squeeze %dma_start3A_567 : memref<1x96xi32, #tpu.memory_space<vmem>> -> memref<96xi32, #tpu.memory_space<vmem>>
    %dma_start3A_569 = arith.constant 0 : i32
    %dma_start3A_570 = arith.constant 0 : i32
    %dma_start3A_571 = tpu.memref_slice %arg2[%dma_start3A_569, %dma_start3A_570] : memref<1160x512xf32, #tpu.memory_space<hbm>> -> memref<1160x512xf32, #tpu.memory_space<hbm>>
    tpu.enqueue_indirect_dma source(%dma_start3A_571 : memref<1160x512xf32, #tpu.memory_space<hbm>>) target(%dma_start3A_565 : memref<96x512xf32, #tpu.memory_space<vmem>>) offsets(%dma_start3A_568 : memref<96xi32, #tpu.memory_space<vmem>>) semaphore(%arg7 : memref<!tpu.dma_semaphore, #tpu.memory_space<semaphore_mem>>)
    %dma_wait3A_572 = arith.constant 11 : i32
    %dma_wait3A_573 = arith.constant 1 : i32
    %dma_wait3A_574 = arith.constant 0 : i32
    %dma_wait3A_575 = arith.constant 0 : i32
    %dma_wait3A_576 = tpu.memref_slice %arg6[%dma_wait3A_573, %dma_wait3A_574, %dma_wait3A_575] : memref<2x96x512xf32, #tpu.memory_space<vmem>> -> memref<1x96x512xf32, #tpu.memory_space<vmem>>
    %dma_wait3A_577 = tpu.memref_squeeze %dma_wait3A_576 : memref<1x96x512xf32, #tpu.memory_space<vmem>> -> memref<96x512xf32, #tpu.memory_space<vmem>>
    %dma_wait3A_578 = arith.constant 0 : i32
    %dma_wait3A_579 = tpu.memref_slice %arg5[%dma_wait3A_572, %dma_wait3A_578] : memref<17x96xi32, #tpu.memory_space<vmem>> -> memref<1x96xi32, #tpu.memory_space<vmem>>
    %dma_wait3A_580 = tpu.memref_squeeze %dma_wait3A_579 : memref<1x96xi32, #tpu.memory_space<vmem>> -> memref<96xi32, #tpu.memory_space<vmem>>
    %dma_wait3A_581 = arith.constant 0 : i32
    %dma_wait3A_582 = arith.constant 0 : i32
    %dma_wait3A_583 = tpu.memref_slice %arg2[%dma_wait3A_581, %dma_wait3A_582] : memref<1160x512xf32, #tpu.memory_space<hbm>> -> memref<1160x512xf32, #tpu.memory_space<hbm>>
    tpu.wait_indirect_dma semaphore(%arg7 : memref<!tpu.dma_semaphore, #tpu.memory_space<semaphore_mem>>) src(%dma_wait3A_583 : memref<1160x512xf32, #tpu.memory_space<hbm>>) dst(%dma_wait3A_577 : memref<96x512xf32, #tpu.memory_space<vmem>>)
    %add3A_584 = arith.constant 1056 : i32
    %add3A_585 = arith.addi %mul3A_2, %add3A_584 : i32
    %dma_start3A_586 = arith.constant 1 : i32
    %dma_start3A_587 = arith.constant 0 : i32
    %dma_start3A_588 = arith.constant 0 : i32
    %dma_start3A_589 = tpu.memref_slice %arg6[%dma_start3A_586, %dma_start3A_587, %dma_start3A_588] : memref<2x96x512xf32, #tpu.memory_space<vmem>> -> memref<1x96x512xf32, #tpu.memory_space<vmem>>
    %dma_start3A_590 = tpu.memref_squeeze %dma_start3A_589 : memref<1x96x512xf32, #tpu.memory_space<vmem>> -> memref<96x512xf32, #tpu.memory_space<vmem>>
    %dma_start3A_591 = arith.constant 0 : i32
    %dma_start3A_592 = tpu.memref_slice %arg4[%add3A_585, %dma_start3A_591] : memref<52224x512xf32, #tpu.memory_space<hbm>> -> memref<96x512xf32, #tpu.memory_space<hbm>>
    %dma_start3A_593 = arith.constant 0 : i32
    %dma_start3A_594 = tpu.memref_slice %arg4[%add3A_585, %dma_start3A_593] : memref<52224x512xf32, #tpu.memory_space<hbm>> -> memref<96x512xf32, #tpu.memory_space<hbm>>
    %dma_start3A_595 = arith.constant 0 : i32
    %dma_start3A_596 = arith.constant 0 : i32
    %dma_start3A_597 = tpu.memref_slice %arg6[%dma_start3A_586, %dma_start3A_595, %dma_start3A_596] : memref<2x96x512xf32, #tpu.memory_space<vmem>> -> memref<1x96x512xf32, #tpu.memory_space<vmem>>
    %dma_start3A_598 = tpu.memref_squeeze %dma_start3A_597 : memref<1x96x512xf32, #tpu.memory_space<vmem>> -> memref<96x512xf32, #tpu.memory_space<vmem>>
    tpu.enqueue_dma source(%dma_start3A_598 : memref<96x512xf32, #tpu.memory_space<vmem>>) target(%dma_start3A_594 : memref<96x512xf32, #tpu.memory_space<hbm>>) target_semaphore(%arg8 : memref<!tpu.dma_semaphore, #tpu.memory_space<semaphore_mem>>)
    %dma_wait3A_599 = arith.constant 0 : i32
    %dma_wait3A_600 = arith.constant 0 : i32
    %dma_wait3A_601 = arith.constant 0 : i32
    %dma_wait3A_602 = tpu.memref_slice %arg6[%dma_wait3A_599, %dma_wait3A_600, %dma_wait3A_601] : memref<2x96x512xf32, #tpu.memory_space<vmem>> -> memref<1x96x512xf32, #tpu.memory_space<vmem>>
    %dma_wait3A_603 = tpu.memref_squeeze %dma_wait3A_602 : memref<1x96x512xf32, #tpu.memory_space<vmem>> -> memref<96x512xf32, #tpu.memory_space<vmem>>
    %dma_wait3A_604 = arith.constant 0 : i32
    %dma_wait3A_605 = tpu.memref_slice %arg4[%add3A_533, %dma_wait3A_604] : memref<52224x512xf32, #tpu.memory_space<hbm>> -> memref<96x512xf32, #tpu.memory_space<hbm>>
    %dma_wait3A_606 = arith.constant 0 : i32
    %dma_wait3A_607 = tpu.memref_slice %arg4[%add3A_533, %dma_wait3A_606] : memref<52224x512xf32, #tpu.memory_space<hbm>> -> memref<96x512xf32, #tpu.memory_space<hbm>>
    %dma_wait3A_608 = arith.constant 0 : i32
    %dma_wait3A_609 = arith.constant 0 : i32
    %dma_wait3A_610 = tpu.memref_slice %arg6[%dma_wait3A_599, %dma_wait3A_608, %dma_wait3A_609] : memref<2x96x512xf32, #tpu.memory_space<vmem>> -> memref<1x96x512xf32, #tpu.memory_space<vmem>>
    %dma_wait3A_611 = tpu.memref_squeeze %dma_wait3A_610 : memref<1x96x512xf32, #tpu.memory_space<vmem>> -> memref<96x512xf32, #tpu.memory_space<vmem>>
    tpu.wait_dma2 semaphore(%arg8 : memref<!tpu.dma_semaphore, #tpu.memory_space<semaphore_mem>>) src(%dma_wait3A_611 : memref<96x512xf32, #tpu.memory_space<vmem>>) dst(%dma_wait3A_607 : memref<96x512xf32, #tpu.memory_space<hbm>>)
    %dma_start3A_612 = arith.constant 12 : i32
    %dma_start3A_613 = arith.constant 0 : i32
    %dma_start3A_614 = arith.constant 0 : i32
    %dma_start3A_615 = arith.constant 0 : i32
    %dma_start3A_616 = tpu.memref_slice %arg6[%dma_start3A_613, %dma_start3A_614, %dma_start3A_615] : memref<2x96x512xf32, #tpu.memory_space<vmem>> -> memref<1x96x512xf32, #tpu.memory_space<vmem>>
    %dma_start3A_617 = tpu.memref_squeeze %dma_start3A_616 : memref<1x96x512xf32, #tpu.memory_space<vmem>> -> memref<96x512xf32, #tpu.memory_space<vmem>>
    %dma_start3A_618 = arith.constant 0 : i32
    %dma_start3A_619 = tpu.memref_slice %arg5[%dma_start3A_612, %dma_start3A_618] : memref<17x96xi32, #tpu.memory_space<vmem>> -> memref<1x96xi32, #tpu.memory_space<vmem>>
    %dma_start3A_620 = tpu.memref_squeeze %dma_start3A_619 : memref<1x96xi32, #tpu.memory_space<vmem>> -> memref<96xi32, #tpu.memory_space<vmem>>
    %dma_start3A_621 = arith.constant 0 : i32
    %dma_start3A_622 = arith.constant 0 : i32
    %dma_start3A_623 = tpu.memref_slice %arg2[%dma_start3A_621, %dma_start3A_622] : memref<1160x512xf32, #tpu.memory_space<hbm>> -> memref<1160x512xf32, #tpu.memory_space<hbm>>
    tpu.enqueue_indirect_dma source(%dma_start3A_623 : memref<1160x512xf32, #tpu.memory_space<hbm>>) target(%dma_start3A_617 : memref<96x512xf32, #tpu.memory_space<vmem>>) offsets(%dma_start3A_620 : memref<96xi32, #tpu.memory_space<vmem>>) semaphore(%arg7 : memref<!tpu.dma_semaphore, #tpu.memory_space<semaphore_mem>>)
    %dma_wait3A_624 = arith.constant 12 : i32
    %dma_wait3A_625 = arith.constant 0 : i32
    %dma_wait3A_626 = arith.constant 0 : i32
    %dma_wait3A_627 = arith.constant 0 : i32
    %dma_wait3A_628 = tpu.memref_slice %arg6[%dma_wait3A_625, %dma_wait3A_626, %dma_wait3A_627] : memref<2x96x512xf32, #tpu.memory_space<vmem>> -> memref<1x96x512xf32, #tpu.memory_space<vmem>>
    %dma_wait3A_629 = tpu.memref_squeeze %dma_wait3A_628 : memref<1x96x512xf32, #tpu.memory_space<vmem>> -> memref<96x512xf32, #tpu.memory_space<vmem>>
    %dma_wait3A_630 = arith.constant 0 : i32
    %dma_wait3A_631 = tpu.memref_slice %arg5[%dma_wait3A_624, %dma_wait3A_630] : memref<17x96xi32, #tpu.memory_space<vmem>> -> memref<1x96xi32, #tpu.memory_space<vmem>>
    %dma_wait3A_632 = tpu.memref_squeeze %dma_wait3A_631 : memref<1x96xi32, #tpu.memory_space<vmem>> -> memref<96xi32, #tpu.memory_space<vmem>>
    %dma_wait3A_633 = arith.constant 0 : i32
    %dma_wait3A_634 = arith.constant 0 : i32
    %dma_wait3A_635 = tpu.memref_slice %arg2[%dma_wait3A_633, %dma_wait3A_634] : memref<1160x512xf32, #tpu.memory_space<hbm>> -> memref<1160x512xf32, #tpu.memory_space<hbm>>
    tpu.wait_indirect_dma semaphore(%arg7 : memref<!tpu.dma_semaphore, #tpu.memory_space<semaphore_mem>>) src(%dma_wait3A_635 : memref<1160x512xf32, #tpu.memory_space<hbm>>) dst(%dma_wait3A_629 : memref<96x512xf32, #tpu.memory_space<vmem>>)
    %add3A_636 = arith.constant 1152 : i32
    %add3A_637 = arith.addi %mul3A_2, %add3A_636 : i32
    %dma_start3A_638 = arith.constant 0 : i32
    %dma_start3A_639 = arith.constant 0 : i32
    %dma_start3A_640 = arith.constant 0 : i32
    %dma_start3A_641 = tpu.memref_slice %arg6[%dma_start3A_638, %dma_start3A_639, %dma_start3A_640] : memref<2x96x512xf32, #tpu.memory_space<vmem>> -> memref<1x96x512xf32, #tpu.memory_space<vmem>>
    %dma_start3A_642 = tpu.memref_squeeze %dma_start3A_641 : memref<1x96x512xf32, #tpu.memory_space<vmem>> -> memref<96x512xf32, #tpu.memory_space<vmem>>
    %dma_start3A_643 = arith.constant 0 : i32
    %dma_start3A_644 = tpu.memref_slice %arg4[%add3A_637, %dma_start3A_643] : memref<52224x512xf32, #tpu.memory_space<hbm>> -> memref<96x512xf32, #tpu.memory_space<hbm>>
    %dma_start3A_645 = arith.constant 0 : i32
    %dma_start3A_646 = tpu.memref_slice %arg4[%add3A_637, %dma_start3A_645] : memref<52224x512xf32, #tpu.memory_space<hbm>> -> memref<96x512xf32, #tpu.memory_space<hbm>>
    %dma_start3A_647 = arith.constant 0 : i32
    %dma_start3A_648 = arith.constant 0 : i32
    %dma_start3A_649 = tpu.memref_slice %arg6[%dma_start3A_638, %dma_start3A_647, %dma_start3A_648] : memref<2x96x512xf32, #tpu.memory_space<vmem>> -> memref<1x96x512xf32, #tpu.memory_space<vmem>>
    %dma_start3A_650 = tpu.memref_squeeze %dma_start3A_649 : memref<1x96x512xf32, #tpu.memory_space<vmem>> -> memref<96x512xf32, #tpu.memory_space<vmem>>
    tpu.enqueue_dma source(%dma_start3A_650 : memref<96x512xf32, #tpu.memory_space<vmem>>) target(%dma_start3A_646 : memref<96x512xf32, #tpu.memory_space<hbm>>) target_semaphore(%arg8 : memref<!tpu.dma_semaphore, #tpu.memory_space<semaphore_mem>>)
    %dma_wait3A_651 = arith.constant 1 : i32
    %dma_wait3A_652 = arith.constant 0 : i32
    %dma_wait3A_653 = arith.constant 0 : i32
    %dma_wait3A_654 = tpu.memref_slice %arg6[%dma_wait3A_651, %dma_wait3A_652, %dma_wait3A_653] : memref<2x96x512xf32, #tpu.memory_space<vmem>> -> memref<1x96x512xf32, #tpu.memory_space<vmem>>
    %dma_wait3A_655 = tpu.memref_squeeze %dma_wait3A_654 : memref<1x96x512xf32, #tpu.memory_space<vmem>> -> memref<96x512xf32, #tpu.memory_space<vmem>>
    %dma_wait3A_656 = arith.constant 0 : i32
    %dma_wait3A_657 = tpu.memref_slice %arg4[%add3A_585, %dma_wait3A_656] : memref<52224x512xf32, #tpu.memory_space<hbm>> -> memref<96x512xf32, #tpu.memory_space<hbm>>
    %dma_wait3A_658 = arith.constant 0 : i32
    %dma_wait3A_659 = tpu.memref_slice %arg4[%add3A_585, %dma_wait3A_658] : memref<52224x512xf32, #tpu.memory_space<hbm>> -> memref<96x512xf32, #tpu.memory_space<hbm>>
    %dma_wait3A_660 = arith.constant 0 : i32
    %dma_wait3A_661 = arith.constant 0 : i32
    %dma_wait3A_662 = tpu.memref_slice %arg6[%dma_wait3A_651, %dma_wait3A_660, %dma_wait3A_661] : memref<2x96x512xf32, #tpu.memory_space<vmem>> -> memref<1x96x512xf32, #tpu.memory_space<vmem>>
    %dma_wait3A_663 = tpu.memref_squeeze %dma_wait3A_662 : memref<1x96x512xf32, #tpu.memory_space<vmem>> -> memref<96x512xf32, #tpu.memory_space<vmem>>
    tpu.wait_dma2 semaphore(%arg8 : memref<!tpu.dma_semaphore, #tpu.memory_space<semaphore_mem>>) src(%dma_wait3A_663 : memref<96x512xf32, #tpu.memory_space<vmem>>) dst(%dma_wait3A_659 : memref<96x512xf32, #tpu.memory_space<hbm>>)
    %dma_start3A_664 = arith.constant 13 : i32
    %dma_start3A_665 = arith.constant 1 : i32
    %dma_start3A_666 = arith.constant 0 : i32
    %dma_start3A_667 = arith.constant 0 : i32
    %dma_start3A_668 = tpu.memref_slice %arg6[%dma_start3A_665, %dma_start3A_666, %dma_start3A_667] : memref<2x96x512xf32, #tpu.memory_space<vmem>> -> memref<1x96x512xf32, #tpu.memory_space<vmem>>
    %dma_start3A_669 = tpu.memref_squeeze %dma_start3A_668 : memref<1x96x512xf32, #tpu.memory_space<vmem>> -> memref<96x512xf32, #tpu.memory_space<vmem>>
    %dma_start3A_670 = arith.constant 0 : i32
    %dma_start3A_671 = tpu.memref_slice %arg5[%dma_start3A_664, %dma_start3A_670] : memref<17x96xi32, #tpu.memory_space<vmem>> -> memref<1x96xi32, #tpu.memory_space<vmem>>
    %dma_start3A_672 = tpu.memref_squeeze %dma_start3A_671 : memref<1x96xi32, #tpu.memory_space<vmem>> -> memref<96xi32, #tpu.memory_space<vmem>>
    %dma_start3A_673 = arith.constant 0 : i32
    %dma_start3A_674 = arith.constant 0 : i32
    %dma_start3A_675 = tpu.memref_slice %arg2[%dma_start3A_673, %dma_start3A_674] : memref<1160x512xf32, #tpu.memory_space<hbm>> -> memref<1160x512xf32, #tpu.memory_space<hbm>>
    tpu.enqueue_indirect_dma source(%dma_start3A_675 : memref<1160x512xf32, #tpu.memory_space<hbm>>) target(%dma_start3A_669 : memref<96x512xf32, #tpu.memory_space<vmem>>) offsets(%dma_start3A_672 : memref<96xi32, #tpu.memory_space<vmem>>) semaphore(%arg7 : memref<!tpu.dma_semaphore, #tpu.memory_space<semaphore_mem>>)
    %dma_wait3A_676 = arith.constant 13 : i32
    %dma_wait3A_677 = arith.constant 1 : i32
    %dma_wait3A_678 = arith.constant 0 : i32
    %dma_wait3A_679 = arith.constant 0 : i32
    %dma_wait3A_680 = tpu.memref_slice %arg6[%dma_wait3A_677, %dma_wait3A_678, %dma_wait3A_679] : memref<2x96x512xf32, #tpu.memory_space<vmem>> -> memref<1x96x512xf32, #tpu.memory_space<vmem>>
    %dma_wait3A_681 = tpu.memref_squeeze %dma_wait3A_680 : memref<1x96x512xf32, #tpu.memory_space<vmem>> -> memref<96x512xf32, #tpu.memory_space<vmem>>
    %dma_wait3A_682 = arith.constant 0 : i32
    %dma_wait3A_683 = tpu.memref_slice %arg5[%dma_wait3A_676, %dma_wait3A_682] : memref<17x96xi32, #tpu.memory_space<vmem>> -> memref<1x96xi32, #tpu.memory_space<vmem>>
    %dma_wait3A_684 = tpu.memref_squeeze %dma_wait3A_683 : memref<1x96xi32, #tpu.memory_space<vmem>> -> memref<96xi32, #tpu.memory_space<vmem>>
    %dma_wait3A_685 = arith.constant 0 : i32
    %dma_wait3A_686 = arith.constant 0 : i32
    %dma_wait3A_687 = tpu.memref_slice %arg2[%dma_wait3A_685, %dma_wait3A_686] : memref<1160x512xf32, #tpu.memory_space<hbm>> -> memref<1160x512xf32, #tpu.memory_space<hbm>>
    tpu.wait_indirect_dma semaphore(%arg7 : memref<!tpu.dma_semaphore, #tpu.memory_space<semaphore_mem>>) src(%dma_wait3A_687 : memref<1160x512xf32, #tpu.memory_space<hbm>>) dst(%dma_wait3A_681 : memref<96x512xf32, #tpu.memory_space<vmem>>)
    %add3A_688 = arith.constant 1248 : i32
    %add3A_689 = arith.addi %mul3A_2, %add3A_688 : i32
    %dma_start3A_690 = arith.constant 1 : i32
    %dma_start3A_691 = arith.constant 0 : i32
    %dma_start3A_692 = arith.constant 0 : i32
    %dma_start3A_693 = tpu.memref_slice %arg6[%dma_start3A_690, %dma_start3A_691, %dma_start3A_692] : memref<2x96x512xf32, #tpu.memory_space<vmem>> -> memref<1x96x512xf32, #tpu.memory_space<vmem>>
    %dma_start3A_694 = tpu.memref_squeeze %dma_start3A_693 : memref<1x96x512xf32, #tpu.memory_space<vmem>> -> memref<96x512xf32, #tpu.memory_space<vmem>>
    %dma_start3A_695 = arith.constant 0 : i32
    %dma_start3A_696 = tpu.memref_slice %arg4[%add3A_689, %dma_start3A_695] : memref<52224x512xf32, #tpu.memory_space<hbm>> -> memref<96x512xf32, #tpu.memory_space<hbm>>
    %dma_start3A_697 = arith.constant 0 : i32
    %dma_start3A_698 = tpu.memref_slice %arg4[%add3A_689, %dma_start3A_697] : memref<52224x512xf32, #tpu.memory_space<hbm>> -> memref<96x512xf32, #tpu.memory_space<hbm>>
    %dma_start3A_699 = arith.constant 0 : i32
    %dma_start3A_700 = arith.constant 0 : i32
    %dma_start3A_701 = tpu.memref_slice %arg6[%dma_start3A_690, %dma_start3A_699, %dma_start3A_700] : memref<2x96x512xf32, #tpu.memory_space<vmem>> -> memref<1x96x512xf32, #tpu.memory_space<vmem>>
    %dma_start3A_702 = tpu.memref_squeeze %dma_start3A_701 : memref<1x96x512xf32, #tpu.memory_space<vmem>> -> memref<96x512xf32, #tpu.memory_space<vmem>>
    tpu.enqueue_dma source(%dma_start3A_702 : memref<96x512xf32, #tpu.memory_space<vmem>>) target(%dma_start3A_698 : memref<96x512xf32, #tpu.memory_space<hbm>>) target_semaphore(%arg8 : memref<!tpu.dma_semaphore, #tpu.memory_space<semaphore_mem>>)
    %dma_wait3A_703 = arith.constant 0 : i32
    %dma_wait3A_704 = arith.constant 0 : i32
    %dma_wait3A_705 = arith.constant 0 : i32
    %dma_wait3A_706 = tpu.memref_slice %arg6[%dma_wait3A_703, %dma_wait3A_704, %dma_wait3A_705] : memref<2x96x512xf32, #tpu.memory_space<vmem>> -> memref<1x96x512xf32, #tpu.memory_space<vmem>>
    %dma_wait3A_707 = tpu.memref_squeeze %dma_wait3A_706 : memref<1x96x512xf32, #tpu.memory_space<vmem>> -> memref<96x512xf32, #tpu.memory_space<vmem>>
    %dma_wait3A_708 = arith.constant 0 : i32
    %dma_wait3A_709 = tpu.memref_slice %arg4[%add3A_637, %dma_wait3A_708] : memref<52224x512xf32, #tpu.memory_space<hbm>> -> memref<96x512xf32, #tpu.memory_space<hbm>>
    %dma_wait3A_710 = arith.constant 0 : i32
    %dma_wait3A_711 = tpu.memref_slice %arg4[%add3A_637, %dma_wait3A_710] : memref<52224x512xf32, #tpu.memory_space<hbm>> -> memref<96x512xf32, #tpu.memory_space<hbm>>
    %dma_wait3A_712 = arith.constant 0 : i32
    %dma_wait3A_713 = arith.constant 0 : i32
    %dma_wait3A_714 = tpu.memref_slice %arg6[%dma_wait3A_703, %dma_wait3A_712, %dma_wait3A_713] : memref<2x96x512xf32, #tpu.memory_space<vmem>> -> memref<1x96x512xf32, #tpu.memory_space<vmem>>
    %dma_wait3A_715 = tpu.memref_squeeze %dma_wait3A_714 : memref<1x96x512xf32, #tpu.memory_space<vmem>> -> memref<96x512xf32, #tpu.memory_space<vmem>>
    tpu.wait_dma2 semaphore(%arg8 : memref<!tpu.dma_semaphore, #tpu.memory_space<semaphore_mem>>) src(%dma_wait3A_715 : memref<96x512xf32, #tpu.memory_space<vmem>>) dst(%dma_wait3A_711 : memref<96x512xf32, #tpu.memory_space<hbm>>)
    %dma_start3A_716 = arith.constant 14 : i32
    %dma_start3A_717 = arith.constant 0 : i32
    %dma_start3A_718 = arith.constant 0 : i32
    %dma_start3A_719 = arith.constant 0 : i32
    %dma_start3A_720 = tpu.memref_slice %arg6[%dma_start3A_717, %dma_start3A_718, %dma_start3A_719] : memref<2x96x512xf32, #tpu.memory_space<vmem>> -> memref<1x96x512xf32, #tpu.memory_space<vmem>>
    %dma_start3A_721 = tpu.memref_squeeze %dma_start3A_720 : memref<1x96x512xf32, #tpu.memory_space<vmem>> -> memref<96x512xf32, #tpu.memory_space<vmem>>
    %dma_start3A_722 = arith.constant 0 : i32
    %dma_start3A_723 = tpu.memref_slice %arg5[%dma_start3A_716, %dma_start3A_722] : memref<17x96xi32, #tpu.memory_space<vmem>> -> memref<1x96xi32, #tpu.memory_space<vmem>>
    %dma_start3A_724 = tpu.memref_squeeze %dma_start3A_723 : memref<1x96xi32, #tpu.memory_space<vmem>> -> memref<96xi32, #tpu.memory_space<vmem>>
    %dma_start3A_725 = arith.constant 0 : i32
    %dma_start3A_726 = arith.constant 0 : i32
    %dma_start3A_727 = tpu.memref_slice %arg2[%dma_start3A_725, %dma_start3A_726] : memref<1160x512xf32, #tpu.memory_space<hbm>> -> memref<1160x512xf32, #tpu.memory_space<hbm>>
    tpu.enqueue_indirect_dma source(%dma_start3A_727 : memref<1160x512xf32, #tpu.memory_space<hbm>>) target(%dma_start3A_721 : memref<96x512xf32, #tpu.memory_space<vmem>>) offsets(%dma_start3A_724 : memref<96xi32, #tpu.memory_space<vmem>>) semaphore(%arg7 : memref<!tpu.dma_semaphore, #tpu.memory_space<semaphore_mem>>)
    %dma_wait3A_728 = arith.constant 14 : i32
    %dma_wait3A_729 = arith.constant 0 : i32
    %dma_wait3A_730 = arith.constant 0 : i32
    %dma_wait3A_731 = arith.constant 0 : i32
    %dma_wait3A_732 = tpu.memref_slice %arg6[%dma_wait3A_729, %dma_wait3A_730, %dma_wait3A_731] : memref<2x96x512xf32, #tpu.memory_space<vmem>> -> memref<1x96x512xf32, #tpu.memory_space<vmem>>
    %dma_wait3A_733 = tpu.memref_squeeze %dma_wait3A_732 : memref<1x96x512xf32, #tpu.memory_space<vmem>> -> memref<96x512xf32, #tpu.memory_space<vmem>>
    %dma_wait3A_734 = arith.constant 0 : i32
    %dma_wait3A_735 = tpu.memref_slice %arg5[%dma_wait3A_728, %dma_wait3A_734] : memref<17x96xi32, #tpu.memory_space<vmem>> -> memref<1x96xi32, #tpu.memory_space<vmem>>
    %dma_wait3A_736 = tpu.memref_squeeze %dma_wait3A_735 : memref<1x96xi32, #tpu.memory_space<vmem>> -> memref<96xi32, #tpu.memory_space<vmem>>
    %dma_wait3A_737 = arith.constant 0 : i32
    %dma_wait3A_738 = arith.constant 0 : i32
    %dma_wait3A_739 = tpu.memref_slice %arg2[%dma_wait3A_737, %dma_wait3A_738] : memref<1160x512xf32, #tpu.memory_space<hbm>> -> memref<1160x512xf32, #tpu.memory_space<hbm>>
    tpu.wait_indirect_dma semaphore(%arg7 : memref<!tpu.dma_semaphore, #tpu.memory_space<semaphore_mem>>) src(%dma_wait3A_739 : memref<1160x512xf32, #tpu.memory_space<hbm>>) dst(%dma_wait3A_733 : memref<96x512xf32, #tpu.memory_space<vmem>>)
    %add3A_740 = arith.constant 1344 : i32
    %add3A_741 = arith.addi %mul3A_2, %add3A_740 : i32
    %dma_start3A_742 = arith.constant 0 : i32
    %dma_start3A_743 = arith.constant 0 : i32
    %dma_start3A_744 = arith.constant 0 : i32
    %dma_start3A_745 = tpu.memref_slice %arg6[%dma_start3A_742, %dma_start3A_743, %dma_start3A_744] : memref<2x96x512xf32, #tpu.memory_space<vmem>> -> memref<1x96x512xf32, #tpu.memory_space<vmem>>
    %dma_start3A_746 = tpu.memref_squeeze %dma_start3A_745 : memref<1x96x512xf32, #tpu.memory_space<vmem>> -> memref<96x512xf32, #tpu.memory_space<vmem>>
    %dma_start3A_747 = arith.constant 0 : i32
    %dma_start3A_748 = tpu.memref_slice %arg4[%add3A_741, %dma_start3A_747] : memref<52224x512xf32, #tpu.memory_space<hbm>> -> memref<96x512xf32, #tpu.memory_space<hbm>>
    %dma_start3A_749 = arith.constant 0 : i32
    %dma_start3A_750 = tpu.memref_slice %arg4[%add3A_741, %dma_start3A_749] : memref<52224x512xf32, #tpu.memory_space<hbm>> -> memref<96x512xf32, #tpu.memory_space<hbm>>
    %dma_start3A_751 = arith.constant 0 : i32
    %dma_start3A_752 = arith.constant 0 : i32
    %dma_start3A_753 = tpu.memref_slice %arg6[%dma_start3A_742, %dma_start3A_751, %dma_start3A_752] : memref<2x96x512xf32, #tpu.memory_space<vmem>> -> memref<1x96x512xf32, #tpu.memory_space<vmem>>
    %dma_start3A_754 = tpu.memref_squeeze %dma_start3A_753 : memref<1x96x512xf32, #tpu.memory_space<vmem>> -> memref<96x512xf32, #tpu.memory_space<vmem>>
    tpu.enqueue_dma source(%dma_start3A_754 : memref<96x512xf32, #tpu.memory_space<vmem>>) target(%dma_start3A_750 : memref<96x512xf32, #tpu.memory_space<hbm>>) target_semaphore(%arg8 : memref<!tpu.dma_semaphore, #tpu.memory_space<semaphore_mem>>)
    %dma_wait3A_755 = arith.constant 1 : i32
    %dma_wait3A_756 = arith.constant 0 : i32
    %dma_wait3A_757 = arith.constant 0 : i32
    %dma_wait3A_758 = tpu.memref_slice %arg6[%dma_wait3A_755, %dma_wait3A_756, %dma_wait3A_757] : memref<2x96x512xf32, #tpu.memory_space<vmem>> -> memref<1x96x512xf32, #tpu.memory_space<vmem>>
    %dma_wait3A_759 = tpu.memref_squeeze %dma_wait3A_758 : memref<1x96x512xf32, #tpu.memory_space<vmem>> -> memref<96x512xf32, #tpu.memory_space<vmem>>
    %dma_wait3A_760 = arith.constant 0 : i32
    %dma_wait3A_761 = tpu.memref_slice %arg4[%add3A_689, %dma_wait3A_760] : memref<52224x512xf32, #tpu.memory_space<hbm>> -> memref<96x512xf32, #tpu.memory_space<hbm>>
    %dma_wait3A_762 = arith.constant 0 : i32
    %dma_wait3A_763 = tpu.memref_slice %arg4[%add3A_689, %dma_wait3A_762] : memref<52224x512xf32, #tpu.memory_space<hbm>> -> memref<96x512xf32, #tpu.memory_space<hbm>>
    %dma_wait3A_764 = arith.constant 0 : i32
    %dma_wait3A_765 = arith.constant 0 : i32
    %dma_wait3A_766 = tpu.memref_slice %arg6[%dma_wait3A_755, %dma_wait3A_764, %dma_wait3A_765] : memref<2x96x512xf32, #tpu.memory_space<vmem>> -> memref<1x96x512xf32, #tpu.memory_space<vmem>>
    %dma_wait3A_767 = tpu.memref_squeeze %dma_wait3A_766 : memref<1x96x512xf32, #tpu.memory_space<vmem>> -> memref<96x512xf32, #tpu.memory_space<vmem>>
    tpu.wait_dma2 semaphore(%arg8 : memref<!tpu.dma_semaphore, #tpu.memory_space<semaphore_mem>>) src(%dma_wait3A_767 : memref<96x512xf32, #tpu.memory_space<vmem>>) dst(%dma_wait3A_763 : memref<96x512xf32, #tpu.memory_space<hbm>>)
    %dma_start3A_768 = arith.constant 15 : i32
    %dma_start3A_769 = arith.constant 1 : i32
    %dma_start3A_770 = arith.constant 0 : i32
    %dma_start3A_771 = arith.constant 0 : i32
    %dma_start3A_772 = tpu.memref_slice %arg6[%dma_start3A_769, %dma_start3A_770, %dma_start3A_771] : memref<2x96x512xf32, #tpu.memory_space<vmem>> -> memref<1x96x512xf32, #tpu.memory_space<vmem>>
    %dma_start3A_773 = tpu.memref_squeeze %dma_start3A_772 : memref<1x96x512xf32, #tpu.memory_space<vmem>> -> memref<96x512xf32, #tpu.memory_space<vmem>>
    %dma_start3A_774 = arith.constant 0 : i32
    %dma_start3A_775 = tpu.memref_slice %arg5[%dma_start3A_768, %dma_start3A_774] : memref<17x96xi32, #tpu.memory_space<vmem>> -> memref<1x96xi32, #tpu.memory_space<vmem>>
    %dma_start3A_776 = tpu.memref_squeeze %dma_start3A_775 : memref<1x96xi32, #tpu.memory_space<vmem>> -> memref<96xi32, #tpu.memory_space<vmem>>
    %dma_start3A_777 = arith.constant 0 : i32
    %dma_start3A_778 = arith.constant 0 : i32
    %dma_start3A_779 = tpu.memref_slice %arg2[%dma_start3A_777, %dma_start3A_778] : memref<1160x512xf32, #tpu.memory_space<hbm>> -> memref<1160x512xf32, #tpu.memory_space<hbm>>
    tpu.enqueue_indirect_dma source(%dma_start3A_779 : memref<1160x512xf32, #tpu.memory_space<hbm>>) target(%dma_start3A_773 : memref<96x512xf32, #tpu.memory_space<vmem>>) offsets(%dma_start3A_776 : memref<96xi32, #tpu.memory_space<vmem>>) semaphore(%arg7 : memref<!tpu.dma_semaphore, #tpu.memory_space<semaphore_mem>>)
    %dma_wait3A_780 = arith.constant 15 : i32
    %dma_wait3A_781 = arith.constant 1 : i32
    %dma_wait3A_782 = arith.constant 0 : i32
    %dma_wait3A_783 = arith.constant 0 : i32
    %dma_wait3A_784 = tpu.memref_slice %arg6[%dma_wait3A_781, %dma_wait3A_782, %dma_wait3A_783] : memref<2x96x512xf32, #tpu.memory_space<vmem>> -> memref<1x96x512xf32, #tpu.memory_space<vmem>>
    %dma_wait3A_785 = tpu.memref_squeeze %dma_wait3A_784 : memref<1x96x512xf32, #tpu.memory_space<vmem>> -> memref<96x512xf32, #tpu.memory_space<vmem>>
    %dma_wait3A_786 = arith.constant 0 : i32
    %dma_wait3A_787 = tpu.memref_slice %arg5[%dma_wait3A_780, %dma_wait3A_786] : memref<17x96xi32, #tpu.memory_space<vmem>> -> memref<1x96xi32, #tpu.memory_space<vmem>>
    %dma_wait3A_788 = tpu.memref_squeeze %dma_wait3A_787 : memref<1x96xi32, #tpu.memory_space<vmem>> -> memref<96xi32, #tpu.memory_space<vmem>>
    %dma_wait3A_789 = arith.constant 0 : i32
    %dma_wait3A_790 = arith.constant 0 : i32
    %dma_wait3A_791 = tpu.memref_slice %arg2[%dma_wait3A_789, %dma_wait3A_790] : memref<1160x512xf32, #tpu.memory_space<hbm>> -> memref<1160x512xf32, #tpu.memory_space<hbm>>
    tpu.wait_indirect_dma semaphore(%arg7 : memref<!tpu.dma_semaphore, #tpu.memory_space<semaphore_mem>>) src(%dma_wait3A_791 : memref<1160x512xf32, #tpu.memory_space<hbm>>) dst(%dma_wait3A_785 : memref<96x512xf32, #tpu.memory_space<vmem>>)
    %add3A_792 = arith.constant 1440 : i32
    %add3A_793 = arith.addi %mul3A_2, %add3A_792 : i32
    %dma_start3A_794 = arith.constant 1 : i32
    %dma_start3A_795 = arith.constant 0 : i32
    %dma_start3A_796 = arith.constant 0 : i32
    %dma_start3A_797 = tpu.memref_slice %arg6[%dma_start3A_794, %dma_start3A_795, %dma_start3A_796] : memref<2x96x512xf32, #tpu.memory_space<vmem>> -> memref<1x96x512xf32, #tpu.memory_space<vmem>>
    %dma_start3A_798 = tpu.memref_squeeze %dma_start3A_797 : memref<1x96x512xf32, #tpu.memory_space<vmem>> -> memref<96x512xf32, #tpu.memory_space<vmem>>
    %dma_start3A_799 = arith.constant 0 : i32
    %dma_start3A_800 = tpu.memref_slice %arg4[%add3A_793, %dma_start3A_799] : memref<52224x512xf32, #tpu.memory_space<hbm>> -> memref<96x512xf32, #tpu.memory_space<hbm>>
    %dma_start3A_801 = arith.constant 0 : i32
    %dma_start3A_802 = tpu.memref_slice %arg4[%add3A_793, %dma_start3A_801] : memref<52224x512xf32, #tpu.memory_space<hbm>> -> memref<96x512xf32, #tpu.memory_space<hbm>>
    %dma_start3A_803 = arith.constant 0 : i32
    %dma_start3A_804 = arith.constant 0 : i32
    %dma_start3A_805 = tpu.memref_slice %arg6[%dma_start3A_794, %dma_start3A_803, %dma_start3A_804] : memref<2x96x512xf32, #tpu.memory_space<vmem>> -> memref<1x96x512xf32, #tpu.memory_space<vmem>>
    %dma_start3A_806 = tpu.memref_squeeze %dma_start3A_805 : memref<1x96x512xf32, #tpu.memory_space<vmem>> -> memref<96x512xf32, #tpu.memory_space<vmem>>
    tpu.enqueue_dma source(%dma_start3A_806 : memref<96x512xf32, #tpu.memory_space<vmem>>) target(%dma_start3A_802 : memref<96x512xf32, #tpu.memory_space<hbm>>) target_semaphore(%arg8 : memref<!tpu.dma_semaphore, #tpu.memory_space<semaphore_mem>>)
    %dma_wait3A_807 = arith.constant 0 : i32
    %dma_wait3A_808 = arith.constant 0 : i32
    %dma_wait3A_809 = arith.constant 0 : i32
    %dma_wait3A_810 = tpu.memref_slice %arg6[%dma_wait3A_807, %dma_wait3A_808, %dma_wait3A_809] : memref<2x96x512xf32, #tpu.memory_space<vmem>> -> memref<1x96x512xf32, #tpu.memory_space<vmem>>
    %dma_wait3A_811 = tpu.memref_squeeze %dma_wait3A_810 : memref<1x96x512xf32, #tpu.memory_space<vmem>> -> memref<96x512xf32, #tpu.memory_space<vmem>>
    %dma_wait3A_812 = arith.constant 0 : i32
    %dma_wait3A_813 = tpu.memref_slice %arg4[%add3A_741, %dma_wait3A_812] : memref<52224x512xf32, #tpu.memory_space<hbm>> -> memref<96x512xf32, #tpu.memory_space<hbm>>
    %dma_wait3A_814 = arith.constant 0 : i32
    %dma_wait3A_815 = tpu.memref_slice %arg4[%add3A_741, %dma_wait3A_814] : memref<52224x512xf32, #tpu.memory_space<hbm>> -> memref<96x512xf32, #tpu.memory_space<hbm>>
    %dma_wait3A_816 = arith.constant 0 : i32
    %dma_wait3A_817 = arith.constant 0 : i32
    %dma_wait3A_818 = tpu.memref_slice %arg6[%dma_wait3A_807, %dma_wait3A_816, %dma_wait3A_817] : memref<2x96x512xf32, #tpu.memory_space<vmem>> -> memref<1x96x512xf32, #tpu.memory_space<vmem>>
    %dma_wait3A_819 = tpu.memref_squeeze %dma_wait3A_818 : memref<1x96x512xf32, #tpu.memory_space<vmem>> -> memref<96x512xf32, #tpu.memory_space<vmem>>
    tpu.wait_dma2 semaphore(%arg8 : memref<!tpu.dma_semaphore, #tpu.memory_space<semaphore_mem>>) src(%dma_wait3A_819 : memref<96x512xf32, #tpu.memory_space<vmem>>) dst(%dma_wait3A_815 : memref<96x512xf32, #tpu.memory_space<hbm>>)
    %dma_start3A_820 = arith.constant 16 : i32
    %dma_start3A_821 = arith.constant 0 : i32
    %dma_start3A_822 = arith.constant 0 : i32
    %dma_start3A_823 = arith.constant 0 : i32
    %dma_start3A_824 = tpu.memref_slice %arg6[%dma_start3A_821, %dma_start3A_822, %dma_start3A_823] : memref<2x96x512xf32, #tpu.memory_space<vmem>> -> memref<1x96x512xf32, #tpu.memory_space<vmem>>
    %dma_start3A_825 = tpu.memref_squeeze %dma_start3A_824 : memref<1x96x512xf32, #tpu.memory_space<vmem>> -> memref<96x512xf32, #tpu.memory_space<vmem>>
    %dma_start3A_826 = arith.constant 0 : i32
    %dma_start3A_827 = tpu.memref_slice %arg5[%dma_start3A_820, %dma_start3A_826] : memref<17x96xi32, #tpu.memory_space<vmem>> -> memref<1x96xi32, #tpu.memory_space<vmem>>
    %dma_start3A_828 = tpu.memref_squeeze %dma_start3A_827 : memref<1x96xi32, #tpu.memory_space<vmem>> -> memref<96xi32, #tpu.memory_space<vmem>>
    %dma_start3A_829 = arith.constant 0 : i32
    %dma_start3A_830 = arith.constant 0 : i32
    %dma_start3A_831 = tpu.memref_slice %arg2[%dma_start3A_829, %dma_start3A_830] : memref<1160x512xf32, #tpu.memory_space<hbm>> -> memref<1160x512xf32, #tpu.memory_space<hbm>>
    tpu.enqueue_indirect_dma source(%dma_start3A_831 : memref<1160x512xf32, #tpu.memory_space<hbm>>) target(%dma_start3A_825 : memref<96x512xf32, #tpu.memory_space<vmem>>) offsets(%dma_start3A_828 : memref<96xi32, #tpu.memory_space<vmem>>) semaphore(%arg7 : memref<!tpu.dma_semaphore, #tpu.memory_space<semaphore_mem>>)
    %dma_wait3A_832 = arith.constant 16 : i32
    %dma_wait3A_833 = arith.constant 0 : i32
    %dma_wait3A_834 = arith.constant 0 : i32
    %dma_wait3A_835 = arith.constant 0 : i32
    %dma_wait3A_836 = tpu.memref_slice %arg6[%dma_wait3A_833, %dma_wait3A_834, %dma_wait3A_835] : memref<2x96x512xf32, #tpu.memory_space<vmem>> -> memref<1x96x512xf32, #tpu.memory_space<vmem>>
    %dma_wait3A_837 = tpu.memref_squeeze %dma_wait3A_836 : memref<1x96x512xf32, #tpu.memory_space<vmem>> -> memref<96x512xf32, #tpu.memory_space<vmem>>
    %dma_wait3A_838 = arith.constant 0 : i32
    %dma_wait3A_839 = tpu.memref_slice %arg5[%dma_wait3A_832, %dma_wait3A_838] : memref<17x96xi32, #tpu.memory_space<vmem>> -> memref<1x96xi32, #tpu.memory_space<vmem>>
    %dma_wait3A_840 = tpu.memref_squeeze %dma_wait3A_839 : memref<1x96xi32, #tpu.memory_space<vmem>> -> memref<96xi32, #tpu.memory_space<vmem>>
    %dma_wait3A_841 = arith.constant 0 : i32
    %dma_wait3A_842 = arith.constant 0 : i32
    %dma_wait3A_843 = tpu.memref_slice %arg2[%dma_wait3A_841, %dma_wait3A_842] : memref<1160x512xf32, #tpu.memory_space<hbm>> -> memref<1160x512xf32, #tpu.memory_space<hbm>>
    tpu.wait_indirect_dma semaphore(%arg7 : memref<!tpu.dma_semaphore, #tpu.memory_space<semaphore_mem>>) src(%dma_wait3A_843 : memref<1160x512xf32, #tpu.memory_space<hbm>>) dst(%dma_wait3A_837 : memref<96x512xf32, #tpu.memory_space<vmem>>)
    %add3A_844 = arith.constant 1536 : i32
    %add3A_845 = arith.addi %mul3A_2, %add3A_844 : i32
    %dma_start3A_846 = arith.constant 0 : i32
    %dma_start3A_847 = arith.constant 0 : i32
    %dma_start3A_848 = arith.constant 0 : i32
    %dma_start3A_849 = tpu.memref_slice %arg6[%dma_start3A_846, %dma_start3A_847, %dma_start3A_848] : memref<2x96x512xf32, #tpu.memory_space<vmem>> -> memref<1x96x512xf32, #tpu.memory_space<vmem>>
    %dma_start3A_850 = tpu.memref_squeeze %dma_start3A_849 : memref<1x96x512xf32, #tpu.memory_space<vmem>> -> memref<96x512xf32, #tpu.memory_space<vmem>>
    %dma_start3A_851 = arith.constant 0 : i32
    %dma_start3A_852 = tpu.memref_slice %arg4[%add3A_845, %dma_start3A_851] : memref<52224x512xf32, #tpu.memory_space<hbm>> -> memref<96x512xf32, #tpu.memory_space<hbm>>
    %dma_start3A_853 = arith.constant 0 : i32
    %dma_start3A_854 = tpu.memref_slice %arg4[%add3A_845, %dma_start3A_853] : memref<52224x512xf32, #tpu.memory_space<hbm>> -> memref<96x512xf32, #tpu.memory_space<hbm>>
    %dma_start3A_855 = arith.constant 0 : i32
    %dma_start3A_856 = arith.constant 0 : i32
    %dma_start3A_857 = tpu.memref_slice %arg6[%dma_start3A_846, %dma_start3A_855, %dma_start3A_856] : memref<2x96x512xf32, #tpu.memory_space<vmem>> -> memref<1x96x512xf32, #tpu.memory_space<vmem>>
    %dma_start3A_858 = tpu.memref_squeeze %dma_start3A_857 : memref<1x96x512xf32, #tpu.memory_space<vmem>> -> memref<96x512xf32, #tpu.memory_space<vmem>>
    tpu.enqueue_dma source(%dma_start3A_858 : memref<96x512xf32, #tpu.memory_space<vmem>>) target(%dma_start3A_854 : memref<96x512xf32, #tpu.memory_space<hbm>>) target_semaphore(%arg8 : memref<!tpu.dma_semaphore, #tpu.memory_space<semaphore_mem>>)
    %dma_wait3A_859 = arith.constant 1 : i32
    %dma_wait3A_860 = arith.constant 0 : i32
    %dma_wait3A_861 = arith.constant 0 : i32
    %dma_wait3A_862 = tpu.memref_slice %arg6[%dma_wait3A_859, %dma_wait3A_860, %dma_wait3A_861] : memref<2x96x512xf32, #tpu.memory_space<vmem>> -> memref<1x96x512xf32, #tpu.memory_space<vmem>>
    %dma_wait3A_863 = tpu.memref_squeeze %dma_wait3A_862 : memref<1x96x512xf32, #tpu.memory_space<vmem>> -> memref<96x512xf32, #tpu.memory_space<vmem>>
    %dma_wait3A_864 = arith.constant 0 : i32
    %dma_wait3A_865 = tpu.memref_slice %arg4[%add3A_793, %dma_wait3A_864] : memref<52224x512xf32, #tpu.memory_space<hbm>> -> memref<96x512xf32, #tpu.memory_space<hbm>>
    %dma_wait3A_866 = arith.constant 0 : i32
    %dma_wait3A_867 = tpu.memref_slice %arg4[%add3A_793, %dma_wait3A_866] : memref<52224x512xf32, #tpu.memory_space<hbm>> -> memref<96x512xf32, #tpu.memory_space<hbm>>
    %dma_wait3A_868 = arith.constant 0 : i32
    %dma_wait3A_869 = arith.constant 0 : i32
    %dma_wait3A_870 = tpu.memref_slice %arg6[%dma_wait3A_859, %dma_wait3A_868, %dma_wait3A_869] : memref<2x96x512xf32, #tpu.memory_space<vmem>> -> memref<1x96x512xf32, #tpu.memory_space<vmem>>
    %dma_wait3A_871 = tpu.memref_squeeze %dma_wait3A_870 : memref<1x96x512xf32, #tpu.memory_space<vmem>> -> memref<96x512xf32, #tpu.memory_space<vmem>>
    tpu.wait_dma2 semaphore(%arg8 : memref<!tpu.dma_semaphore, #tpu.memory_space<semaphore_mem>>) src(%dma_wait3A_871 : memref<96x512xf32, #tpu.memory_space<vmem>>) dst(%dma_wait3A_867 : memref<96x512xf32, #tpu.memory_space<hbm>>)
    %dma_wait3A_872 = arith.constant 0 : i32
    %dma_wait3A_873 = arith.constant 0 : i32
    %dma_wait3A_874 = arith.constant 0 : i32
    %dma_wait3A_875 = tpu.memref_slice %arg6[%dma_wait3A_872, %dma_wait3A_873, %dma_wait3A_874] : memref<2x96x512xf32, #tpu.memory_space<vmem>> -> memref<1x96x512xf32, #tpu.memory_space<vmem>>
    %dma_wait3A_876 = tpu.memref_squeeze %dma_wait3A_875 : memref<1x96x512xf32, #tpu.memory_space<vmem>> -> memref<96x512xf32, #tpu.memory_space<vmem>>
    %dma_wait3A_877 = arith.constant 0 : i32
    %dma_wait3A_878 = tpu.memref_slice %arg4[%add3A_845, %dma_wait3A_877] : memref<52224x512xf32, #tpu.memory_space<hbm>> -> memref<96x512xf32, #tpu.memory_space<hbm>>
    %dma_wait3A_879 = arith.constant 0 : i32
    %dma_wait3A_880 = tpu.memref_slice %arg4[%add3A_845, %dma_wait3A_879] : memref<52224x512xf32, #tpu.memory_space<hbm>> -> memref<96x512xf32, #tpu.memory_space<hbm>>
    %dma_wait3A_881 = arith.constant 0 : i32
    %dma_wait3A_882 = arith.constant 0 : i32
    %dma_wait3A_883 = tpu.memref_slice %arg6[%dma_wait3A_872, %dma_wait3A_881, %dma_wait3A_882] : memref<2x96x512xf32, #tpu.memory_space<vmem>> -> memref<1x96x512xf32, #tpu.memory_space<vmem>>
    %dma_wait3A_884 = tpu.memref_squeeze %dma_wait3A_883 : memref<1x96x512xf32, #tpu.memory_space<vmem>> -> memref<96x512xf32, #tpu.memory_space<vmem>>
    tpu.wait_dma2 semaphore(%arg8 : memref<!tpu.dma_semaphore, #tpu.memory_space<semaphore_mem>>) src(%dma_wait3A_884 : memref<96x512xf32, #tpu.memory_space<vmem>>) dst(%dma_wait3A_880 : memref<96x512xf32, #tpu.memory_space<hbm>>)
    return
  }
}

</mosaic_0001>

<sc_bundles>
// kernel: _sc_gather.3.cloned.1.call-start
scs
__scs_entry_jumppad:
0x0: {  	(pc) =	sbr.rel $0x88, $3  }
0x1: {  	(tag) =	ssettag $0x0;
	lr =	simm.s32 $0x1  }
0x2: {  	[smem:$0x3F9F] =	sst lr;
	_ =	strace $0xD0000000  }
0x3: {  	_ = 	snop  }
0x4: {  	_ = 	snop  }
0x5: {  	_ = 	snop  }
0x6: {  	_ = 	snop  }
0x7: {  	_ = 	snop  }
__scs_overlays_trampoline_lowered:
0x8: {  	[smem:$0x3FAE] =	sst s0  }
0x9: {  	[smem:$0x3FAF] =	sst s1  }
0xa: {  	[smem:$0x3FB0] =	sst s2  }
0xb: {  	[smem:$0x3FB1] =	sst s3  }
0xc: {  	[smem:$0x3FB2] =	sst s4  }
0xd: {  	[smem:$0x3FB3] =	sst s5  }
0xe: {  	[smem:$0x3FB4] =	sst s6  }
0xf: {  	[smem:$0x3FB5] =	sst s7  }
0x10: {  	[smem:$0x3FB6] =	sst s8  }
0x11: {  	[smem:$0x3FB7] =	sst s9;
	s0 =	simm.s32 @!p0 $0x0  }
0x12: {  	s1 =	sld [smem:$0x3F9D];
	s0 =	simm.s32 @p0 $0x1  }
0x13: {  	[smem:$0x3FB8] =	sst s0;
	s0 =	simm.s32 @!p1 $0x0  }
0x14: {  	s2 =	sld [smem:$0x3F9C];
	s0 =	simm.s32 @p1 $0x1  }
0x15: {  	[smem:$0x3FB9] =	sst s0;
	s0 =	simm.s32 @!p2 $0x0  }
0x16: {  	s3 =	sld [smem:$0x3FDB];
	s0 =	simm.s32 @p2 $0x1  }
0x17: {  	s4 =	simm.s32 $0x1BF5;
	[smem:$0x3FBB] =	sst s0  }
0x18: {  	s0 =	sld [smem:$0x3F9E];
	_ =	swait.ge [sflag:s4], $0x0  }
0x19: {  	s7 =	sld [smem:$0x3F9F]  }
0x1a: {  	s8 =	sadd.s32 $0xFFFFE003, lr  }
0x1b: {  	s9 =	sadd.s32 $0xFFFFFEF7, lr;
	s5 =	simm.s32 $0xFFFFFFFF;
	p2 =	slt.u32 s8, $0xFFFFF086  }
0x1c: {  	p1 =	slt.u32 s9, $0xF7A;
	s5 =	simm.s32 @!p2 $0x0  }
0x1d: {  	s5 =	simm.s32 @p1 $0x1;
	p0 =	seq.s32 s7, s2  }
0x1e: {  	s7 =	smul.u32 @!p0 $0xF7A, s2;
	p2 =	seq.s32 @!p0 s5, $0x0  }
0x1f: {  	s9 =	smul.u32 $0xF7A, s1;
	s8 =	simm.s32 @!p0 $0x1BF5;
	p2 =	por !p2, p0  }
0x20: {  	[sflag:s8] =	ssyncset.s32 @!p0 $0xFFFFF086;
	s6 =	sadd.s32 @!p0 s3, s7;
	s7 =	simm.s32 @!p0 $0x108  }
0x21: {  	s3 =	sadd.s32 s3, s9;
	s6 =	sadd.s32 @!p0 $0x88, s6;
	s7 =	simm.s32 @p2 $0x1082  }
0x22: {  	[simem:s7], [sflag:s8] =	dma.local @!p0 [hbm:s6], $0xF7A  }
0x23: {  	s9 =	sor.u32 $0xD0000000, s2;
	s6 =	simm.s32 $0x108;
	_ =	swait.ge @!p0 [sflag:s8], $0x0  }
0x24: {  	s3 =	sadd.s32 $0x88, s3;
	s6 =	simm.s32 @!p1 $0x1082;
	[sflag:s4] =	ssyncset.s32 $0xFFFFF086  }
0x25: {  	[simem:s6], [sflag:s4] =	dma.local [hbm:s3], $0xF7A  }
0x26: {  	[smem:$0x3F9F] =	sst s1;
	(tag) =	ssettag s2;
	_ =	strace s9  }
0x27: {  	s1 =	sld [smem:$0x3FAF]  }
0x28: {  	s2 =	sld [smem:$0x3FB0]  }
0x29: {  	s4 =	sld [smem:$0x3FB2]  }
0x2a: {  	p0 =	seq.s32 s5, $0x0;
	s5 =	sld [smem:$0x3FB3]  }
0x2b: {  	s6 =	sld [smem:$0x3FB4]  }
0x2c: {  	s7 =	sld [smem:$0x3FB5]  }
0x2d: {  	s3 =	simm.s32 $0x108;
	s8 =	sld [smem:$0x3FB6]  }
0x2e: {  	s3 =	simm.s32 @!p0 $0x1082;
	s9 =	sld [smem:$0x3FB7]  }
0x2f: {  	lr =	sadd.s32 s0, s3;
	s0 =	sld [smem:$0x3FAE]  }
0x30: {  	s3 =	sld [smem:$0x3FB1]  }
0x31: {  	[smem:$0x3FBA] =	sst s10  }
0x32: {  	s10 =	sld [smem:$0x3FB8];
	_ =	sdelay $0x3  }
0x33: {  	p0 =	seq.s32 s10, $0x1;
	s10 =	sld [smem:$0x3FBA];
	_ =	sdelay $0x3  }
0x34: {  	[smem:$0x3FBA] =	sst s10  }
0x35: {  	s10 =	sld [smem:$0x3FB9];
	_ =	sdelay $0x3  }
0x36: {  	p1 =	seq.s32 s10, $0x1;
	s10 =	sld [smem:$0x3FBA];
	_ =	sdelay $0x3  }
0x37: {  	[smem:$0x3FBA] =	sst s10  }
0x38: {  	s10 =	sld [smem:$0x3FBB]  }
0x39: {  	_ = 	snop;
	(pc) =	sbr.ind lr, $3  }
0x3a: {  	_ = 	snop  }
0x3b: {  	_ = 	snop  }
0x3c: {  	p2 =	seq.s32 s10, $0x1;
	s10 =	sld [smem:$0x3FBA]  }
0x3d: {  	_ =	shalt  }
0x3e: {  	_ =	shalt  }
0x3f: {  	_ =	shalt  }
0x40: {  	_ =	shalt  }
0x41: {  	_ =	shalt  }
0x42: {  	_ =	shalt  }
0x43: {  	_ =	shalt  }
0x44: {  	_ =	shalt  }
0x45: {  	_ =	shalt  }
0x46: {  	_ =	shalt  }
0x47: {  	_ =	shalt  }
0x48: {  	_ =	shalt  }
0x49: {  	_ =	shalt  }
0x4a: {  	_ =	shalt  }
0x4b: {  	_ =	shalt  }
0x4c: {  	_ =	shalt  }
0x4d: {  	_ =	shalt  }
0x4e: {  	_ =	shalt  }
0x4f: {  	_ =	shalt  }
0x50: {  	_ =	shalt  }
0x51: {  	_ =	shalt  }
0x52: {  	_ =	shalt  }
0x53: {  	_ =	shalt  }
0x54: {  	_ =	shalt  }
0x55: {  	_ =	shalt  }
0x56: {  	_ =	shalt  }
0x57: {  	_ =	shalt  }
0x58: {  	_ =	shalt  }
0x59: {  	_ =	shalt  }
0x5a: {  	_ =	shalt  }
0x5b: {  	_ =	shalt  }
0x5c: {  	_ =	shalt  }
0x5d: {  	_ =	shalt  }
0x5e: {  	_ =	shalt  }
0x5f: {  	_ =	shalt  }
0x60: {  	_ =	shalt  }
0x61: {  	_ =	shalt  }
0x62: {  	_ =	shalt  }
0x63: {  	_ =	shalt  }
0x64: {  	_ =	shalt  }
0x65: {  	_ =	shalt  }
0x66: {  	_ =	shalt  }
0x67: {  	_ =	shalt  }
0x68: {  	_ =	shalt  }
0x69: {  	_ =	shalt  }
0x6a: {  	_ =	shalt  }
0x6b: {  	_ =	shalt  }
0x6c: {  	_ =	shalt  }
0x6d: {  	_ =	shalt  }
0x6e: {  	_ =	shalt  }
0x6f: {  	_ =	shalt  }
0x70: {  	_ =	shalt  }
0x71: {  	_ =	shalt  }
0x72: {  	_ =	shalt  }
0x73: {  	_ =	shalt  }
0x74: {  	_ =	shalt  }
0x75: {  	_ =	shalt  }
0x76: {  	_ =	shalt  }
0x77: {  	_ =	shalt  }
0x78: {  	_ =	shalt  }
0x79: {  	_ =	shalt  }
0x7a: {  	_ =	shalt  }
0x7b: {  	_ =	shalt  }
0x7c: {  	_ =	shalt  }
0x7d: {  	_ =	shalt  }
0x7e: {  	_ =	shalt  }
0x7f: {  	_ =	shalt  }
0x80: {  	_ =	shalt  }
0x81: {  	_ =	shalt  }
0x82: {  	_ =	shalt  }
0x83: {  	_ =	shalt  }
0x84: {  	_ =	shalt  }
0x85: {  	_ =	shalt  }
0x86: {  	_ =	shalt  }
0x87: {  	_ =	shalt  }
.Lfunc_end0:
.L_simem_size_0:
called_computation_lowered:
.L_overlay_start_0:
0x88: {  	s2 =	sld [smem:$0x3FD9]  }
0x89: {  	s3 =	sld [smem:$0x3FFE];
	_ =	sdelay $0x1  }
0x8a: {  	s1 =	srdreg.scid  }
0x8b: {  	s0 =	sand.u32 $0x1, s1  }
0x8c: {  	s17 =	sshll.u32 s0, $0xA;
	s2 =	sadd.s32 s3, s2  }
0x8d: {  	s2 =	sadd.s32 s2, s17  }
0x8e: {  	[smem:$0x3FC6] =	sst s2  }
0x8f: {  	_ = 	snop  }
0x90: {  	s2 =	sld [smem:$0x3FC9]  }
0x91: {  	s18 =	sld [smem:$0x3FD0];
	(tm) =	ssettm $0x1  }
0x92: {  	s4 =	sld [smem:$0x3FFB];
	_ =	sdelay $0x3  }
0x93: {  	_ =	strace s4  }
0x94: {  	s4 =	sld [smem:$0x3FFC];
	_ =	sdelay $0x3  }
0x95: {  	_ =	strace s4  }
0x96: {  	s4 =	sld [smem:$0x3FFD];
	_ =	sdelay $0x3  }
0x97: {  	_ =	strace s4  }
0x98: {  	_ =	strace $0x8FFFFFFF  }
0x99: {  	s19 =	sld [smem:$0x3FDB];
	_ =	sdelay $0x1  }
0x9a: {  	s5 =	simm.s32 $_scs_section_size  }
0x9b: {  	s6 =	simm.s32 $_size__tile_overlayer_lowered;
	s7 =	simm.s32 $_tile_overlayer_lowered  }
0x9c: {  	s22 =	simm.s32 $0x1BFF;
	s21 =	sshll.u32 s7, $0x1;
	s4 =	sadd.s32 s5, s19  }
0x9d: {  	s8 =	simm.s32 $0x0;
	s20 =	sshll.u32 s6, $0x1;
	s6 =	sadd.s32 s21, s4  }
0x9e: {  	[timem:s8], [sflag:s22] =	dma.local [hbm:s6], s20  }
0x9f: {  	_ =	swait.ge [sflag:s22], s20  }
0xa0: {  	s5 =	ssub.s32 $0x0, s20;
	[sflag:s22] =	ssyncset.done $0x0  }
0xa1: {  	[sflag:s22] =	ssyncadd.s32 s5;
	_ =	sdelay $0x1  }
0xa2: {  	s23 =	simm.s32 $0x1B8B  }
0xa3: {  	_ =	swait.ge [sflag:s23], $0x1  }
0xa4: {  	[sflag:s23] =	ssyncset.done $0x0  }
0xa5: {  	s25 =	simm.s32 $0x1B8E;
	s24 =	sld [smem:$0x3FFE];
	[sflag:s23] =	ssyncadd.s32 $0xFFFFFFFF  }
0xa6: {  	s26 =	simm.s32 $execute0_lowered;
	[smem:$0x3FD2] =	sst s25  }
0xa7: {  	s6 =	sshll.u32 s26, $0x1;
	_ =	strace $0x80000046;
	[dreg:$0x1] =	wrdreg $0xFFFFFFFF  }
0xa8: {  	s28 =	simm.s32 $_size_execute0_lowered;
	s4 =	sadd.s32 s4, s6;
	[dreg:$0x0] =	wrdreg $0x0  }
0xa9: {  	s6 =	sshll.u32 s28, $0x1;
	[dreg:$0x2] =	wrdreg s4  }
0xaa: {  	[dreg:$0x3] =	wrdreg s6  }
0xab: {  	[dreg:$0x4] =	wrdreg $0xC0  }
0xac: {  	_ =	task [dreg:s8], $0x5FFFF  }
0xad: {  	[dreg:$0x1] =	wrdreg $0xFFFFFFFF  }
0xae: {  	[dreg:$0x0] =	wrdreg $0x60  }
0xaf: {  	[dreg:$0x2] =	wrdreg s2  }
0xb0: {  	[dreg:$0x3] =	wrdreg s24  }
0xb1: {  	[dreg:$0x4] =	wrdreg s18  }
0xb2: {  	[dreg:$0x5] =	wrdreg $0x9  }
0xb3: {  	_ =	task.clear_ibuf [dreg:s8], $0x6FFFF;
	_ =	strace $0x90000046  }
0xb4: {  	s29 =	simm.s32 $0x9;
	_ =	strace $0x80000048  }
0xb5: {  	_ =	swait.ge [sflag:s29], $0x1  }
0xb6: {  	[sflag:s29] =	ssyncadd.s32 $0xFFFFFFFF  }
0xb7: {  	_ =	strace $0x90000048  }
0xb8: {  	_ =	sfence  }
0xb9: {  	s30 =	sld [smem:$0x0];
	_ =	sdelay $0x2  }
0xba: {  	s31 =	sshll.u32 s1, $0xD;
	s1 =	sshrl.u32 s1, $0x2  }
0xbb: {  	s3 =	sand.u32 $0x4000, s31;
	s1 =	sadd.s32 s1, s30  }
0xbc: {  	s0 =	sor.u32 s3, s0;
	s1 =	sshll.u32 s1, $0x11  }
0xbd: {  	s0 =	sor.u32 s1, s0  }
0xbe: {  	s0 =	sadd.s32 $0x8F2B, s0  }
0xbf: {  	[sflag:s0] =	ssyncadd.remote.s32 $0x1  }
0xc0: {  	_ =	sfence.sel $0xFFFF  }
0xc1: {  	[dreg:$0x0] =	wrdreg $0xFFFFFFFF;
	(pc) =	sbr.abs _section_cstart, $3  }
0xc2: {  	[dreg:$0x1] =	wrdreg $0xFFFFFFFF  }
0xc3: {  	_ =	task.clear_ibuf [dreg:s8], $0x2FFFF;
	_ =	strace $0x9FFFFFFF  }
0xc4: {  	(tm) =	ssettm $0x7FFFFFFF  }
0xc5: {  	_ =	shalt  }
tec
execute0_lowered:
.L_overlay_start_1:
0x0: {  	(tag) =	ssettag $0x1  }
0x1: {  	s0 =	srdreg.scid;
	s2 =	stileid.u32  }
0x2: {  	s0 =	sand.u32 $0x1, s0;
	s2 =	sshll.u32 s2, $0x1  }
0x3: {  	s2 =	sor.u32 s0, s2  }
0x4: {  	s1 =	rddreg [dreg:$0x0];
	s6 =	smul.u32 $0x180, s2  }
0x5: {  	s4 =	rddreg [dreg:$0x1];
	s3 =	simm.s32 $0x0;
	s7 =	smul.u32 $0xCC000, s2  }
0x6: {  	[smem:$0x7FF] =	sst s3;
	s2 =	smul.u32 $0x19800, s2  }
0x7: {  	s5 =	rddreg [dreg:$0x2];
	_ =	strace $0x80000047  }
0x8: {  	s4 =	sadd.s32 s6, s4;
	s12 =	sshrl.u32 s7, $0x3;
	s2 =	sadd.s32 s5, s2  }
0x9: {  	s4 =	sadd.s32 $0x400, s4;
	s13 =	sadd.s32 s5, s12;
	[dreg:$0x5] =	wrdreg s2  }
0xa: {  	[dreg:$0x4] =	wrdreg s4;
	s14 =	sadd.s32 $0x1800, s13  }
0xb: {  	s15 =	sadd.s32 $0x3000, s13;
	[dreg:$0x6] =	wrdreg s14  }
0xc: {  	s16 =	sadd.s32 $0x4800, s13;
	[dreg:$0x7] =	wrdreg s15  }
0xd: {  	s17 =	sadd.s32 $0x6000, s13;
	[dreg:$0x8] =	wrdreg s16  }
0xe: {  	s18 =	sadd.s32 $0x7800, s13;
	[dreg:$0x9] =	wrdreg s17  }
0xf: {  	s19 =	sadd.s32 $0x9000, s13;
	[dreg:$0xa] =	wrdreg s18  }
0x10: {  	s20 =	sadd.s32 $0xA800, s13;
	[dreg:$0xb] =	wrdreg s19  }
0x11: {  	s21 =	sadd.s32 $0xC000, s13;
	[dreg:$0xc] =	wrdreg s20  }
0x12: {  	s22 =	sadd.s32 $0xD800, s13;
	[dreg:$0xd] =	wrdreg s21  }
0x13: {  	s0 =	ssub.s32 $0x2, s0;
	s23 =	sadd.s32 $0xF000, s13;
	[dreg:$0xe] =	wrdreg s22  }
0x14: {  	s29 =	sshrl.u32 s0, $0x1;
	s24 =	sadd.s32 $0x10800, s13;
	[dreg:$0xf] =	wrdreg s23  }
0x15: {  	s0 =	ssub.s32 s0, s29;
	s25 =	sadd.s32 $0x12000, s13;
	[dreg:$0x10] =	wrdreg s24  }
0x16: {  	s7 =	simm.s32 $0xC00;
	s26 =	sadd.s32 $0x13800, s13;
	[dreg:$0x11] =	wrdreg s25  }
0x17: {  	s6 =	simm.s32 $0x2;
	s28 =	sadd.s32 $0x15000, s13;
	[dreg:$0x12] =	wrdreg s26  }
0x18: {  	v2 =	vlaneseq.u32;
	s5 =	smax.u32 s0, $0x1;
	s30 =	sadd.s32 $0x16800, s13;
	[dreg:$0x13] =	wrdreg s28  }
0x19: {  	vm0 =	vmmov $0xffff;
	v1 =	vshrl.u32 v2, $0x3;
	s2 =	simm.s32 $0x1;
	s31 =	sadd.s32 $0x18000, s13;
	[dreg:$0x14] =	wrdreg s30  }
0x1a: {  	v0 =	vand.u32 $0x7, v2;
	v2 =	vor.u32 $0x8, v2;
	v1 =	vmul.u32 $0x8, v1;
	s0 =	simm.s32 $0xCC00;
	s4 =	sadd.s32 $0x100, s1;
	[dreg:$0x15] =	wrdreg s31  }
.LBB2_1:
0x1b: {  	[dreg:$0x16] =	wrdreg s5  }
0x1c: {  	s8 =	rddreg [dreg:$0x4];
	s31 =	simm.s32 $0x3  }
0x1d: {  	[tilespmem:s3], [sflag:$0x3] =	stream.linear.gather [hbm4b:s8+s3], $0x880, $0x38;
	[tilespmem:$0x18C00] =	vst v63  }
0x1e: {  	_ =	swait.ge [sflag:s31], $0x880  }
0x1f: {  	[sflag:s31] =	ssyncset.done $0x0  }
0x20: {  	[sflag:s31] =	ssyncadd.s32 $0xFFFFF780  }
0x21: {  	v3 =	vld [tilespmem:$0x0];
	_ =	sdelay $0x4  }
0x22: {  	v4 =	vshll.u32 v3, $0x2  }
0x23: {  	v3 =	vand.u32 $0x7, v3;
	v4 =	vand.u32 $0xFFFFFFE0, v4  }
0x24: {  	v3 =	vor.u32 v3, v4  }
0x25: {  	v4 =	vperm.xlane v3, v0;
	_ =	sdelay $0x1  }
0x26: {  	v4 =	vadd.s32 v1, v4;
	_ =	sdelay $0x1  }
0x27: {  	v3 =	vperm.xlane v3, v2;
	_ =	sdelay $0x1  }
0x28: {  	v3 =	vadd.s32 v1, v3  }
0x29: {  	[tilespmem:s7], [sflag:$0x1] =	stream.indirect_vreg.gather [hbm4b:s1+s3], $0x80, v4, vm0, $0xb8;
	[tilespmem:$0x18C00] =	vst v63  }
0x2a: {  	s5 =	simm.s32 $0x1400  }
0x2b: {  	[tilespmem:s5], [sflag:$0x1] =	stream.indirect_vreg.gather [hbm4b:s4+s3], $0x80, v4, vm0, $0xb8;
	[tilespmem:$0x18C00] =	vst v63  }
0x2c: {  	s9 =	simm.s32 $0x1C00  }
0x2d: {  	[tilespmem:s9], [sflag:$0x1] =	stream.indirect_vreg.gather [hbm4b:s1+s3], $0x80, v3, vm0, $0xb8;
	[tilespmem:$0x18C00] =	vst v63  }
0x2e: {  	s10 =	simm.s32 $0x2400  }
0x2f: {  	[tilespmem:s10], [sflag:$0x1] =	stream.indirect_vreg.gather [hbm4b:s4+s3], $0x80, v3, vm0, $0xb8;
	[tilespmem:$0x18C00] =	vst v63  }
0x30: {  	v3 =	vld [tilespmem:$0x10];
	_ =	sdelay $0x4  }
0x31: {  	v19 =	vshll.u32 v3, $0x2  }
0x32: {  	v3 =	vand.u32 $0x7, v3;
	v4 =	vand.u32 $0xFFFFFFE0, v19  }
0x33: {  	v3 =	vor.u32 v3, v4  }
0x34: {  	v4 =	vperm.xlane v3, v0;
	_ =	sdelay $0x1  }
0x35: {  	v4 =	vadd.s32 v1, v4;
	_ =	sdelay $0x1  }
0x36: {  	v3 =	vperm.xlane v3, v2;
	_ =	sdelay $0x1  }
0x37: {  	s11 =	simm.s32 $0x2C00;
	v3 =	vadd.s32 v1, v3  }
0x38: {  	[tilespmem:s11], [sflag:$0x1] =	stream.indirect_vreg.gather [hbm4b:s1+s3], $0x80, v4, vm0, $0xb8;
	[tilespmem:$0x18C00] =	vst v63  }
0x39: {  	s12 =	simm.s32 $0x3400  }
0x3a: {  	[tilespmem:s12], [sflag:$0x1] =	stream.indirect_vreg.gather [hbm4b:s4+s3], $0x80, v4, vm0, $0xb8;
	[tilespmem:$0x18C00] =	vst v63  }
0x3b: {  	s13 =	simm.s32 $0x3C00  }
0x3c: {  	[tilespmem:s13], [sflag:$0x1] =	stream.indirect_vreg.gather [hbm4b:s1+s3], $0x80, v3, vm0, $0xb8;
	[tilespmem:$0x18C00] =	vst v63  }
0x3d: {  	s14 =	simm.s32 $0x4400  }
0x3e: {  	[tilespmem:s14], [sflag:$0x1] =	stream.indirect_vreg.gather [hbm4b:s4+s3], $0x80, v3, vm0, $0xb8;
	[tilespmem:$0x18C00] =	vst v63  }
0x3f: {  	v3 =	vld [tilespmem:$0x20];
	_ =	sdelay $0x4  }
0x40: {  	v20 =	vshll.u32 v3, $0x2  }
0x41: {  	v3 =	vand.u32 $0x7, v3;
	v4 =	vand.u32 $0xFFFFFFE0, v20  }
0x42: {  	v3 =	vor.u32 v3, v4  }
0x43: {  	v4 =	vperm.xlane v3, v0;
	_ =	sdelay $0x1  }
0x44: {  	v4 =	vadd.s32 v1, v4;
	_ =	sdelay $0x1  }
0x45: {  	v3 =	vperm.xlane v3, v2;
	_ =	sdelay $0x1  }
0x46: {  	s15 =	simm.s32 $0x4C00;
	v3 =	vadd.s32 v1, v3  }
0x47: {  	[tilespmem:s15], [sflag:$0x1] =	stream.indirect_vreg.gather [hbm4b:s1+s3], $0x80, v4, vm0, $0xb8;
	[tilespmem:$0x18C00] =	vst v63  }
0x48: {  	s16 =	simm.s32 $0x5400  }
0x49: {  	[tilespmem:s16], [sflag:$0x1] =	stream.indirect_vreg.gather [hbm4b:s4+s3], $0x80, v4, vm0, $0xb8;
	[tilespmem:$0x18C00] =	vst v63  }
0x4a: {  	s17 =	simm.s32 $0x5C00  }
0x4b: {  	[tilespmem:s17], [sflag:$0x1] =	stream.indirect_vreg.gather [hbm4b:s1+s3], $0x80, v3, vm0, $0xb8;
	[tilespmem:$0x18C00] =	vst v63  }
0x4c: {  	s18 =	simm.s32 $0x6400  }
0x4d: {  	[tilespmem:s18], [sflag:$0x1] =	stream.indirect_vreg.gather [hbm4b:s4+s3], $0x80, v3, vm0, $0xb8;
	[tilespmem:$0x18C00] =	vst v63  }
0x4e: {  	v3 =	vld [tilespmem:$0x30];
	_ =	sdelay $0x4  }
0x4f: {  	v21 =	vshll.u32 v3, $0x2  }
0x50: {  	v3 =	vand.u32 $0x7, v3;
	v4 =	vand.u32 $0xFFFFFFE0, v21  }
0x51: {  	v3 =	vor.u32 v3, v4  }
0x52: {  	v4 =	vperm.xlane v3, v0;
	_ =	sdelay $0x1  }
0x53: {  	v4 =	vadd.s32 v1, v4;
	_ =	sdelay $0x1  }
0x54: {  	v3 =	vperm.xlane v3, v2;
	_ =	sdelay $0x1  }
0x55: {  	s19 =	simm.s32 $0x6C00;
	v3 =	vadd.s32 v1, v3  }
0x56: {  	[tilespmem:s19], [sflag:$0x1] =	stream.indirect_vreg.gather [hbm4b:s1+s3], $0x80, v4, vm0, $0xb8;
	[tilespmem:$0x18C00] =	vst v63  }
0x57: {  	s20 =	simm.s32 $0x7400  }
0x58: {  	[tilespmem:s20], [sflag:$0x1] =	stream.indirect_vreg.gather [hbm4b:s4+s3], $0x80, v4, vm0, $0xb8;
	[tilespmem:$0x18C00] =	vst v63  }
0x59: {  	s21 =	simm.s32 $0x7C00  }
0x5a: {  	[tilespmem:s21], [sflag:$0x1] =	stream.indirect_vreg.gather [hbm4b:s1+s3], $0x80, v3, vm0, $0xb8;
	[tilespmem:$0x18C00] =	vst v63  }
0x5b: {  	s22 =	simm.s32 $0x8400  }
0x5c: {  	[tilespmem:s22], [sflag:$0x1] =	stream.indirect_vreg.gather [hbm4b:s4+s3], $0x80, v3, vm0, $0xb8;
	[tilespmem:$0x18C00] =	vst v63  }
0x5d: {  	v3 =	vld [tilespmem:$0x40];
	_ =	sdelay $0x4  }
0x5e: {  	v22 =	vshll.u32 v3, $0x2  }
0x5f: {  	v3 =	vand.u32 $0x7, v3;
	v4 =	vand.u32 $0xFFFFFFE0, v22  }
0x60: {  	v3 =	vor.u32 v3, v4  }
0x61: {  	v4 =	vperm.xlane v3, v0;
	_ =	sdelay $0x1  }
0x62: {  	v4 =	vadd.s32 v1, v4;
	_ =	sdelay $0x1  }
0x63: {  	v3 =	vperm.xlane v3, v2;
	_ =	sdelay $0x1  }
0x64: {  	s23 =	simm.s32 $0x8C00;
	v3 =	vadd.s32 v1, v3  }
0x65: {  	[tilespmem:s23], [sflag:$0x1] =	stream.indirect_vreg.gather [hbm4b:s1+s3], $0x80, v4, vm0, $0xb8;
	[tilespmem:$0x18C00] =	vst v63  }
0x66: {  	s24 =	simm.s32 $0x9400  }
0x67: {  	[tilespmem:s24], [sflag:$0x1] =	stream.indirect_vreg.gather [hbm4b:s4+s3], $0x80, v4, vm0, $0xb8;
	[tilespmem:$0x18C00] =	vst v63  }
0x68: {  	s30 =	simm.s32 $0x9C00  }
0x69: {  	[tilespmem:s30], [sflag:$0x1] =	stream.indirect_vreg.gather [hbm4b:s1+s3], $0x80, v3, vm0, $0xb8;
	[tilespmem:$0x18C00] =	vst v63  }
0x6a: {  	s31 =	simm.s32 $0xA400  }
0x6b: {  	[tilespmem:s31], [sflag:$0x1] =	stream.indirect_vreg.gather [hbm4b:s4+s3], $0x80, v3, vm0, $0xb8;
	[tilespmem:$0x18C00] =	vst v63  }
0x6c: {  	v3 =	vld [tilespmem:$0x50];
	_ =	sdelay $0x4  }
0x6d: {  	v23 =	vshll.u32 v3, $0x2  }
0x6e: {  	v3 =	vand.u32 $0x7, v3;
	v4 =	vand.u32 $0xFFFFFFE0, v23  }
0x6f: {  	v3 =	vor.u32 v3, v4  }
0x70: {  	v4 =	vperm.xlane v3, v0;
	_ =	sdelay $0x1  }
0x71: {  	v4 =	vadd.s32 v1, v4;
	_ =	sdelay $0x1  }
0x72: {  	v3 =	vperm.xlane v3, v2;
	_ =	sdelay $0x1  }
0x73: {  	s22 =	simm.s32 $0xAC00;
	v3 =	vadd.s32 v1, v3  }
0x74: {  	[tilespmem:s22], [sflag:$0x1] =	stream.indirect_vreg.gather [hbm4b:s1+s3], $0x80, v4, vm0, $0xb8;
	[tilespmem:$0x18C00] =	vst v63  }
0x75: {  	s23 =	simm.s32 $0xB400  }
0x76: {  	[tilespmem:s23], [sflag:$0x1] =	stream.indirect_vreg.gather [hbm4b:s4+s3], $0x80, v4, vm0, $0xb8;
	[tilespmem:$0x18C00] =	vst v63  }
0x77: {  	s24 =	simm.s32 $0xBC00  }
0x78: {  	[tilespmem:s24], [sflag:$0x1] =	stream.indirect_vreg.gather [hbm4b:s1+s3], $0x80, v3, vm0, $0xb8;
	[tilespmem:$0x18C00] =	vst v63  }
0x79: {  	s31 =	simm.s32 $0xC400  }
0x7a: {  	[tilespmem:s31], [sflag:$0x1] =	stream.indirect_vreg.gather [hbm4b:s4+s3], $0x80, v3, vm0, $0xb8;
	[tilespmem:$0x18C00] =	vst v63  }
0x7b: {  	_ =	swait.ge [sflag:s2], $0xC000  }
0x7c: {  	[sflag:s2] =	ssyncset.done $0x0  }
0x7d: {  	s8 =	rddreg [dreg:$0x5];
	[sflag:s2] =	ssyncadd.s32 $0xFFFF4000  }
0x7e: {  	[hbm4b:s8+s3] =	stream.linear.scatter [tilespmem:s7], [sflag:$0x2], $0xC000, $0x38;
	[tilespmem:$0x18C00] =	vst v63  }
0x7f: {  	v3 =	vld [tilespmem:$0x80];
	_ =	sdelay $0x4  }
0x80: {  	v24 =	vshll.u32 v3, $0x2  }
0x81: {  	v3 =	vand.u32 $0x7, v3;
	v4 =	vand.u32 $0xFFFFFFE0, v24  }
0x82: {  	v3 =	vor.u32 v3, v4  }
0x83: {  	v4 =	vperm.xlane v3, v0;
	_ =	sdelay $0x1  }
0x84: {  	v4 =	vadd.s32 v1, v4;
	_ =	sdelay $0x1  }
0x85: {  	v3 =	vperm.xlane v3, v2;
	_ =	sdelay $0x1  }
0x86: {  	v3 =	vadd.s32 v1, v3  }
0x87: {  	[tilespmem:s0], [sflag:$0x1] =	stream.indirect_vreg.gather [hbm4b:s1+s3], $0x80, v4, vm0, $0xb8;
	[tilespmem:$0x18C00] =	vst v63  }
0x88: {  	s8 =	simm.s32 $0xD400  }
0x89: {  	[tilespmem:s8], [sflag:$0x1] =	stream.indirect_vreg.gather [hbm4b:s4+s3], $0x80, v4, vm0, $0xb8;
	[tilespmem:$0x18C00] =	vst v63  }
0x8a: {  	s8 =	simm.s32 $0xDC00  }
0x8b: {  	[tilespmem:s8], [sflag:$0x1] =	stream.indirect_vreg.gather [hbm4b:s1+s3], $0x80, v3, vm0, $0xb8;
	[tilespmem:$0x18C00] =	vst v63  }
0x8c: {  	s8 =	simm.s32 $0xE400  }
0x8d: {  	[tilespmem:s8], [sflag:$0x1] =	stream.indirect_vreg.gather [hbm4b:s4+s3], $0x80, v3, vm0, $0xb8;
	[tilespmem:$0x18C00] =	vst v63  }
0x8e: {  	v3 =	vld [tilespmem:$0x90];
	_ =	sdelay $0x4  }
0x8f: {  	v25 =	vshll.u32 v3, $0x2  }
0x90: {  	v3 =	vand.u32 $0x7, v3;
	v4 =	vand.u32 $0xFFFFFFE0, v25  }
0x91: {  	v3 =	vor.u32 v3, v4  }
0x92: {  	v4 =	vperm.xlane v3, v0;
	_ =	sdelay $0x1  }
0x93: {  	v4 =	vadd.s32 v1, v4;
	_ =	sdelay $0x1  }
0x94: {  	v3 =	vperm.xlane v3, v2;
	_ =	sdelay $0x1  }
0x95: {  	s8 =	simm.s32 $0xEC00;
	v3 =	vadd.s32 v1, v3  }
0x96: {  	[tilespmem:s8], [sflag:$0x1] =	stream.indirect_vreg.gather [hbm4b:s1+s3], $0x80, v4, vm0, $0xb8;
	[tilespmem:$0x18C00] =	vst v63  }
0x97: {  	s8 =	simm.s32 $0xF400  }
0x98: {  	[tilespmem:s8], [sflag:$0x1] =	stream.indirect_vreg.gather [hbm4b:s4+s3], $0x80, v4, vm0, $0xb8;
	[tilespmem:$0x18C00] =	vst v63  }
0x99: {  	s8 =	simm.s32 $0xFC00  }
0x9a: {  	[tilespmem:s8], [sflag:$0x1] =	stream.indirect_vreg.gather [hbm4b:s1+s3], $0x80, v3, vm0, $0xb8;
	[tilespmem:$0x18C00] =	vst v63  }
0x9b: {  	s8 =	simm.s32 $0x10400  }
0x9c: {  	[tilespmem:s8], [sflag:$0x1] =	stream.indirect_vreg.gather [hbm4b:s4+s3], $0x80, v3, vm0, $0xb8;
	[tilespmem:$0x18C00] =	vst v63  }
0x9d: {  	v3 =	vld [tilespmem:$0xA0];
	_ =	sdelay $0x4  }
0x9e: {  	v26 =	vshll.u32 v3, $0x2  }
0x9f: {  	v3 =	vand.u32 $0x7, v3;
	v4 =	vand.u32 $0xFFFFFFE0, v26  }
0xa0: {  	v3 =	vor.u32 v3, v4  }
0xa1: {  	v4 =	vperm.xlane v3, v0;
	_ =	sdelay $0x1  }
0xa2: {  	v4 =	vadd.s32 v1, v4;
	_ =	sdelay $0x1  }
0xa3: {  	v3 =	vperm.xlane v3, v2;
	_ =	sdelay $0x1  }
0xa4: {  	s8 =	simm.s32 $0x10C00;
	v3 =	vadd.s32 v1, v3  }
0xa5: {  	[tilespmem:s8], [sflag:$0x1] =	stream.indirect_vreg.gather [hbm4b:s1+s3], $0x80, v4, vm0, $0xb8;
	[tilespmem:$0x18C00] =	vst v63  }
0xa6: {  	s8 =	simm.s32 $0x11400  }
0xa7: {  	[tilespmem:s8], [sflag:$0x1] =	stream.indirect_vreg.gather [hbm4b:s4+s3], $0x80, v4, vm0, $0xb8;
	[tilespmem:$0x18C00] =	vst v63  }
0xa8: {  	s8 =	simm.s32 $0x11C00  }
0xa9: {  	[tilespmem:s8], [sflag:$0x1] =	stream.indirect_vreg.gather [hbm4b:s1+s3], $0x80, v3, vm0, $0xb8;
	[tilespmem:$0x18C00] =	vst v63  }
0xaa: {  	s8 =	simm.s32 $0x12400  }
0xab: {  	[tilespmem:s8], [sflag:$0x1] =	stream.indirect_vreg.gather [hbm4b:s4+s3], $0x80, v3, vm0, $0xb8;
	[tilespmem:$0x18C00] =	vst v63  }
0xac: {  	v3 =	vld [tilespmem:$0xB0];
	_ =	sdelay $0x4  }
0xad: {  	v27 =	vshll.u32 v3, $0x2  }
0xae: {  	v3 =	vand.u32 $0x7, v3;
	v4 =	vand.u32 $0xFFFFFFE0, v27  }
0xaf: {  	v3 =	vor.u32 v3, v4  }
0xb0: {  	v4 =	vperm.xlane v3, v0;
	_ =	sdelay $0x1  }
0xb1: {  	v4 =	vadd.s32 v1, v4;
	_ =	sdelay $0x1  }
0xb2: {  	v3 =	vperm.xlane v3, v2;
	_ =	sdelay $0x1  }
0xb3: {  	s8 =	simm.s32 $0x12C00;
	v3 =	vadd.s32 v1, v3  }
0xb4: {  	[tilespmem:s8], [sflag:$0x1] =	stream.indirect_vreg.gather [hbm4b:s1+s3], $0x80, v4, vm0, $0xb8;
	[tilespmem:$0x18C00] =	vst v63  }
0xb5: {  	s8 =	simm.s32 $0x13400  }
0xb6: {  	[tilespmem:s8], [sflag:$0x1] =	stream.indirect_vreg.gather [hbm4b:s4+s3], $0x80, v4, vm0, $0xb8;
	[tilespmem:$0x18C00] =	vst v63  }
0xb7: {  	s8 =	simm.s32 $0x13C00  }
0xb8: {  	[tilespmem:s8], [sflag:$0x1] =	stream.indirect_vreg.gather [hbm4b:s1+s3], $0x80, v3, vm0, $0xb8;
	[tilespmem:$0x18C00] =	vst v63  }
0xb9: {  	s8 =	simm.s32 $0x14400  }
0xba: {  	[tilespmem:s8], [sflag:$0x1] =	stream.indirect_vreg.gather [hbm4b:s4+s3], $0x80, v3, vm0, $0xb8;
	[tilespmem:$0x18C00] =	vst v63  }
0xbb: {  	v3 =	vld [tilespmem:$0xC0];
	_ =	sdelay $0x4  }
0xbc: {  	v28 =	vshll.u32 v3, $0x2  }
0xbd: {  	v3 =	vand.u32 $0x7, v3;
	v4 =	vand.u32 $0xFFFFFFE0, v28  }
0xbe: {  	v3 =	vor.u32 v3, v4  }
0xbf: {  	v4 =	vperm.xlane v3, v0;
	_ =	sdelay $0x1  }
0xc0: {  	v4 =	vadd.s32 v1, v4;
	_ =	sdelay $0x1  }
0xc1: {  	v3 =	vperm.xlane v3, v2;
	_ =	sdelay $0x1  }
0xc2: {  	s8 =	simm.s32 $0x14C00;
	v3 =	vadd.s32 v1, v3  }
0xc3: {  	[tilespmem:s8], [sflag:$0x1] =	stream.indirect_vreg.gather [hbm4b:s1+s3], $0x80, v4, vm0, $0xb8;
	[tilespmem:$0x18C00] =	vst v63  }
0xc4: {  	s8 =	simm.s32 $0x15400  }
0xc5: {  	[tilespmem:s8], [sflag:$0x1] =	stream.indirect_vreg.gather [hbm4b:s4+s3], $0x80, v4, vm0, $0xb8;
	[tilespmem:$0x18C00] =	vst v63  }
0xc6: {  	s8 =	simm.s32 $0x15C00  }
0xc7: {  	[tilespmem:s8], [sflag:$0x1] =	stream.indirect_vreg.gather [hbm4b:s1+s3], $0x80, v3, vm0, $0xb8;
	[tilespmem:$0x18C00] =	vst v63  }
0xc8: {  	s8 =	simm.s32 $0x16400  }
0xc9: {  	[tilespmem:s8], [sflag:$0x1] =	stream.indirect_vreg.gather [hbm4b:s4+s3], $0x80, v3, vm0, $0xb8;
	[tilespmem:$0x18C00] =	vst v63  }
0xca: {  	v3 =	vld [tilespmem:$0xD0];
	_ =	sdelay $0x4  }
0xcb: {  	v29 =	vshll.u32 v3, $0x2  }
0xcc: {  	v3 =	vand.u32 $0x7, v3;
	v4 =	vand.u32 $0xFFFFFFE0, v29  }
0xcd: {  	v3 =	vor.u32 v3, v4  }
0xce: {  	v4 =	vperm.xlane v3, v0;
	_ =	sdelay $0x1  }
0xcf: {  	v4 =	vadd.s32 v1, v4;
	_ =	sdelay $0x1  }
0xd0: {  	v3 =	vperm.xlane v3, v2;
	_ =	sdelay $0x1  }
0xd1: {  	s8 =	simm.s32 $0x16C00;
	v3 =	vadd.s32 v1, v3  }
0xd2: {  	[tilespmem:s8], [sflag:$0x1] =	stream.indirect_vreg.gather [hbm4b:s1+s3], $0x80, v4, vm0, $0xb8;
	[tilespmem:$0x18C00] =	vst v63  }
0xd3: {  	s8 =	simm.s32 $0x17400  }
0xd4: {  	[tilespmem:s8], [sflag:$0x1] =	stream.indirect_vreg.gather [hbm4b:s4+s3], $0x80, v4, vm0, $0xb8;
	[tilespmem:$0x18C00] =	vst v63  }
0xd5: {  	s8 =	simm.s32 $0x17C00  }
0xd6: {  	[tilespmem:s8], [sflag:$0x1] =	stream.indirect_vreg.gather [hbm4b:s1+s3], $0x80, v3, vm0, $0xb8;
	[tilespmem:$0x18C00] =	vst v63  }
0xd7: {  	s8 =	simm.s32 $0x18400  }
0xd8: {  	[tilespmem:s8], [sflag:$0x1] =	stream.indirect_vreg.gather [hbm4b:s4+s3], $0x80, v3, vm0, $0xb8;
	[tilespmem:$0x18C00] =	vst v63  }
0xd9: {  	_ =	swait.ge [sflag:s2], $0xC000  }
0xda: {  	[sflag:s2] =	ssyncset.done $0x0  }
0xdb: {  	s8 =	rddreg [dreg:$0x6];
	[sflag:s2] =	ssyncadd.s32 $0xFFFF4000  }
0xdc: {  	[hbm4b:s8+s3] =	stream.linear.scatter [tilespmem:s0], [sflag:$0x2], $0xC000, $0x38;
	[tilespmem:$0x18C00] =	vst v63  }
0xdd: {  	_ =	swait.ge [sflag:s6], $0xC000  }
0xde: {  	[sflag:s6] =	ssyncset.done $0x0  }
0xdf: {  	[sflag:s6] =	ssyncadd.s32 $0xFFFF4000  }
0xe0: {  	v3 =	vld [tilespmem:$0x100];
	_ =	sdelay $0x4  }
0xe1: {  	v30 =	vshll.u32 v3, $0x2  }
0xe2: {  	v3 =	vand.u32 $0x7, v3;
	v4 =	vand.u32 $0xFFFFFFE0, v30  }
0xe3: {  	v3 =	vor.u32 v3, v4  }
0xe4: {  	v4 =	vperm.xlane v3, v0;
	_ =	sdelay $0x1  }
0xe5: {  	v4 =	vadd.s32 v1, v4;
	_ =	sdelay $0x1  }
0xe6: {  	v3 =	vperm.xlane v3, v2;
	_ =	sdelay $0x1  }
0xe7: {  	v3 =	vadd.s32 v1, v3  }
0xe8: {  	[tilespmem:s7], [sflag:$0x1] =	stream.indirect_vreg.gather [hbm4b:s1+s3], $0x80, v4, vm0, $0xb8;
	[tilespmem:$0x18C00] =	vst v63  }
0xe9: {  	s5 =	simm.s32 $0x1400  }
0xea: {  	[tilespmem:s5], [sflag:$0x1] =	stream.indirect_vreg.gather [hbm4b:s4+s3], $0x80, v4, vm0, $0xb8;
	[tilespmem:$0x18C00] =	vst v63  }
0xeb: {  	s9 =	simm.s32 $0x1C00  }
0xec: {  	[tilespmem:s9], [sflag:$0x1] =	stream.indirect_vreg.gather [hbm4b:s1+s3], $0x80, v3, vm0, $0xb8;
	[tilespmem:$0x18C00] =	vst v63  }
0xed: {  	s25 =	simm.s32 $0x2400  }
0xee: {  	[tilespmem:s25], [sflag:$0x1] =	stream.indirect_vreg.gather [hbm4b:s4+s3], $0x80, v3, vm0, $0xb8;
	[tilespmem:$0x18C00] =	vst v63  }
0xef: {  	v3 =	vld [tilespmem:$0x110];
	_ =	sdelay $0x4  }
0xf0: {  	v31 =	vshll.u32 v3, $0x2  }
0xf1: {  	v3 =	vand.u32 $0x7, v3;
	v4 =	vand.u32 $0xFFFFFFE0, v31  }
0xf2: {  	v3 =	vor.u32 v3, v4  }
0xf3: {  	v4 =	vperm.xlane v3, v0;
	_ =	sdelay $0x1  }
0xf4: {  	v4 =	vadd.s32 v1, v4;
	_ =	sdelay $0x1  }
0xf5: {  	v3 =	vperm.xlane v3, v2;
	_ =	sdelay $0x1  }
0xf6: {  	s10 =	simm.s32 $0x2C00;
	v3 =	vadd.s32 v1, v3  }
0xf7: {  	[tilespmem:s10], [sflag:$0x1] =	stream.indirect_vreg.gather [hbm4b:s1+s3], $0x80, v4, vm0, $0xb8;
	[tilespmem:$0x18C00] =	vst v63  }
0xf8: {  	s11 =	simm.s32 $0x3400  }
0xf9: {  	[tilespmem:s11], [sflag:$0x1] =	stream.indirect_vreg.gather [hbm4b:s4+s3], $0x80, v4, vm0, $0xb8;
	[tilespmem:$0x18C00] =	vst v63  }
0xfa: {  	s12 =	simm.s32 $0x3C00  }
0xfb: {  	[tilespmem:s12], [sflag:$0x1] =	stream.indirect_vreg.gather [hbm4b:s1+s3], $0x80, v3, vm0, $0xb8;
	[tilespmem:$0x18C00] =	vst v63  }
0xfc: {  	s26 =	simm.s32 $0x4400  }
0xfd: {  	[tilespmem:s26], [sflag:$0x1] =	stream.indirect_vreg.gather [hbm4b:s4+s3], $0x80, v3, vm0, $0xb8;
	[tilespmem:$0x18C00] =	vst v63  }
0xfe: {  	v3 =	vld [tilespmem:$0x120];
	_ =	sdelay $0x4  }
0xff: {  	v32 =	vshll.u32 v3, $0x2  }
0x100: {  	v3 =	vand.u32 $0x7, v3;
	v4 =	vand.u32 $0xFFFFFFE0, v32  }
0x101: {  	v3 =	vor.u32 v3, v4  }
0x102: {  	v4 =	vperm.xlane v3, v0;
	_ =	sdelay $0x1  }
0x103: {  	v4 =	vadd.s32 v1, v4;
	_ =	sdelay $0x1  }
0x104: {  	v3 =	vperm.xlane v3, v2;
	_ =	sdelay $0x1  }
0x105: {  	s13 =	simm.s32 $0x4C00;
	v3 =	vadd.s32 v1, v3  }
0x106: {  	[tilespmem:s13], [sflag:$0x1] =	stream.indirect_vreg.gather [hbm4b:s1+s3], $0x80, v4, vm0, $0xb8;
	[tilespmem:$0x18C00] =	vst v63  }
0x107: {  	s14 =	simm.s32 $0x5400  }
0x108: {  	[tilespmem:s14], [sflag:$0x1] =	stream.indirect_vreg.gather [hbm4b:s4+s3], $0x80, v4, vm0, $0xb8;
	[tilespmem:$0x18C00] =	vst v63  }
0x109: {  	s15 =	simm.s32 $0x5C00  }
0x10a: {  	[tilespmem:s15], [sflag:$0x1] =	stream.indirect_vreg.gather [hbm4b:s1+s3], $0x80, v3, vm0, $0xb8;
	[tilespmem:$0x18C00] =	vst v63  }
0x10b: {  	s28 =	simm.s32 $0x6400  }
0x10c: {  	[tilespmem:s28], [sflag:$0x1] =	stream.indirect_vreg.gather [hbm4b:s4+s3], $0x80, v3, vm0, $0xb8;
	[tilespmem:$0x18C00] =	vst v63  }
0x10d: {  	v3 =	vld [tilespmem:$0x130];
	_ =	sdelay $0x4  }
0x10e: {  	v33 =	vshll.u32 v3, $0x2  }
0x10f: {  	v3 =	vand.u32 $0x7, v3;
	v4 =	vand.u32 $0xFFFFFFE0, v33  }
0x110: {  	v3 =	vor.u32 v3, v4  }
0x111: {  	v4 =	vperm.xlane v3, v0;
	_ =	sdelay $0x1  }
0x112: {  	v4 =	vadd.s32 v1, v4;
	_ =	sdelay $0x1  }
0x113: {  	v3 =	vperm.xlane v3, v2;
	_ =	sdelay $0x1  }
0x114: {  	s16 =	simm.s32 $0x6C00;
	v3 =	vadd.s32 v1, v3  }
0x115: {  	[tilespmem:s16], [sflag:$0x1] =	stream.indirect_vreg.gather [hbm4b:s1+s3], $0x80, v4, vm0, $0xb8;
	[tilespmem:$0x18C00] =	vst v63  }
0x116: {  	s17 =	simm.s32 $0x7400  }
0x117: {  	[tilespmem:s17], [sflag:$0x1] =	stream.indirect_vreg.gather [hbm4b:s4+s3], $0x80, v4, vm0, $0xb8;
	[tilespmem:$0x18C00] =	vst v63  }
0x118: {  	s18 =	simm.s32 $0x7C00  }
0x119: {  	[tilespmem:s18], [sflag:$0x1] =	stream.indirect_vreg.gather [hbm4b:s1+s3], $0x80, v3, vm0, $0xb8;
	[tilespmem:$0x18C00] =	vst v63  }
0x11a: {  	s29 =	simm.s32 $0x8400  }
0x11b: {  	[tilespmem:s29], [sflag:$0x1] =	stream.indirect_vreg.gather [hbm4b:s4+s3], $0x80, v3, vm0, $0xb8;
	[tilespmem:$0x18C00] =	vst v63  }
0x11c: {  	v3 =	vld [tilespmem:$0x140];
	_ =	sdelay $0x4  }
0x11d: {  	v34 =	vshll.u32 v3, $0x2  }
0x11e: {  	v3 =	vand.u32 $0x7, v3;
	v4 =	vand.u32 $0xFFFFFFE0, v34  }
0x11f: {  	v3 =	vor.u32 v3, v4  }
0x120: {  	v4 =	vperm.xlane v3, v0;
	_ =	sdelay $0x1  }
0x121: {  	v4 =	vadd.s32 v1, v4;
	_ =	sdelay $0x1  }
0x122: {  	v3 =	vperm.xlane v3, v2;
	_ =	sdelay $0x1  }
0x123: {  	s19 =	simm.s32 $0x8C00;
	v3 =	vadd.s32 v1, v3  }
0x124: {  	[tilespmem:s19], [sflag:$0x1] =	stream.indirect_vreg.gather [hbm4b:s1+s3], $0x80, v4, vm0, $0xb8;
	[tilespmem:$0x18C00] =	vst v63  }
0x125: {  	s20 =	simm.s32 $0x9400  }
0x126: {  	[tilespmem:s20], [sflag:$0x1] =	stream.indirect_vreg.gather [hbm4b:s4+s3], $0x80, v4, vm0, $0xb8;
	[tilespmem:$0x18C00] =	vst v63  }
0x127: {  	s21 =	simm.s32 $0x9C00  }
0x128: {  	[tilespmem:s21], [sflag:$0x1] =	stream.indirect_vreg.gather [hbm4b:s1+s3], $0x80, v3, vm0, $0xb8;
	[tilespmem:$0x18C00] =	vst v63  }
0x129: {  	s30 =	simm.s32 $0xA400  }
0x12a: {  	[tilespmem:s30], [sflag:$0x1] =	stream.indirect_vreg.gather [hbm4b:s4+s3], $0x80, v3, vm0, $0xb8;
	[tilespmem:$0x18C00] =	vst v63  }
0x12b: {  	v3 =	vld [tilespmem:$0x150];
	_ =	sdelay $0x4  }
0x12c: {  	v35 =	vshll.u32 v3, $0x2  }
0x12d: {  	v3 =	vand.u32 $0x7, v3;
	v4 =	vand.u32 $0xFFFFFFE0, v35  }
0x12e: {  	v3 =	vor.u32 v3, v4  }
0x12f: {  	v4 =	vperm.xlane v3, v0;
	_ =	sdelay $0x1  }
0x130: {  	v4 =	vadd.s32 v1, v4;
	_ =	sdelay $0x1  }
0x131: {  	v3 =	vperm.xlane v3, v2;
	_ =	sdelay $0x1  }
0x132: {  	s22 =	simm.s32 $0xAC00;
	v3 =	vadd.s32 v1, v3  }
0x133: {  	[tilespmem:s22], [sflag:$0x1] =	stream.indirect_vreg.gather [hbm4b:s1+s3], $0x80, v4, vm0, $0xb8;
	[tilespmem:$0x18C00] =	vst v63  }
0x134: {  	s23 =	simm.s32 $0xB400  }
0x135: {  	[tilespmem:s23], [sflag:$0x1] =	stream.indirect_vreg.gather [hbm4b:s4+s3], $0x80, v4, vm0, $0xb8;
	[tilespmem:$0x18C00] =	vst v63  }
0x136: {  	s24 =	simm.s32 $0xBC00  }
0x137: {  	[tilespmem:s24], [sflag:$0x1] =	stream.indirect_vreg.gather [hbm4b:s1+s3], $0x80, v3, vm0, $0xb8;
	[tilespmem:$0x18C00] =	vst v63  }
0x138: {  	s31 =	simm.s32 $0xC400  }
0x139: {  	[tilespmem:s31], [sflag:$0x1] =	stream.indirect_vreg.gather [hbm4b:s4+s3], $0x80, v3, vm0, $0xb8;
	[tilespmem:$0x18C00] =	vst v63  }
0x13a: {  	_ =	swait.ge [sflag:s2], $0xC000  }
0x13b: {  	[sflag:s2] =	ssyncset.done $0x0  }
0x13c: {  	s8 =	rddreg [dreg:$0x7];
	[sflag:s2] =	ssyncadd.s32 $0xFFFF4000  }
0x13d: {  	[hbm4b:s8+s3] =	stream.linear.scatter [tilespmem:s7], [sflag:$0x2], $0xC000, $0x38;
	[tilespmem:$0x18C00] =	vst v63  }
0x13e: {  	_ =	swait.ge [sflag:s6], $0xC000  }
0x13f: {  	[sflag:s6] =	ssyncset.done $0x0  }
0x140: {  	[sflag:s6] =	ssyncadd.s32 $0xFFFF4000  }
0x141: {  	v3 =	vld [tilespmem:$0x180];
	_ =	sdelay $0x4  }
0x142: {  	v36 =	vshll.u32 v3, $0x2  }
0x143: {  	v3 =	vand.u32 $0x7, v3;
	v4 =	vand.u32 $0xFFFFFFE0, v36  }
0x144: {  	v3 =	vor.u32 v3, v4  }
0x145: {  	v4 =	vperm.xlane v3, v0;
	_ =	sdelay $0x1  }
0x146: {  	v4 =	vadd.s32 v1, v4;
	_ =	sdelay $0x1  }
0x147: {  	v3 =	vperm.xlane v3, v2;
	_ =	sdelay $0x1  }
0x148: {  	v3 =	vadd.s32 v1, v3  }
0x149: {  	[tilespmem:s0], [sflag:$0x1] =	stream.indirect_vreg.gather [hbm4b:s1+s3], $0x80, v4, vm0, $0xb8;
	[tilespmem:$0x18C00] =	vst v63  }
0x14a: {  	s8 =	simm.s32 $0xD400  }
0x14b: {  	[tilespmem:s8], [sflag:$0x1] =	stream.indirect_vreg.gather [hbm4b:s4+s3], $0x80, v4, vm0, $0xb8;
	[tilespmem:$0x18C00] =	vst v63  }
0x14c: {  	s8 =	simm.s32 $0xDC00  }
0x14d: {  	[tilespmem:s8], [sflag:$0x1] =	stream.indirect_vreg.gather [hbm4b:s1+s3], $0x80, v3, vm0, $0xb8;
	[tilespmem:$0x18C00] =	vst v63  }
0x14e: {  	s8 =	simm.s32 $0xE400  }
0x14f: {  	[tilespmem:s8], [sflag:$0x1] =	stream.indirect_vreg.gather [hbm4b:s4+s3], $0x80, v3, vm0, $0xb8;
	[tilespmem:$0x18C00] =	vst v63  }
0x150: {  	v3 =	vld [tilespmem:$0x190];
	_ =	sdelay $0x4  }
0x151: {  	v37 =	vshll.u32 v3, $0x2  }
0x152: {  	v3 =	vand.u32 $0x7, v3;
	v4 =	vand.u32 $0xFFFFFFE0, v37  }
0x153: {  	v3 =	vor.u32 v3, v4  }
0x154: {  	v4 =	vperm.xlane v3, v0;
	_ =	sdelay $0x1  }
0x155: {  	v4 =	vadd.s32 v1, v4;
	_ =	sdelay $0x1  }
0x156: {  	v3 =	vperm.xlane v3, v2;
	_ =	sdelay $0x1  }
0x157: {  	s8 =	simm.s32 $0xEC00;
	v3 =	vadd.s32 v1, v3  }
0x158: {  	[tilespmem:s8], [sflag:$0x1] =	stream.indirect_vreg.gather [hbm4b:s1+s3], $0x80, v4, vm0, $0xb8;
	[tilespmem:$0x18C00] =	vst v63  }
0x159: {  	s8 =	simm.s32 $0xF400  }
0x15a: {  	[tilespmem:s8], [sflag:$0x1] =	stream.indirect_vreg.gather [hbm4b:s4+s3], $0x80, v4, vm0, $0xb8;
	[tilespmem:$0x18C00] =	vst v63  }
0x15b: {  	s8 =	simm.s32 $0xFC00  }
0x15c: {  	[tilespmem:s8], [sflag:$0x1] =	stream.indirect_vreg.gather [hbm4b:s1+s3], $0x80, v3, vm0, $0xb8;
	[tilespmem:$0x18C00] =	vst v63  }
0x15d: {  	s8 =	simm.s32 $0x10400  }
0x15e: {  	[tilespmem:s8], [sflag:$0x1] =	stream.indirect_vreg.gather [hbm4b:s4+s3], $0x80, v3, vm0, $0xb8;
	[tilespmem:$0x18C00] =	vst v63  }
0x15f: {  	v3 =	vld [tilespmem:$0x1A0];
	_ =	sdelay $0x4  }
0x160: {  	v38 =	vshll.u32 v3, $0x2  }
0x161: {  	v3 =	vand.u32 $0x7, v3;
	v4 =	vand.u32 $0xFFFFFFE0, v38  }
0x162: {  	v3 =	vor.u32 v3, v4  }
0x163: {  	v4 =	vperm.xlane v3, v0;
	_ =	sdelay $0x1  }
0x164: {  	v4 =	vadd.s32 v1, v4;
	_ =	sdelay $0x1  }
0x165: {  	v3 =	vperm.xlane v3, v2;
	_ =	sdelay $0x1  }
0x166: {  	s8 =	simm.s32 $0x10C00;
	v3 =	vadd.s32 v1, v3  }
0x167: {  	[tilespmem:s8], [sflag:$0x1] =	stream.indirect_vreg.gather [hbm4b:s1+s3], $0x80, v4, vm0, $0xb8;
	[tilespmem:$0x18C00] =	vst v63  }
0x168: {  	s8 =	simm.s32 $0x11400  }
0x169: {  	[tilespmem:s8], [sflag:$0x1] =	stream.indirect_vreg.gather [hbm4b:s4+s3], $0x80, v4, vm0, $0xb8;
	[tilespmem:$0x18C00] =	vst v63  }
0x16a: {  	s8 =	simm.s32 $0x11C00  }
0x16b: {  	[tilespmem:s8], [sflag:$0x1] =	stream.indirect_vreg.gather [hbm4b:s1+s3], $0x80, v3, vm0, $0xb8;
	[tilespmem:$0x18C00] =	vst v63  }
0x16c: {  	s8 =	simm.s32 $0x12400  }
0x16d: {  	[tilespmem:s8], [sflag:$0x1] =	stream.indirect_vreg.gather [hbm4b:s4+s3], $0x80, v3, vm0, $0xb8;
	[tilespmem:$0x18C00] =	vst v63  }
0x16e: {  	v3 =	vld [tilespmem:$0x1B0];
	_ =	sdelay $0x4  }
0x16f: {  	v39 =	vshll.u32 v3, $0x2  }
0x170: {  	v3 =	vand.u32 $0x7, v3;
	v4 =	vand.u32 $0xFFFFFFE0, v39  }
0x171: {  	v3 =	vor.u32 v3, v4  }
0x172: {  	v4 =	vperm.xlane v3, v0;
	_ =	sdelay $0x1  }
0x173: {  	v4 =	vadd.s32 v1, v4;
	_ =	sdelay $0x1  }
0x174: {  	v3 =	vperm.xlane v3, v2;
	_ =	sdelay $0x1  }
0x175: {  	s8 =	simm.s32 $0x12C00;
	v3 =	vadd.s32 v1, v3  }
0x176: {  	[tilespmem:s8], [sflag:$0x1] =	stream.indirect_vreg.gather [hbm4b:s1+s3], $0x80, v4, vm0, $0xb8;
	[tilespmem:$0x18C00] =	vst v63  }
0x177: {  	s8 =	simm.s32 $0x13400  }
0x178: {  	[tilespmem:s8], [sflag:$0x1] =	stream.indirect_vreg.gather [hbm4b:s4+s3], $0x80, v4, vm0, $0xb8;
	[tilespmem:$0x18C00] =	vst v63  }
0x179: {  	s8 =	simm.s32 $0x13C00  }
0x17a: {  	[tilespmem:s8], [sflag:$0x1] =	stream.indirect_vreg.gather [hbm4b:s1+s3], $0x80, v3, vm0, $0xb8;
	[tilespmem:$0x18C00] =	vst v63  }
0x17b: {  	s8 =	simm.s32 $0x14400  }
0x17c: {  	[tilespmem:s8], [sflag:$0x1] =	stream.indirect_vreg.gather [hbm4b:s4+s3], $0x80, v3, vm0, $0xb8;
	[tilespmem:$0x18C00] =	vst v63  }
0x17d: {  	v3 =	vld [tilespmem:$0x1C0];
	_ =	sdelay $0x4  }
0x17e: {  	v40 =	vshll.u32 v3, $0x2  }
0x17f: {  	v3 =	vand.u32 $0x7, v3;
	v4 =	vand.u32 $0xFFFFFFE0, v40  }
0x180: {  	v3 =	vor.u32 v3, v4  }
0x181: {  	v4 =	vperm.xlane v3, v0;
	_ =	sdelay $0x1  }
0x182: {  	v4 =	vadd.s32 v1, v4;
	_ =	sdelay $0x1  }
0x183: {  	v3 =	vperm.xlane v3, v2;
	_ =	sdelay $0x1  }
0x184: {  	s8 =	simm.s32 $0x14C00;
	v3 =	vadd.s32 v1, v3  }
0x185: {  	[tilespmem:s8], [sflag:$0x1] =	stream.indirect_vreg.gather [hbm4b:s1+s3], $0x80, v4, vm0, $0xb8;
	[tilespmem:$0x18C00] =	vst v63  }
0x186: {  	s8 =	simm.s32 $0x15400  }
0x187: {  	[tilespmem:s8], [sflag:$0x1] =	stream.indirect_vreg.gather [hbm4b:s4+s3], $0x80, v4, vm0, $0xb8;
	[tilespmem:$0x18C00] =	vst v63  }
0x188: {  	s8 =	simm.s32 $0x15C00  }
0x189: {  	[tilespmem:s8], [sflag:$0x1] =	stream.indirect_vreg.gather [hbm4b:s1+s3], $0x80, v3, vm0, $0xb8;
	[tilespmem:$0x18C00] =	vst v63  }
0x18a: {  	s8 =	simm.s32 $0x16400  }
0x18b: {  	[tilespmem:s8], [sflag:$0x1] =	stream.indirect_vreg.gather [hbm4b:s4+s3], $0x80, v3, vm0, $0xb8;
	[tilespmem:$0x18C00] =	vst v63  }
0x18c: {  	v3 =	vld [tilespmem:$0x1D0];
	_ =	sdelay $0x4  }
0x18d: {  	v41 =	vshll.u32 v3, $0x2  }
0x18e: {  	v3 =	vand.u32 $0x7, v3;
	v4 =	vand.u32 $0xFFFFFFE0, v41  }
0x18f: {  	v3 =	vor.u32 v3, v4  }
0x190: {  	v4 =	vperm.xlane v3, v0;
	_ =	sdelay $0x1  }
0x191: {  	v4 =	vadd.s32 v1, v4;
	_ =	sdelay $0x1  }
0x192: {  	v3 =	vperm.xlane v3, v2;
	_ =	sdelay $0x1  }
0x193: {  	s8 =	simm.s32 $0x16C00;
	v3 =	vadd.s32 v1, v3  }
0x194: {  	[tilespmem:s8], [sflag:$0x1] =	stream.indirect_vreg.gather [hbm4b:s1+s3], $0x80, v4, vm0, $0xb8;
	[tilespmem:$0x18C00] =	vst v63  }
0x195: {  	s8 =	simm.s32 $0x17400  }
0x196: {  	[tilespmem:s8], [sflag:$0x1] =	stream.indirect_vreg.gather [hbm4b:s4+s3], $0x80, v4, vm0, $0xb8;
	[tilespmem:$0x18C00] =	vst v63  }
0x197: {  	s8 =	simm.s32 $0x17C00  }
0x198: {  	[tilespmem:s8], [sflag:$0x1] =	stream.indirect_vreg.gather [hbm4b:s1+s3], $0x80, v3, vm0, $0xb8;
	[tilespmem:$0x18C00] =	vst v63  }
0x199: {  	s8 =	simm.s32 $0x18400  }
0x19a: {  	[tilespmem:s8], [sflag:$0x1] =	stream.indirect_vreg.gather [hbm4b:s4+s3], $0x80, v3, vm0, $0xb8;
	[tilespmem:$0x18C00] =	vst v63  }
0x19b: {  	_ =	swait.ge [sflag:s2], $0xC000  }
0x19c: {  	[sflag:s2] =	ssyncset.done $0x0  }
0x19d: {  	s8 =	rddreg [dreg:$0x8];
	[sflag:s2] =	ssyncadd.s32 $0xFFFF4000  }
0x19e: {  	[hbm4b:s8+s3] =	stream.linear.scatter [tilespmem:s0], [sflag:$0x2], $0xC000, $0x38;
	[tilespmem:$0x18C00] =	vst v63  }
0x19f: {  	_ =	swait.ge [sflag:s6], $0xC000  }
0x1a0: {  	[sflag:s6] =	ssyncset.done $0x0  }
0x1a1: {  	[sflag:s6] =	ssyncadd.s32 $0xFFFF4000  }
0x1a2: {  	v3 =	vld [tilespmem:$0x200];
	_ =	sdelay $0x4  }
0x1a3: {  	v42 =	vshll.u32 v3, $0x2  }
0x1a4: {  	v3 =	vand.u32 $0x7, v3;
	v4 =	vand.u32 $0xFFFFFFE0, v42  }
0x1a5: {  	v3 =	vor.u32 v3, v4  }
0x1a6: {  	v4 =	vperm.xlane v3, v0;
	_ =	sdelay $0x1  }
0x1a7: {  	v4 =	vadd.s32 v1, v4;
	_ =	sdelay $0x1  }
0x1a8: {  	v3 =	vperm.xlane v3, v2;
	_ =	sdelay $0x1  }
0x1a9: {  	v3 =	vadd.s32 v1, v3  }
0x1aa: {  	[tilespmem:s7], [sflag:$0x1] =	stream.indirect_vreg.gather [hbm4b:s1+s3], $0x80, v4, vm0, $0xb8;
	[tilespmem:$0x18C00] =	vst v63  }
0x1ab: {  	s5 =	simm.s32 $0x1400  }
0x1ac: {  	[tilespmem:s5], [sflag:$0x1] =	stream.indirect_vreg.gather [hbm4b:s4+s3], $0x80, v4, vm0, $0xb8;
	[tilespmem:$0x18C00] =	vst v63  }
0x1ad: {  	s9 =	simm.s32 $0x1C00  }
0x1ae: {  	[tilespmem:s9], [sflag:$0x1] =	stream.indirect_vreg.gather [hbm4b:s1+s3], $0x80, v3, vm0, $0xb8;
	[tilespmem:$0x18C00] =	vst v63  }
0x1af: {  	s25 =	simm.s32 $0x2400  }
0x1b0: {  	[tilespmem:s25], [sflag:$0x1] =	stream.indirect_vreg.gather [hbm4b:s4+s3], $0x80, v3, vm0, $0xb8;
	[tilespmem:$0x18C00] =	vst v63  }
0x1b1: {  	v3 =	vld [tilespmem:$0x210];
	_ =	sdelay $0x4  }
0x1b2: {  	v43 =	vshll.u32 v3, $0x2  }
0x1b3: {  	v3 =	vand.u32 $0x7, v3;
	v4 =	vand.u32 $0xFFFFFFE0, v43  }
0x1b4: {  	v3 =	vor.u32 v3, v4  }
0x1b5: {  	v4 =	vperm.xlane v3, v0;
	_ =	sdelay $0x1  }
0x1b6: {  	v4 =	vadd.s32 v1, v4;
	_ =	sdelay $0x1  }
0x1b7: {  	v3 =	vperm.xlane v3, v2;
	_ =	sdelay $0x1  }
0x1b8: {  	s10 =	simm.s32 $0x2C00;
	v3 =	vadd.s32 v1, v3  }
0x1b9: {  	[tilespmem:s10], [sflag:$0x1] =	stream.indirect_vreg.gather [hbm4b:s1+s3], $0x80, v4, vm0, $0xb8;
	[tilespmem:$0x18C00] =	vst v63  }
0x1ba: {  	s11 =	simm.s32 $0x3400  }
0x1bb: {  	[tilespmem:s11], [sflag:$0x1] =	stream.indirect_vreg.gather [hbm4b:s4+s3], $0x80, v4, vm0, $0xb8;
	[tilespmem:$0x18C00] =	vst v63  }
0x1bc: {  	s12 =	simm.s32 $0x3C00  }
0x1bd: {  	[tilespmem:s12], [sflag:$0x1] =	stream.indirect_vreg.gather [hbm4b:s1+s3], $0x80, v3, vm0, $0xb8;
	[tilespmem:$0x18C00] =	vst v63  }
0x1be: {  	s26 =	simm.s32 $0x4400  }
0x1bf: {  	[tilespmem:s26], [sflag:$0x1] =	stream.indirect_vreg.gather [hbm4b:s4+s3], $0x80, v3, vm0, $0xb8;
	[tilespmem:$0x18C00] =	vst v63  }
0x1c0: {  	v3 =	vld [tilespmem:$0x220];
	_ =	sdelay $0x4  }
0x1c1: {  	v44 =	vshll.u32 v3, $0x2  }
0x1c2: {  	v3 =	vand.u32 $0x7, v3;
	v4 =	vand.u32 $0xFFFFFFE0, v44  }
0x1c3: {  	v3 =	vor.u32 v3, v4  }
0x1c4: {  	v4 =	vperm.xlane v3, v0;
	_ =	sdelay $0x1  }
0x1c5: {  	v4 =	vadd.s32 v1, v4;
	_ =	sdelay $0x1  }
0x1c6: {  	v3 =	vperm.xlane v3, v2;
	_ =	sdelay $0x1  }
0x1c7: {  	s13 =	simm.s32 $0x4C00;
	v3 =	vadd.s32 v1, v3  }
0x1c8: {  	[tilespmem:s13], [sflag:$0x1] =	stream.indirect_vreg.gather [hbm4b:s1+s3], $0x80, v4, vm0, $0xb8;
	[tilespmem:$0x18C00] =	vst v63  }
0x1c9: {  	s14 =	simm.s32 $0x5400  }
0x1ca: {  	[tilespmem:s14], [sflag:$0x1] =	stream.indirect_vreg.gather [hbm4b:s4+s3], $0x80, v4, vm0, $0xb8;
	[tilespmem:$0x18C00] =	vst v63  }
0x1cb: {  	s15 =	simm.s32 $0x5C00  }
0x1cc: {  	[tilespmem:s15], [sflag:$0x1] =	stream.indirect_vreg.gather [hbm4b:s1+s3], $0x80, v3, vm0, $0xb8;
	[tilespmem:$0x18C00] =	vst v63  }
0x1cd: {  	s28 =	simm.s32 $0x6400  }
0x1ce: {  	[tilespmem:s28], [sflag:$0x1] =	stream.indirect_vreg.gather [hbm4b:s4+s3], $0x80, v3, vm0, $0xb8;
	[tilespmem:$0x18C00] =	vst v63  }
0x1cf: {  	v3 =	vld [tilespmem:$0x230];
	_ =	sdelay $0x4  }
0x1d0: {  	v45 =	vshll.u32 v3, $0x2  }
0x1d1: {  	v3 =	vand.u32 $0x7, v3;
	v4 =	vand.u32 $0xFFFFFFE0, v45  }
0x1d2: {  	v3 =	vor.u32 v3, v4  }
0x1d3: {  	v4 =	vperm.xlane v3, v0;
	_ =	sdelay $0x1  }
0x1d4: {  	v4 =	vadd.s32 v1, v4;
	_ =	sdelay $0x1  }
0x1d5: {  	v3 =	vperm.xlane v3, v2;
	_ =	sdelay $0x1  }
0x1d6: {  	s16 =	simm.s32 $0x6C00;
	v3 =	vadd.s32 v1, v3  }
0x1d7: {  	[tilespmem:s16], [sflag:$0x1] =	stream.indirect_vreg.gather [hbm4b:s1+s3], $0x80, v4, vm0, $0xb8;
	[tilespmem:$0x18C00] =	vst v63  }
0x1d8: {  	s17 =	simm.s32 $0x7400  }
0x1d9: {  	[tilespmem:s17], [sflag:$0x1] =	stream.indirect_vreg.gather [hbm4b:s4+s3], $0x80, v4, vm0, $0xb8;
	[tilespmem:$0x18C00] =	vst v63  }
0x1da: {  	s18 =	simm.s32 $0x7C00  }
0x1db: {  	[tilespmem:s18], [sflag:$0x1] =	stream.indirect_vreg.gather [hbm4b:s1+s3], $0x80, v3, vm0, $0xb8;
	[tilespmem:$0x18C00] =	vst v63  }
0x1dc: {  	s29 =	simm.s32 $0x8400  }
0x1dd: {  	[tilespmem:s29], [sflag:$0x1] =	stream.indirect_vreg.gather [hbm4b:s4+s3], $0x80, v3, vm0, $0xb8;
	[tilespmem:$0x18C00] =	vst v63  }
0x1de: {  	v3 =	vld [tilespmem:$0x240];
	_ =	sdelay $0x4  }
0x1df: {  	v46 =	vshll.u32 v3, $0x2  }
0x1e0: {  	v3 =	vand.u32 $0x7, v3;
	v4 =	vand.u32 $0xFFFFFFE0, v46  }
0x1e1: {  	v3 =	vor.u32 v3, v4  }
0x1e2: {  	v4 =	vperm.xlane v3, v0;
	_ =	sdelay $0x1  }
0x1e3: {  	v4 =	vadd.s32 v1, v4;
	_ =	sdelay $0x1  }
0x1e4: {  	v3 =	vperm.xlane v3, v2;
	_ =	sdelay $0x1  }
0x1e5: {  	s19 =	simm.s32 $0x8C00;
	v3 =	vadd.s32 v1, v3  }
0x1e6: {  	[tilespmem:s19], [sflag:$0x1] =	stream.indirect_vreg.gather [hbm4b:s1+s3], $0x80, v4, vm0, $0xb8;
	[tilespmem:$0x18C00] =	vst v63  }
0x1e7: {  	s20 =	simm.s32 $0x9400  }
0x1e8: {  	[tilespmem:s20], [sflag:$0x1] =	stream.indirect_vreg.gather [hbm4b:s4+s3], $0x80, v4, vm0, $0xb8;
	[tilespmem:$0x18C00] =	vst v63  }
0x1e9: {  	s21 =	simm.s32 $0x9C00  }
0x1ea: {  	[tilespmem:s21], [sflag:$0x1] =	stream.indirect_vreg.gather [hbm4b:s1+s3], $0x80, v3, vm0, $0xb8;
	[tilespmem:$0x18C00] =	vst v63  }
0x1eb: {  	s30 =	simm.s32 $0xA400  }
0x1ec: {  	[tilespmem:s30], [sflag:$0x1] =	stream.indirect_vreg.gather [hbm4b:s4+s3], $0x80, v3, vm0, $0xb8;
	[tilespmem:$0x18C00] =	vst v63  }
0x1ed: {  	v3 =	vld [tilespmem:$0x250];
	_ =	sdelay $0x4  }
0x1ee: {  	v47 =	vshll.u32 v3, $0x2  }
0x1ef: {  	v3 =	vand.u32 $0x7, v3;
	v4 =	vand.u32 $0xFFFFFFE0, v47  }
0x1f0: {  	v3 =	vor.u32 v3, v4  }
0x1f1: {  	v4 =	vperm.xlane v3, v0;
	_ =	sdelay $0x1  }
0x1f2: {  	v4 =	vadd.s32 v1, v4;
	_ =	sdelay $0x1  }
0x1f3: {  	v3 =	vperm.xlane v3, v2;
	_ =	sdelay $0x1  }
0x1f4: {  	s22 =	simm.s32 $0xAC00;
	v3 =	vadd.s32 v1, v3  }
0x1f5: {  	[tilespmem:s22], [sflag:$0x1] =	stream.indirect_vreg.gather [hbm4b:s1+s3], $0x80, v4, vm0, $0xb8;
	[tilespmem:$0x18C00] =	vst v63  }
0x1f6: {  	s23 =	simm.s32 $0xB400  }
0x1f7: {  	[tilespmem:s23], [sflag:$0x1] =	stream.indirect_vreg.gather [hbm4b:s4+s3], $0x80, v4, vm0, $0xb8;
	[tilespmem:$0x18C00] =	vst v63  }
0x1f8: {  	s24 =	simm.s32 $0xBC00  }
0x1f9: {  	[tilespmem:s24], [sflag:$0x1] =	stream.indirect_vreg.gather [hbm4b:s1+s3], $0x80, v3, vm0, $0xb8;
	[tilespmem:$0x18C00] =	vst v63  }
0x1fa: {  	s31 =	simm.s32 $0xC400  }
0x1fb: {  	[tilespmem:s31], [sflag:$0x1] =	stream.indirect_vreg.gather [hbm4b:s4+s3], $0x80, v3, vm0, $0xb8;
	[tilespmem:$0x18C00] =	vst v63  }
0x1fc: {  	_ =	swait.ge [sflag:s2], $0xC000  }
0x1fd: {  	[sflag:s2] =	ssyncset.done $0x0  }
0x1fe: {  	s8 =	rddreg [dreg:$0x9];
	[sflag:s2] =	ssyncadd.s32 $0xFFFF4000  }
0x1ff: {  	[hbm4b:s8+s3] =	stream.linear.scatter [tilespmem:s7], [sflag:$0x2], $0xC000, $0x38;
	[tilespmem:$0x18C00] =	vst v63  }
0x200: {  	_ =	swait.ge [sflag:s6], $0xC000  }
0x201: {  	[sflag:s6] =	ssyncset.done $0x0  }
0x202: {  	[sflag:s6] =	ssyncadd.s32 $0xFFFF4000  }
0x203: {  	v3 =	vld [tilespmem:$0x280];
	_ =	sdelay $0x4  }
0x204: {  	v48 =	vshll.u32 v3, $0x2  }
0x205: {  	v3 =	vand.u32 $0x7, v3;
	v4 =	vand.u32 $0xFFFFFFE0, v48  }
0x206: {  	v3 =	vor.u32 v3, v4  }
0x207: {  	v4 =	vperm.xlane v3, v0;
	_ =	sdelay $0x1  }
0x208: {  	v4 =	vadd.s32 v1, v4;
	_ =	sdelay $0x1  }
0x209: {  	v3 =	vperm.xlane v3, v2;
	_ =	sdelay $0x1  }
0x20a: {  	v3 =	vadd.s32 v1, v3  }
0x20b: {  	[tilespmem:s0], [sflag:$0x1] =	stream.indirect_vreg.gather [hbm4b:s1+s3], $0x80, v4, vm0, $0xb8;
	[tilespmem:$0x18C00] =	vst v63  }
0x20c: {  	s8 =	simm.s32 $0xD400  }
0x20d: {  	[tilespmem:s8], [sflag:$0x1] =	stream.indirect_vreg.gather [hbm4b:s4+s3], $0x80, v4, vm0, $0xb8;
	[tilespmem:$0x18C00] =	vst v63  }
0x20e: {  	s8 =	simm.s32 $0xDC00  }
0x20f: {  	[tilespmem:s8], [sflag:$0x1] =	stream.indirect_vreg.gather [hbm4b:s1+s3], $0x80, v3, vm0, $0xb8;
	[tilespmem:$0x18C00] =	vst v63  }
0x210: {  	s8 =	simm.s32 $0xE400  }
0x211: {  	[tilespmem:s8], [sflag:$0x1] =	stream.indirect_vreg.gather [hbm4b:s4+s3], $0x80, v3, vm0, $0xb8;
	[tilespmem:$0x18C00] =	vst v63  }
0x212: {  	v3 =	vld [tilespmem:$0x290];
	_ =	sdelay $0x4  }
0x213: {  	v49 =	vshll.u32 v3, $0x2  }
0x214: {  	v3 =	vand.u32 $0x7, v3;
	v4 =	vand.u32 $0xFFFFFFE0, v49  }
0x215: {  	v3 =	vor.u32 v3, v4  }
0x216: {  	v4 =	vperm.xlane v3, v0;
	_ =	sdelay $0x1  }
0x217: {  	v4 =	vadd.s32 v1, v4;
	_ =	sdelay $0x1  }
0x218: {  	v3 =	vperm.xlane v3, v2;
	_ =	sdelay $0x1  }
0x219: {  	s8 =	simm.s32 $0xEC00;
	v3 =	vadd.s32 v1, v3  }
0x21a: {  	[tilespmem:s8], [sflag:$0x1] =	stream.indirect_vreg.gather [hbm4b:s1+s3], $0x80, v4, vm0, $0xb8;
	[tilespmem:$0x18C00] =	vst v63  }
0x21b: {  	s8 =	simm.s32 $0xF400  }
0x21c: {  	[tilespmem:s8], [sflag:$0x1] =	stream.indirect_vreg.gather [hbm4b:s4+s3], $0x80, v4, vm0, $0xb8;
	[tilespmem:$0x18C00] =	vst v63  }
0x21d: {  	s8 =	simm.s32 $0xFC00  }
0x21e: {  	[tilespmem:s8], [sflag:$0x1] =	stream.indirect_vreg.gather [hbm4b:s1+s3], $0x80, v3, vm0, $0xb8;
	[tilespmem:$0x18C00] =	vst v63  }
0x21f: {  	s8 =	simm.s32 $0x10400  }
0x220: {  	[tilespmem:s8], [sflag:$0x1] =	stream.indirect_vreg.gather [hbm4b:s4+s3], $0x80, v3, vm0, $0xb8;
	[tilespmem:$0x18C00] =	vst v63  }
0x221: {  	v3 =	vld [tilespmem:$0x2A0];
	_ =	sdelay $0x4  }
0x222: {  	v50 =	vshll.u32 v3, $0x2  }
0x223: {  	v3 =	vand.u32 $0x7, v3;
	v4 =	vand.u32 $0xFFFFFFE0, v50  }
0x224: {  	v3 =	vor.u32 v3, v4  }
0x225: {  	v4 =	vperm.xlane v3, v0;
	_ =	sdelay $0x1  }
0x226: {  	v4 =	vadd.s32 v1, v4;
	_ =	sdelay $0x1  }
0x227: {  	v3 =	vperm.xlane v3, v2;
	_ =	sdelay $0x1  }
0x228: {  	s8 =	simm.s32 $0x10C00;
	v3 =	vadd.s32 v1, v3  }
0x229: {  	[tilespmem:s8], [sflag:$0x1] =	stream.indirect_vreg.gather [hbm4b:s1+s3], $0x80, v4, vm0, $0xb8;
	[tilespmem:$0x18C00] =	vst v63  }
0x22a: {  	s8 =	simm.s32 $0x11400  }
0x22b: {  	[tilespmem:s8], [sflag:$0x1] =	stream.indirect_vreg.gather [hbm4b:s4+s3], $0x80, v4, vm0, $0xb8;
	[tilespmem:$0x18C00] =	vst v63  }
0x22c: {  	s8 =	simm.s32 $0x11C00  }
0x22d: {  	[tilespmem:s8], [sflag:$0x1] =	stream.indirect_vreg.gather [hbm4b:s1+s3], $0x80, v3, vm0, $0xb8;
	[tilespmem:$0x18C00] =	vst v63  }
0x22e: {  	s8 =	simm.s32 $0x12400  }
0x22f: {  	[tilespmem:s8], [sflag:$0x1] =	stream.indirect_vreg.gather [hbm4b:s4+s3], $0x80, v3, vm0, $0xb8;
	[tilespmem:$0x18C00] =	vst v63  }
0x230: {  	v3 =	vld [tilespmem:$0x2B0];
	_ =	sdelay $0x4  }
0x231: {  	v51 =	vshll.u32 v3, $0x2  }
0x232: {  	v3 =	vand.u32 $0x7, v3;
	v4 =	vand.u32 $0xFFFFFFE0, v51  }
0x233: {  	v3 =	vor.u32 v3, v4  }
0x234: {  	v4 =	vperm.xlane v3, v0;
	_ =	sdelay $0x1  }
0x235: {  	v4 =	vadd.s32 v1, v4;
	_ =	sdelay $0x1  }
0x236: {  	v3 =	vperm.xlane v3, v2;
	_ =	sdelay $0x1  }
0x237: {  	s8 =	simm.s32 $0x12C00;
	v3 =	vadd.s32 v1, v3  }
0x238: {  	[tilespmem:s8], [sflag:$0x1] =	stream.indirect_vreg.gather [hbm4b:s1+s3], $0x80, v4, vm0, $0xb8;
	[tilespmem:$0x18C00] =	vst v63  }
0x239: {  	s8 =	simm.s32 $0x13400  }
0x23a: {  	[tilespmem:s8], [sflag:$0x1] =	stream.indirect_vreg.gather [hbm4b:s4+s3], $0x80, v4, vm0, $0xb8;
	[tilespmem:$0x18C00] =	vst v63  }
0x23b: {  	s8 =	simm.s32 $0x13C00  }
0x23c: {  	[tilespmem:s8], [sflag:$0x1] =	stream.indirect_vreg.gather [hbm4b:s1+s3], $0x80, v3, vm0, $0xb8;
	[tilespmem:$0x18C00] =	vst v63  }
0x23d: {  	s8 =	simm.s32 $0x14400  }
0x23e: {  	[tilespmem:s8], [sflag:$0x1] =	stream.indirect_vreg.gather [hbm4b:s4+s3], $0x80, v3, vm0, $0xb8;
	[tilespmem:$0x18C00] =	vst v63  }
0x23f: {  	v3 =	vld [tilespmem:$0x2C0];
	_ =	sdelay $0x4  }
0x240: {  	v52 =	vshll.u32 v3, $0x2  }
0x241: {  	v3 =	vand.u32 $0x7, v3;
	v4 =	vand.u32 $0xFFFFFFE0, v52  }
0x242: {  	v3 =	vor.u32 v3, v4  }
0x243: {  	v4 =	vperm.xlane v3, v0;
	_ =	sdelay $0x1  }
0x244: {  	v4 =	vadd.s32 v1, v4;
	_ =	sdelay $0x1  }
0x245: {  	v3 =	vperm.xlane v3, v2;
	_ =	sdelay $0x1  }
0x246: {  	s8 =	simm.s32 $0x14C00;
	v3 =	vadd.s32 v1, v3  }
0x247: {  	[tilespmem:s8], [sflag:$0x1] =	stream.indirect_vreg.gather [hbm4b:s1+s3], $0x80, v4, vm0, $0xb8;
	[tilespmem:$0x18C00] =	vst v63  }
0x248: {  	s8 =	simm.s32 $0x15400  }
0x249: {  	[tilespmem:s8], [sflag:$0x1] =	stream.indirect_vreg.gather [hbm4b:s4+s3], $0x80, v4, vm0, $0xb8;
	[tilespmem:$0x18C00] =	vst v63  }
0x24a: {  	s8 =	simm.s32 $0x15C00  }
0x24b: {  	[tilespmem:s8], [sflag:$0x1] =	stream.indirect_vreg.gather [hbm4b:s1+s3], $0x80, v3, vm0, $0xb8;
	[tilespmem:$0x18C00] =	vst v63  }
0x24c: {  	s8 =	simm.s32 $0x16400  }
0x24d: {  	[tilespmem:s8], [sflag:$0x1] =	stream.indirect_vreg.gather [hbm4b:s4+s3], $0x80, v3, vm0, $0xb8;
	[tilespmem:$0x18C00] =	vst v63  }
0x24e: {  	v3 =	vld [tilespmem:$0x2D0];
	_ =	sdelay $0x4  }
0x24f: {  	v53 =	vshll.u32 v3, $0x2  }
0x250: {  	v3 =	vand.u32 $0x7, v3;
	v4 =	vand.u32 $0xFFFFFFE0, v53  }
0x251: {  	v3 =	vor.u32 v3, v4  }
0x252: {  	v4 =	vperm.xlane v3, v0;
	_ =	sdelay $0x1  }
0x253: {  	v4 =	vadd.s32 v1, v4;
	_ =	sdelay $0x1  }
0x254: {  	v3 =	vperm.xlane v3, v2;
	_ =	sdelay $0x1  }
0x255: {  	s8 =	simm.s32 $0x16C00;
	v3 =	vadd.s32 v1, v3  }
0x256: {  	[tilespmem:s8], [sflag:$0x1] =	stream.indirect_vreg.gather [hbm4b:s1+s3], $0x80, v4, vm0, $0xb8;
	[tilespmem:$0x18C00] =	vst v63  }
0x257: {  	s8 =	simm.s32 $0x17400  }
0x258: {  	[tilespmem:s8], [sflag:$0x1] =	stream.indirect_vreg.gather [hbm4b:s4+s3], $0x80, v4, vm0, $0xb8;
	[tilespmem:$0x18C00] =	vst v63  }
0x259: {  	s8 =	simm.s32 $0x17C00  }
0x25a: {  	[tilespmem:s8], [sflag:$0x1] =	stream.indirect_vreg.gather [hbm4b:s1+s3], $0x80, v3, vm0, $0xb8;
	[tilespmem:$0x18C00] =	vst v63  }
0x25b: {  	s8 =	simm.s32 $0x18400  }
0x25c: {  	[tilespmem:s8], [sflag:$0x1] =	stream.indirect_vreg.gather [hbm4b:s4+s3], $0x80, v3, vm0, $0xb8;
	[tilespmem:$0x18C00] =	vst v63  }
0x25d: {  	_ =	swait.ge [sflag:s2], $0xC000  }
0x25e: {  	[sflag:s2] =	ssyncset.done $0x0  }
0x25f: {  	s8 =	rddreg [dreg:$0xa];
	[sflag:s2] =	ssyncadd.s32 $0xFFFF4000  }
0x260: {  	[hbm4b:s8+s3] =	stream.linear.scatter [tilespmem:s0], [sflag:$0x2], $0xC000, $0x38;
	[tilespmem:$0x18C00] =	vst v63  }
0x261: {  	_ =	swait.ge [sflag:s6], $0xC000  }
0x262: {  	[sflag:s6] =	ssyncset.done $0x0  }
0x263: {  	[sflag:s6] =	ssyncadd.s32 $0xFFFF4000  }
0x264: {  	v3 =	vld [tilespmem:$0x300];
	_ =	sdelay $0x4  }
0x265: {  	v54 =	vshll.u32 v3, $0x2  }
0x266: {  	v3 =	vand.u32 $0x7, v3;
	v4 =	vand.u32 $0xFFFFFFE0, v54  }
0x267: {  	v3 =	vor.u32 v3, v4  }
0x268: {  	v4 =	vperm.xlane v3, v0;
	_ =	sdelay $0x1  }
0x269: {  	v4 =	vadd.s32 v1, v4;
	_ =	sdelay $0x1  }
0x26a: {  	v3 =	vperm.xlane v3, v2;
	_ =	sdelay $0x1  }
0x26b: {  	v3 =	vadd.s32 v1, v3  }
0x26c: {  	[tilespmem:s7], [sflag:$0x1] =	stream.indirect_vreg.gather [hbm4b:s1+s3], $0x80, v4, vm0, $0xb8;
	[tilespmem:$0x18C00] =	vst v63  }
0x26d: {  	s5 =	simm.s32 $0x1400  }
0x26e: {  	[tilespmem:s5], [sflag:$0x1] =	stream.indirect_vreg.gather [hbm4b:s4+s3], $0x80, v4, vm0, $0xb8;
	[tilespmem:$0x18C00] =	vst v63  }
0x26f: {  	s9 =	simm.s32 $0x1C00  }
0x270: {  	[tilespmem:s9], [sflag:$0x1] =	stream.indirect_vreg.gather [hbm4b:s1+s3], $0x80, v3, vm0, $0xb8;
	[tilespmem:$0x18C00] =	vst v63  }
0x271: {  	s25 =	simm.s32 $0x2400  }
0x272: {  	[tilespmem:s25], [sflag:$0x1] =	stream.indirect_vreg.gather [hbm4b:s4+s3], $0x80, v3, vm0, $0xb8;
	[tilespmem:$0x18C00] =	vst v63  }
0x273: {  	v3 =	vld [tilespmem:$0x310];
	_ =	sdelay $0x4  }
0x274: {  	v55 =	vshll.u32 v3, $0x2  }
0x275: {  	v3 =	vand.u32 $0x7, v3;
	v4 =	vand.u32 $0xFFFFFFE0, v55  }
0x276: {  	v3 =	vor.u32 v3, v4  }
0x277: {  	v4 =	vperm.xlane v3, v0;
	_ =	sdelay $0x1  }
0x278: {  	v4 =	vadd.s32 v1, v4;
	_ =	sdelay $0x1  }
0x279: {  	v3 =	vperm.xlane v3, v2;
	_ =	sdelay $0x1  }
0x27a: {  	s10 =	simm.s32 $0x2C00;
	v3 =	vadd.s32 v1, v3  }
0x27b: {  	[tilespmem:s10], [sflag:$0x1] =	stream.indirect_vreg.gather [hbm4b:s1+s3], $0x80, v4, vm0, $0xb8;
	[tilespmem:$0x18C00] =	vst v63  }
0x27c: {  	s11 =	simm.s32 $0x3400  }
0x27d: {  	[tilespmem:s11], [sflag:$0x1] =	stream.indirect_vreg.gather [hbm4b:s4+s3], $0x80, v4, vm0, $0xb8;
	[tilespmem:$0x18C00] =	vst v63  }
0x27e: {  	s12 =	simm.s32 $0x3C00  }
0x27f: {  	[tilespmem:s12], [sflag:$0x1] =	stream.indirect_vreg.gather [hbm4b:s1+s3], $0x80, v3, vm0, $0xb8;
	[tilespmem:$0x18C00] =	vst v63  }
0x280: {  	s26 =	simm.s32 $0x4400  }
0x281: {  	[tilespmem:s26], [sflag:$0x1] =	stream.indirect_vreg.gather [hbm4b:s4+s3], $0x80, v3, vm0, $0xb8;
	[tilespmem:$0x18C00] =	vst v63  }
0x282: {  	v3 =	vld [tilespmem:$0x320];
	_ =	sdelay $0x4  }
0x283: {  	v56 =	vshll.u32 v3, $0x2  }
0x284: {  	v3 =	vand.u32 $0x7, v3;
	v4 =	vand.u32 $0xFFFFFFE0, v56  }
0x285: {  	v3 =	vor.u32 v3, v4  }
0x286: {  	v4 =	vperm.xlane v3, v0;
	_ =	sdelay $0x1  }
0x287: {  	v4 =	vadd.s32 v1, v4;
	_ =	sdelay $0x1  }
0x288: {  	v3 =	vperm.xlane v3, v2;
	_ =	sdelay $0x1  }
0x289: {  	s13 =	simm.s32 $0x4C00;
	v3 =	vadd.s32 v1, v3  }
0x28a: {  	[tilespmem:s13], [sflag:$0x1] =	stream.indirect_vreg.gather [hbm4b:s1+s3], $0x80, v4, vm0, $0xb8;
	[tilespmem:$0x18C00] =	vst v63  }
0x28b: {  	s14 =	simm.s32 $0x5400  }
0x28c: {  	[tilespmem:s14], [sflag:$0x1] =	stream.indirect_vreg.gather [hbm4b:s4+s3], $0x80, v4, vm0, $0xb8;
	[tilespmem:$0x18C00] =	vst v63  }
0x28d: {  	s15 =	simm.s32 $0x5C00  }
0x28e: {  	[tilespmem:s15], [sflag:$0x1] =	stream.indirect_vreg.gather [hbm4b:s1+s3], $0x80, v3, vm0, $0xb8;
	[tilespmem:$0x18C00] =	vst v63  }
0x28f: {  	s28 =	simm.s32 $0x6400  }
0x290: {  	[tilespmem:s28], [sflag:$0x1] =	stream.indirect_vreg.gather [hbm4b:s4+s3], $0x80, v3, vm0, $0xb8;
	[tilespmem:$0x18C00] =	vst v63  }
0x291: {  	v3 =	vld [tilespmem:$0x330];
	_ =	sdelay $0x4  }
0x292: {  	v57 =	vshll.u32 v3, $0x2  }
0x293: {  	v3 =	vand.u32 $0x7, v3;
	v4 =	vand.u32 $0xFFFFFFE0, v57  }
0x294: {  	v3 =	vor.u32 v3, v4  }
0x295: {  	v4 =	vperm.xlane v3, v0;
	_ =	sdelay $0x1  }
0x296: {  	v4 =	vadd.s32 v1, v4;
	_ =	sdelay $0x1  }
0x297: {  	v3 =	vperm.xlane v3, v2;
	_ =	sdelay $0x1  }
0x298: {  	s16 =	simm.s32 $0x6C00;
	v3 =	vadd.s32 v1, v3  }
0x299: {  	[tilespmem:s16], [sflag:$0x1] =	stream.indirect_vreg.gather [hbm4b:s1+s3], $0x80, v4, vm0, $0xb8;
	[tilespmem:$0x18C00] =	vst v63  }
0x29a: {  	s17 =	simm.s32 $0x7400  }
0x29b: {  	[tilespmem:s17], [sflag:$0x1] =	stream.indirect_vreg.gather [hbm4b:s4+s3], $0x80, v4, vm0, $0xb8;
	[tilespmem:$0x18C00] =	vst v63  }
0x29c: {  	s18 =	simm.s32 $0x7C00  }
0x29d: {  	[tilespmem:s18], [sflag:$0x1] =	stream.indirect_vreg.gather [hbm4b:s1+s3], $0x80, v3, vm0, $0xb8;
	[tilespmem:$0x18C00] =	vst v63  }
0x29e: {  	s29 =	simm.s32 $0x8400  }
0x29f: {  	[tilespmem:s29], [sflag:$0x1] =	stream.indirect_vreg.gather [hbm4b:s4+s3], $0x80, v3, vm0, $0xb8;
	[tilespmem:$0x18C00] =	vst v63  }
0x2a0: {  	v3 =	vld [tilespmem:$0x340];
	_ =	sdelay $0x4  }
0x2a1: {  	v58 =	vshll.u32 v3, $0x2  }
0x2a2: {  	v3 =	vand.u32 $0x7, v3;
	v4 =	vand.u32 $0xFFFFFFE0, v58  }
0x2a3: {  	v3 =	vor.u32 v3, v4  }
0x2a4: {  	v4 =	vperm.xlane v3, v0;
	_ =	sdelay $0x1  }
0x2a5: {  	v4 =	vadd.s32 v1, v4;
	_ =	sdelay $0x1  }
0x2a6: {  	v3 =	vperm.xlane v3, v2;
	_ =	sdelay $0x1  }
0x2a7: {  	s19 =	simm.s32 $0x8C00;
	v3 =	vadd.s32 v1, v3  }
0x2a8: {  	[tilespmem:s19], [sflag:$0x1] =	stream.indirect_vreg.gather [hbm4b:s1+s3], $0x80, v4, vm0, $0xb8;
	[tilespmem:$0x18C00] =	vst v63  }
0x2a9: {  	s20 =	simm.s32 $0x9400  }
0x2aa: {  	[tilespmem:s20], [sflag:$0x1] =	stream.indirect_vreg.gather [hbm4b:s4+s3], $0x80, v4, vm0, $0xb8;
	[tilespmem:$0x18C00] =	vst v63  }
0x2ab: {  	s21 =	simm.s32 $0x9C00  }
0x2ac: {  	[tilespmem:s21], [sflag:$0x1] =	stream.indirect_vreg.gather [hbm4b:s1+s3], $0x80, v3, vm0, $0xb8;
	[tilespmem:$0x18C00] =	vst v63  }
0x2ad: {  	s30 =	simm.s32 $0xA400  }
0x2ae: {  	[tilespmem:s30], [sflag:$0x1] =	stream.indirect_vreg.gather [hbm4b:s4+s3], $0x80, v3, vm0, $0xb8;
	[tilespmem:$0x18C00] =	vst v63  }
0x2af: {  	v3 =	vld [tilespmem:$0x350];
	_ =	sdelay $0x4  }
0x2b0: {  	v59 =	vshll.u32 v3, $0x2  }
0x2b1: {  	v3 =	vand.u32 $0x7, v3;
	v4 =	vand.u32 $0xFFFFFFE0, v59  }
0x2b2: {  	v3 =	vor.u32 v3, v4  }
0x2b3: {  	v4 =	vperm.xlane v3, v0;
	_ =	sdelay $0x1  }
0x2b4: {  	v4 =	vadd.s32 v1, v4;
	_ =	sdelay $0x1  }
0x2b5: {  	v3 =	vperm.xlane v3, v2;
	_ =	sdelay $0x1  }
0x2b6: {  	s22 =	simm.s32 $0xAC00;
	v3 =	vadd.s32 v1, v3  }
0x2b7: {  	[tilespmem:s22], [sflag:$0x1] =	stream.indirect_vreg.gather [hbm4b:s1+s3], $0x80, v4, vm0, $0xb8;
	[tilespmem:$0x18C00] =	vst v63  }
0x2b8: {  	s23 =	simm.s32 $0xB400  }
0x2b9: {  	[tilespmem:s23], [sflag:$0x1] =	stream.indirect_vreg.gather [hbm4b:s4+s3], $0x80, v4, vm0, $0xb8;
	[tilespmem:$0x18C00] =	vst v63  }
0x2ba: {  	s24 =	simm.s32 $0xBC00  }
0x2bb: {  	[tilespmem:s24], [sflag:$0x1] =	stream.indirect_vreg.gather [hbm4b:s1+s3], $0x80, v3, vm0, $0xb8;
	[tilespmem:$0x18C00] =	vst v63  }
0x2bc: {  	s31 =	simm.s32 $0xC400  }
0x2bd: {  	[tilespmem:s31], [sflag:$0x1] =	stream.indirect_vreg.gather [hbm4b:s4+s3], $0x80, v3, vm0, $0xb8;
	[tilespmem:$0x18C00] =	vst v63  }
0x2be: {  	_ =	swait.ge [sflag:s2], $0xC000  }
0x2bf: {  	[sflag:s2] =	ssyncset.done $0x0  }
0x2c0: {  	s8 =	rddreg [dreg:$0xb];
	[sflag:s2] =	ssyncadd.s32 $0xFFFF4000  }
0x2c1: {  	[hbm4b:s8+s3] =	stream.linear.scatter [tilespmem:s7], [sflag:$0x2], $0xC000, $0x38;
	[tilespmem:$0x18C00] =	vst v63  }
0x2c2: {  	_ =	swait.ge [sflag:s6], $0xC000  }
0x2c3: {  	[sflag:s6] =	ssyncset.done $0x0  }
0x2c4: {  	[sflag:s6] =	ssyncadd.s32 $0xFFFF4000  }
0x2c5: {  	v3 =	vld [tilespmem:$0x380];
	_ =	sdelay $0x4  }
0x2c6: {  	v60 =	vshll.u32 v3, $0x2  }
0x2c7: {  	v3 =	vand.u32 $0x7, v3;
	v4 =	vand.u32 $0xFFFFFFE0, v60  }
0x2c8: {  	v3 =	vor.u32 v3, v4  }
0x2c9: {  	v4 =	vperm.xlane v3, v0;
	_ =	sdelay $0x1  }
0x2ca: {  	v4 =	vadd.s32 v1, v4;
	_ =	sdelay $0x1  }
0x2cb: {  	v3 =	vperm.xlane v3, v2;
	_ =	sdelay $0x1  }
0x2cc: {  	v3 =	vadd.s32 v1, v3  }
0x2cd: {  	[tilespmem:s0], [sflag:$0x1] =	stream.indirect_vreg.gather [hbm4b:s1+s3], $0x80, v4, vm0, $0xb8;
	[tilespmem:$0x18C00] =	vst v63  }
0x2ce: {  	s8 =	simm.s32 $0xD400  }
0x2cf: {  	[tilespmem:s8], [sflag:$0x1] =	stream.indirect_vreg.gather [hbm4b:s4+s3], $0x80, v4, vm0, $0xb8;
	[tilespmem:$0x18C00] =	vst v63  }
0x2d0: {  	s8 =	simm.s32 $0xDC00  }
0x2d1: {  	[tilespmem:s8], [sflag:$0x1] =	stream.indirect_vreg.gather [hbm4b:s1+s3], $0x80, v3, vm0, $0xb8;
	[tilespmem:$0x18C00] =	vst v63  }
0x2d2: {  	s8 =	simm.s32 $0xE400  }
0x2d3: {  	[tilespmem:s8], [sflag:$0x1] =	stream.indirect_vreg.gather [hbm4b:s4+s3], $0x80, v3, vm0, $0xb8;
	[tilespmem:$0x18C00] =	vst v63  }
0x2d4: {  	v3 =	vld [tilespmem:$0x390];
	_ =	sdelay $0x4  }
0x2d5: {  	v61 =	vshll.u32 v3, $0x2  }
0x2d6: {  	v3 =	vand.u32 $0x7, v3;
	v4 =	vand.u32 $0xFFFFFFE0, v61  }
0x2d7: {  	v3 =	vor.u32 v3, v4  }
0x2d8: {  	v4 =	vperm.xlane v3, v0;
	_ =	sdelay $0x1  }
0x2d9: {  	v4 =	vadd.s32 v1, v4;
	_ =	sdelay $0x1  }
0x2da: {  	v3 =	vperm.xlane v3, v2;
	_ =	sdelay $0x1  }
0x2db: {  	s8 =	simm.s32 $0xEC00;
	v3 =	vadd.s32 v1, v3  }
0x2dc: {  	[tilespmem:s8], [sflag:$0x1] =	stream.indirect_vreg.gather [hbm4b:s1+s3], $0x80, v4, vm0, $0xb8;
	[tilespmem:$0x18C00] =	vst v63  }
0x2dd: {  	s8 =	simm.s32 $0xF400  }
0x2de: {  	[tilespmem:s8], [sflag:$0x1] =	stream.indirect_vreg.gather [hbm4b:s4+s3], $0x80, v4, vm0, $0xb8;
	[tilespmem:$0x18C00] =	vst v63  }
0x2df: {  	s8 =	simm.s32 $0xFC00  }
0x2e0: {  	[tilespmem:s8], [sflag:$0x1] =	stream.indirect_vreg.gather [hbm4b:s1+s3], $0x80, v3, vm0, $0xb8;
	[tilespmem:$0x18C00] =	vst v63  }
0x2e1: {  	s8 =	simm.s32 $0x10400  }
0x2e2: {  	[tilespmem:s8], [sflag:$0x1] =	stream.indirect_vreg.gather [hbm4b:s4+s3], $0x80, v3, vm0, $0xb8;
	[tilespmem:$0x18C00] =	vst v63  }
0x2e3: {  	v3 =	vld [tilespmem:$0x3A0];
	_ =	sdelay $0x4  }
0x2e4: {  	v62 =	vshll.u32 v3, $0x2  }
0x2e5: {  	v3 =	vand.u32 $0x7, v3;
	v4 =	vand.u32 $0xFFFFFFE0, v62  }
0x2e6: {  	v3 =	vor.u32 v3, v4  }
0x2e7: {  	v4 =	vperm.xlane v3, v0;
	_ =	sdelay $0x1  }
0x2e8: {  	v4 =	vadd.s32 v1, v4;
	_ =	sdelay $0x1  }
0x2e9: {  	v3 =	vperm.xlane v3, v2;
	_ =	sdelay $0x1  }
0x2ea: {  	s8 =	simm.s32 $0x10C00;
	v3 =	vadd.s32 v1, v3  }
0x2eb: {  	[tilespmem:s8], [sflag:$0x1] =	stream.indirect_vreg.gather [hbm4b:s1+s3], $0x80, v4, vm0, $0xb8;
	[tilespmem:$0x18C00] =	vst v63  }
0x2ec: {  	s8 =	simm.s32 $0x11400  }
0x2ed: {  	[tilespmem:s8], [sflag:$0x1] =	stream.indirect_vreg.gather [hbm4b:s4+s3], $0x80, v4, vm0, $0xb8;
	[tilespmem:$0x18C00] =	vst v63  }
0x2ee: {  	s8 =	simm.s32 $0x11C00  }
0x2ef: {  	[tilespmem:s8], [sflag:$0x1] =	stream.indirect_vreg.gather [hbm4b:s1+s3], $0x80, v3, vm0, $0xb8;
	[tilespmem:$0x18C00] =	vst v63  }
0x2f0: {  	s8 =	simm.s32 $0x12400  }
0x2f1: {  	[tilespmem:s8], [sflag:$0x1] =	stream.indirect_vreg.gather [hbm4b:s4+s3], $0x80, v3, vm0, $0xb8;
	[tilespmem:$0x18C00] =	vst v63  }
0x2f2: {  	v3 =	vld [tilespmem:$0x3B0];
	_ =	sdelay $0x4  }
0x2f3: {  	v63 =	vshll.u32 v3, $0x2  }
0x2f4: {  	v3 =	vand.u32 $0x7, v3;
	v4 =	vand.u32 $0xFFFFFFE0, v63  }
0x2f5: {  	v3 =	vor.u32 v3, v4  }
0x2f6: {  	v4 =	vperm.xlane v3, v0;
	_ =	sdelay $0x1  }
0x2f7: {  	v4 =	vadd.s32 v1, v4;
	_ =	sdelay $0x1  }
0x2f8: {  	v3 =	vperm.xlane v3, v2;
	_ =	sdelay $0x1  }
0x2f9: {  	s8 =	simm.s32 $0x12C00;
	v3 =	vadd.s32 v1, v3  }
0x2fa: {  	[tilespmem:s8], [sflag:$0x1] =	stream.indirect_vreg.gather [hbm4b:s1+s3], $0x80, v4, vm0, $0xb8;
	[tilespmem:$0x18C00] =	vst v63  }
0x2fb: {  	s8 =	simm.s32 $0x13400  }
0x2fc: {  	[tilespmem:s8], [sflag:$0x1] =	stream.indirect_vreg.gather [hbm4b:s4+s3], $0x80, v4, vm0, $0xb8;
	[tilespmem:$0x18C00] =	vst v63  }
0x2fd: {  	s8 =	simm.s32 $0x13C00  }
0x2fe: {  	[tilespmem:s8], [sflag:$0x1] =	stream.indirect_vreg.gather [hbm4b:s1+s3], $0x80, v3, vm0, $0xb8;
	[tilespmem:$0x18C00] =	vst v63  }
0x2ff: {  	s8 =	simm.s32 $0x14400  }
0x300: {  	[tilespmem:s8], [sflag:$0x1] =	stream.indirect_vreg.gather [hbm4b:s4+s3], $0x80, v3, vm0, $0xb8;
	[tilespmem:$0x18C00] =	vst v63  }
0x301: {  	v3 =	vld [tilespmem:$0x3C0];
	_ =	sdelay $0x4  }
0x302: {  	v8 =	vshll.u32 v3, $0x2  }
0x303: {  	v3 =	vand.u32 $0x7, v3;
	v4 =	vand.u32 $0xFFFFFFE0, v8  }
0x304: {  	v3 =	vor.u32 v3, v4  }
0x305: {  	v4 =	vperm.xlane v3, v0;
	_ =	sdelay $0x1  }
0x306: {  	v4 =	vadd.s32 v1, v4;
	_ =	sdelay $0x1  }
0x307: {  	v3 =	vperm.xlane v3, v2;
	_ =	sdelay $0x1  }
0x308: {  	s8 =	simm.s32 $0x14C00;
	v3 =	vadd.s32 v1, v3  }
0x309: {  	[tilespmem:s8], [sflag:$0x1] =	stream.indirect_vreg.gather [hbm4b:s1+s3], $0x80, v4, vm0, $0xb8;
	[tilespmem:$0x18C00] =	vst v63  }
0x30a: {  	s8 =	simm.s32 $0x15400  }
0x30b: {  	[tilespmem:s8], [sflag:$0x1] =	stream.indirect_vreg.gather [hbm4b:s4+s3], $0x80, v4, vm0, $0xb8;
	[tilespmem:$0x18C00] =	vst v63  }
0x30c: {  	s8 =	simm.s32 $0x15C00  }
0x30d: {  	[tilespmem:s8], [sflag:$0x1] =	stream.indirect_vreg.gather [hbm4b:s1+s3], $0x80, v3, vm0, $0xb8;
	[tilespmem:$0x18C00] =	vst v63  }
0x30e: {  	s8 =	simm.s32 $0x16400  }
0x30f: {  	[tilespmem:s8], [sflag:$0x1] =	stream.indirect_vreg.gather [hbm4b:s4+s3], $0x80, v3, vm0, $0xb8;
	[tilespmem:$0x18C00] =	vst v63  }
0x310: {  	v3 =	vld [tilespmem:$0x3D0];
	_ =	sdelay $0x4  }
0x311: {  	v9 =	vshll.u32 v3, $0x2  }
0x312: {  	v3 =	vand.u32 $0x7, v3;
	v4 =	vand.u32 $0xFFFFFFE0, v9  }
0x313: {  	v3 =	vor.u32 v3, v4  }
0x314: {  	v4 =	vperm.xlane v3, v0;
	_ =	sdelay $0x1  }
0x315: {  	v4 =	vadd.s32 v1, v4;
	_ =	sdelay $0x1  }
0x316: {  	v3 =	vperm.xlane v3, v2;
	_ =	sdelay $0x1  }
0x317: {  	s8 =	simm.s32 $0x16C00;
	v3 =	vadd.s32 v1, v3  }
0x318: {  	[tilespmem:s8], [sflag:$0x1] =	stream.indirect_vreg.gather [hbm4b:s1+s3], $0x80, v4, vm0, $0xb8;
	[tilespmem:$0x18C00] =	vst v63  }
0x319: {  	s8 =	simm.s32 $0x17400  }
0x31a: {  	[tilespmem:s8], [sflag:$0x1] =	stream.indirect_vreg.gather [hbm4b:s4+s3], $0x80, v4, vm0, $0xb8;
	[tilespmem:$0x18C00] =	vst v63  }
0x31b: {  	s8 =	simm.s32 $0x17C00  }
0x31c: {  	[tilespmem:s8], [sflag:$0x1] =	stream.indirect_vreg.gather [hbm4b:s1+s3], $0x80, v3, vm0, $0xb8;
	[tilespmem:$0x18C00] =	vst v63  }
0x31d: {  	s8 =	simm.s32 $0x18400  }
0x31e: {  	[tilespmem:s8], [sflag:$0x1] =	stream.indirect_vreg.gather [hbm4b:s4+s3], $0x80, v3, vm0, $0xb8;
	[tilespmem:$0x18C00] =	vst v63  }
0x31f: {  	_ =	swait.ge [sflag:s2], $0xC000  }
0x320: {  	[sflag:s2] =	ssyncset.done $0x0  }
0x321: {  	s8 =	rddreg [dreg:$0xc];
	[sflag:s2] =	ssyncadd.s32 $0xFFFF4000  }
0x322: {  	[hbm4b:s8+s3] =	stream.linear.scatter [tilespmem:s0], [sflag:$0x2], $0xC000, $0x38;
	[tilespmem:$0x18C00] =	vst v63  }
0x323: {  	_ =	swait.ge [sflag:s6], $0xC000  }
0x324: {  	[sflag:s6] =	ssyncset.done $0x0  }
0x325: {  	[sflag:s6] =	ssyncadd.s32 $0xFFFF4000  }
0x326: {  	v3 =	vld [tilespmem:$0x400];
	_ =	sdelay $0x4  }
0x327: {  	v10 =	vshll.u32 v3, $0x2  }
0x328: {  	v3 =	vand.u32 $0x7, v3;
	v4 =	vand.u32 $0xFFFFFFE0, v10  }
0x329: {  	v3 =	vor.u32 v3, v4  }
0x32a: {  	v4 =	vperm.xlane v3, v0;
	_ =	sdelay $0x1  }
0x32b: {  	v4 =	vadd.s32 v1, v4;
	_ =	sdelay $0x1  }
0x32c: {  	v3 =	vperm.xlane v3, v2;
	_ =	sdelay $0x1  }
0x32d: {  	v3 =	vadd.s32 v1, v3  }
0x32e: {  	[tilespmem:s7], [sflag:$0x1] =	stream.indirect_vreg.gather [hbm4b:s1+s3], $0x80, v4, vm0, $0xb8;
	[tilespmem:$0x18C00] =	vst v63  }
0x32f: {  	s5 =	simm.s32 $0x1400  }
0x330: {  	[tilespmem:s5], [sflag:$0x1] =	stream.indirect_vreg.gather [hbm4b:s4+s3], $0x80, v4, vm0, $0xb8;
	[tilespmem:$0x18C00] =	vst v63  }
0x331: {  	s9 =	simm.s32 $0x1C00  }
0x332: {  	[tilespmem:s9], [sflag:$0x1] =	stream.indirect_vreg.gather [hbm4b:s1+s3], $0x80, v3, vm0, $0xb8;
	[tilespmem:$0x18C00] =	vst v63  }
0x333: {  	s25 =	simm.s32 $0x2400  }
0x334: {  	[tilespmem:s25], [sflag:$0x1] =	stream.indirect_vreg.gather [hbm4b:s4+s3], $0x80, v3, vm0, $0xb8;
	[tilespmem:$0x18C00] =	vst v63  }
0x335: {  	v3 =	vld [tilespmem:$0x410];
	_ =	sdelay $0x4  }
0x336: {  	v11 =	vshll.u32 v3, $0x2  }
0x337: {  	v3 =	vand.u32 $0x7, v3;
	v4 =	vand.u32 $0xFFFFFFE0, v11  }
0x338: {  	v3 =	vor.u32 v3, v4  }
0x339: {  	v4 =	vperm.xlane v3, v0;
	_ =	sdelay $0x1  }
0x33a: {  	v4 =	vadd.s32 v1, v4;
	_ =	sdelay $0x1  }
0x33b: {  	v3 =	vperm.xlane v3, v2;
	_ =	sdelay $0x1  }
0x33c: {  	s10 =	simm.s32 $0x2C00;
	v3 =	vadd.s32 v1, v3  }
0x33d: {  	[tilespmem:s10], [sflag:$0x1] =	stream.indirect_vreg.gather [hbm4b:s1+s3], $0x80, v4, vm0, $0xb8;
	[tilespmem:$0x18C00] =	vst v63  }
0x33e: {  	s11 =	simm.s32 $0x3400  }
0x33f: {  	[tilespmem:s11], [sflag:$0x1] =	stream.indirect_vreg.gather [hbm4b:s4+s3], $0x80, v4, vm0, $0xb8;
	[tilespmem:$0x18C00] =	vst v63  }
0x340: {  	s12 =	simm.s32 $0x3C00  }
0x341: {  	[tilespmem:s12], [sflag:$0x1] =	stream.indirect_vreg.gather [hbm4b:s1+s3], $0x80, v3, vm0, $0xb8;
	[tilespmem:$0x18C00] =	vst v63  }
0x342: {  	s26 =	simm.s32 $0x4400  }
0x343: {  	[tilespmem:s26], [sflag:$0x1] =	stream.indirect_vreg.gather [hbm4b:s4+s3], $0x80, v3, vm0, $0xb8;
	[tilespmem:$0x18C00] =	vst v63  }
0x344: {  	v3 =	vld [tilespmem:$0x420];
	_ =	sdelay $0x4  }
0x345: {  	v12 =	vshll.u32 v3, $0x2  }
0x346: {  	v3 =	vand.u32 $0x7, v3;
	v4 =	vand.u32 $0xFFFFFFE0, v12  }
0x347: {  	v3 =	vor.u32 v3, v4  }
0x348: {  	v4 =	vperm.xlane v3, v0;
	_ =	sdelay $0x1  }
0x349: {  	v4 =	vadd.s32 v1, v4;
	_ =	sdelay $0x1  }
0x34a: {  	v3 =	vperm.xlane v3, v2;
	_ =	sdelay $0x1  }
0x34b: {  	s13 =	simm.s32 $0x4C00;
	v3 =	vadd.s32 v1, v3  }
0x34c: {  	[tilespmem:s13], [sflag:$0x1] =	stream.indirect_vreg.gather [hbm4b:s1+s3], $0x80, v4, vm0, $0xb8;
	[tilespmem:$0x18C00] =	vst v63  }
0x34d: {  	s14 =	simm.s32 $0x5400  }
0x34e: {  	[tilespmem:s14], [sflag:$0x1] =	stream.indirect_vreg.gather [hbm4b:s4+s3], $0x80, v4, vm0, $0xb8;
	[tilespmem:$0x18C00] =	vst v63  }
0x34f: {  	s15 =	simm.s32 $0x5C00  }
0x350: {  	[tilespmem:s15], [sflag:$0x1] =	stream.indirect_vreg.gather [hbm4b:s1+s3], $0x80, v3, vm0, $0xb8;
	[tilespmem:$0x18C00] =	vst v63  }
0x351: {  	s28 =	simm.s32 $0x6400  }
0x352: {  	[tilespmem:s28], [sflag:$0x1] =	stream.indirect_vreg.gather [hbm4b:s4+s3], $0x80, v3, vm0, $0xb8;
	[tilespmem:$0x18C00] =	vst v63  }
0x353: {  	v3 =	vld [tilespmem:$0x430];
	_ =	sdelay $0x4  }
0x354: {  	v13 =	vshll.u32 v3, $0x2  }
0x355: {  	v3 =	vand.u32 $0x7, v3;
	v4 =	vand.u32 $0xFFFFFFE0, v13  }
0x356: {  	v3 =	vor.u32 v3, v4  }
0x357: {  	v4 =	vperm.xlane v3, v0;
	_ =	sdelay $0x1  }
0x358: {  	v4 =	vadd.s32 v1, v4;
	_ =	sdelay $0x1  }
0x359: {  	v3 =	vperm.xlane v3, v2;
	_ =	sdelay $0x1  }
0x35a: {  	s16 =	simm.s32 $0x6C00;
	v3 =	vadd.s32 v1, v3  }
0x35b: {  	[tilespmem:s16], [sflag:$0x1] =	stream.indirect_vreg.gather [hbm4b:s1+s3], $0x80, v4, vm0, $0xb8;
	[tilespmem:$0x18C00] =	vst v63  }
0x35c: {  	s17 =	simm.s32 $0x7400  }
0x35d: {  	[tilespmem:s17], [sflag:$0x1] =	stream.indirect_vreg.gather [hbm4b:s4+s3], $0x80, v4, vm0, $0xb8;
	[tilespmem:$0x18C00] =	vst v63  }
0x35e: {  	s18 =	simm.s32 $0x7C00  }
0x35f: {  	[tilespmem:s18], [sflag:$0x1] =	stream.indirect_vreg.gather [hbm4b:s1+s3], $0x80, v3, vm0, $0xb8;
	[tilespmem:$0x18C00] =	vst v63  }
0x360: {  	s29 =	simm.s32 $0x8400  }
0x361: {  	[tilespmem:s29], [sflag:$0x1] =	stream.indirect_vreg.gather [hbm4b:s4+s3], $0x80, v3, vm0, $0xb8;
	[tilespmem:$0x18C00] =	vst v63  }
0x362: {  	v3 =	vld [tilespmem:$0x440];
	_ =	sdelay $0x4  }
0x363: {  	v14 =	vshll.u32 v3, $0x2  }
0x364: {  	v3 =	vand.u32 $0x7, v3;
	v4 =	vand.u32 $0xFFFFFFE0, v14  }
0x365: {  	v3 =	vor.u32 v3, v4  }
0x366: {  	v4 =	vperm.xlane v3, v0;
	_ =	sdelay $0x1  }
0x367: {  	v4 =	vadd.s32 v1, v4;
	_ =	sdelay $0x1  }
0x368: {  	v3 =	vperm.xlane v3, v2;
	_ =	sdelay $0x1  }
0x369: {  	s19 =	simm.s32 $0x8C00;
	v3 =	vadd.s32 v1, v3  }
0x36a: {  	[tilespmem:s19], [sflag:$0x1] =	stream.indirect_vreg.gather [hbm4b:s1+s3], $0x80, v4, vm0, $0xb8;
	[tilespmem:$0x18C00] =	vst v63  }
0x36b: {  	s20 =	simm.s32 $0x9400  }
0x36c: {  	[tilespmem:s20], [sflag:$0x1] =	stream.indirect_vreg.gather [hbm4b:s4+s3], $0x80, v4, vm0, $0xb8;
	[tilespmem:$0x18C00] =	vst v63  }
0x36d: {  	s21 =	simm.s32 $0x9C00  }
0x36e: {  	[tilespmem:s21], [sflag:$0x1] =	stream.indirect_vreg.gather [hbm4b:s1+s3], $0x80, v3, vm0, $0xb8;
	[tilespmem:$0x18C00] =	vst v63  }
0x36f: {  	s30 =	simm.s32 $0xA400  }
0x370: {  	[tilespmem:s30], [sflag:$0x1] =	stream.indirect_vreg.gather [hbm4b:s4+s3], $0x80, v3, vm0, $0xb8;
	[tilespmem:$0x18C00] =	vst v63  }
0x371: {  	v3 =	vld [tilespmem:$0x450];
	_ =	sdelay $0x4  }
0x372: {  	v15 =	vshll.u32 v3, $0x2  }
0x373: {  	v3 =	vand.u32 $0x7, v3;
	v4 =	vand.u32 $0xFFFFFFE0, v15  }
0x374: {  	v3 =	vor.u32 v3, v4  }
0x375: {  	v4 =	vperm.xlane v3, v0;
	_ =	sdelay $0x1  }
0x376: {  	v4 =	vadd.s32 v1, v4;
	_ =	sdelay $0x1  }
0x377: {  	v3 =	vperm.xlane v3, v2;
	_ =	sdelay $0x1  }
0x378: {  	s22 =	simm.s32 $0xAC00;
	v3 =	vadd.s32 v1, v3  }
0x379: {  	[tilespmem:s22], [sflag:$0x1] =	stream.indirect_vreg.gather [hbm4b:s1+s3], $0x80, v4, vm0, $0xb8;
	[tilespmem:$0x18C00] =	vst v63  }
0x37a: {  	s23 =	simm.s32 $0xB400  }
0x37b: {  	[tilespmem:s23], [sflag:$0x1] =	stream.indirect_vreg.gather [hbm4b:s4+s3], $0x80, v4, vm0, $0xb8;
	[tilespmem:$0x18C00] =	vst v63  }
0x37c: {  	s24 =	simm.s32 $0xBC00  }
0x37d: {  	[tilespmem:s24], [sflag:$0x1] =	stream.indirect_vreg.gather [hbm4b:s1+s3], $0x80, v3, vm0, $0xb8;
	[tilespmem:$0x18C00] =	vst v63  }
0x37e: {  	s31 =	simm.s32 $0xC400  }
0x37f: {  	[tilespmem:s31], [sflag:$0x1] =	stream.indirect_vreg.gather [hbm4b:s4+s3], $0x80, v3, vm0, $0xb8;
	[tilespmem:$0x18C00] =	vst v63  }
0x380: {  	_ =	swait.ge [sflag:s2], $0xC000  }
0x381: {  	[sflag:s2] =	ssyncset.done $0x0  }
0x382: {  	s8 =	rddreg [dreg:$0xd];
	[sflag:s2] =	ssyncadd.s32 $0xFFFF4000  }
0x383: {  	[hbm4b:s8+s3] =	stream.linear.scatter [tilespmem:s7], [sflag:$0x2], $0xC000, $0x38;
	[tilespmem:$0x18C00] =	vst v63  }
0x384: {  	_ =	swait.ge [sflag:s6], $0xC000  }
0x385: {  	[sflag:s6] =	ssyncset.done $0x0  }
0x386: {  	[sflag:s6] =	ssyncadd.s32 $0xFFFF4000  }
0x387: {  	v3 =	vld [tilespmem:$0x480];
	_ =	sdelay $0x4  }
0x388: {  	v16 =	vshll.u32 v3, $0x2  }
0x389: {  	v3 =	vand.u32 $0x7, v3;
	v4 =	vand.u32 $0xFFFFFFE0, v16  }
0x38a: {  	v3 =	vor.u32 v3, v4  }
0x38b: {  	v4 =	vperm.xlane v3, v0;
	_ =	sdelay $0x1  }
0x38c: {  	v4 =	vadd.s32 v1, v4;
	_ =	sdelay $0x1  }
0x38d: {  	v3 =	vperm.xlane v3, v2;
	_ =	sdelay $0x1  }
0x38e: {  	v3 =	vadd.s32 v1, v3  }
0x38f: {  	[tilespmem:s0], [sflag:$0x1] =	stream.indirect_vreg.gather [hbm4b:s1+s3], $0x80, v4, vm0, $0xb8;
	[tilespmem:$0x18C00] =	vst v63  }
0x390: {  	s8 =	simm.s32 $0xD400  }
0x391: {  	[tilespmem:s8], [sflag:$0x1] =	stream.indirect_vreg.gather [hbm4b:s4+s3], $0x80, v4, vm0, $0xb8;
	[tilespmem:$0x18C00] =	vst v63  }
0x392: {  	s8 =	simm.s32 $0xDC00  }
0x393: {  	[tilespmem:s8], [sflag:$0x1] =	stream.indirect_vreg.gather [hbm4b:s1+s3], $0x80, v3, vm0, $0xb8;
	[tilespmem:$0x18C00] =	vst v63  }
0x394: {  	s8 =	simm.s32 $0xE400  }
0x395: {  	[tilespmem:s8], [sflag:$0x1] =	stream.indirect_vreg.gather [hbm4b:s4+s3], $0x80, v3, vm0, $0xb8;
	[tilespmem:$0x18C00] =	vst v63  }
0x396: {  	v3 =	vld [tilespmem:$0x490];
	_ =	sdelay $0x4  }
0x397: {  	v17 =	vshll.u32 v3, $0x2  }
0x398: {  	v3 =	vand.u32 $0x7, v3;
	v4 =	vand.u32 $0xFFFFFFE0, v17  }
0x399: {  	v3 =	vor.u32 v3, v4  }
0x39a: {  	v4 =	vperm.xlane v3, v0;
	_ =	sdelay $0x1  }
0x39b: {  	v4 =	vadd.s32 v1, v4;
	_ =	sdelay $0x1  }
0x39c: {  	v3 =	vperm.xlane v3, v2;
	_ =	sdelay $0x1  }
0x39d: {  	s8 =	simm.s32 $0xEC00;
	v3 =	vadd.s32 v1, v3  }
0x39e: {  	[tilespmem:s8], [sflag:$0x1] =	stream.indirect_vreg.gather [hbm4b:s1+s3], $0x80, v4, vm0, $0xb8;
	[tilespmem:$0x18C00] =	vst v63  }
0x39f: {  	s8 =	simm.s32 $0xF400  }
0x3a0: {  	[tilespmem:s8], [sflag:$0x1] =	stream.indirect_vreg.gather [hbm4b:s4+s3], $0x80, v4, vm0, $0xb8;
	[tilespmem:$0x18C00] =	vst v63  }
0x3a1: {  	s8 =	simm.s32 $0xFC00  }
0x3a2: {  	[tilespmem:s8], [sflag:$0x1] =	stream.indirect_vreg.gather [hbm4b:s1+s3], $0x80, v3, vm0, $0xb8;
	[tilespmem:$0x18C00] =	vst v63  }
0x3a3: {  	s8 =	simm.s32 $0x10400  }
0x3a4: {  	[tilespmem:s8], [sflag:$0x1] =	stream.indirect_vreg.gather [hbm4b:s4+s3], $0x80, v3, vm0, $0xb8;
	[tilespmem:$0x18C00] =	vst v63  }
0x3a5: {  	v3 =	vld [tilespmem:$0x4A0];
	_ =	sdelay $0x4  }
0x3a6: {  	v18 =	vshll.u32 v3, $0x2  }
0x3a7: {  	v3 =	vand.u32 $0x7, v3;
	v4 =	vand.u32 $0xFFFFFFE0, v18  }
0x3a8: {  	v3 =	vor.u32 v3, v4  }
0x3a9: {  	v4 =	vperm.xlane v3, v0;
	_ =	sdelay $0x1  }
0x3aa: {  	v4 =	vadd.s32 v1, v4;
	_ =	sdelay $0x1  }
0x3ab: {  	v3 =	vperm.xlane v3, v2;
	_ =	sdelay $0x1  }
0x3ac: {  	s8 =	simm.s32 $0x10C00;
	v3 =	vadd.s32 v1, v3  }
0x3ad: {  	[tilespmem:s8], [sflag:$0x1] =	stream.indirect_vreg.gather [hbm4b:s1+s3], $0x80, v4, vm0, $0xb8;
	[tilespmem:$0x18C00] =	vst v63  }
0x3ae: {  	s8 =	simm.s32 $0x11400  }
0x3af: {  	[tilespmem:s8], [sflag:$0x1] =	stream.indirect_vreg.gather [hbm4b:s4+s3], $0x80, v4, vm0, $0xb8;
	[tilespmem:$0x18C00] =	vst v63  }
0x3b0: {  	s8 =	simm.s32 $0x11C00  }
0x3b1: {  	[tilespmem:s8], [sflag:$0x1] =	stream.indirect_vreg.gather [hbm4b:s1+s3], $0x80, v3, vm0, $0xb8;
	[tilespmem:$0x18C00] =	vst v63  }
0x3b2: {  	s8 =	simm.s32 $0x12400  }
0x3b3: {  	[tilespmem:s8], [sflag:$0x1] =	stream.indirect_vreg.gather [hbm4b:s4+s3], $0x80, v3, vm0, $0xb8;
	[tilespmem:$0x18C00] =	vst v63  }
0x3b4: {  	v3 =	vld [tilespmem:$0x4B0];
	_ =	sdelay $0x4  }
0x3b5: {  	v19 =	vshll.u32 v3, $0x2  }
0x3b6: {  	v3 =	vand.u32 $0x7, v3;
	v4 =	vand.u32 $0xFFFFFFE0, v19  }
0x3b7: {  	v3 =	vor.u32 v3, v4  }
0x3b8: {  	v4 =	vperm.xlane v3, v0;
	_ =	sdelay $0x1  }
0x3b9: {  	v4 =	vadd.s32 v1, v4;
	_ =	sdelay $0x1  }
0x3ba: {  	v3 =	vperm.xlane v3, v2;
	_ =	sdelay $0x1  }
0x3bb: {  	s8 =	simm.s32 $0x12C00;
	v3 =	vadd.s32 v1, v3  }
0x3bc: {  	[tilespmem:s8], [sflag:$0x1] =	stream.indirect_vreg.gather [hbm4b:s1+s3], $0x80, v4, vm0, $0xb8;
	[tilespmem:$0x18C00] =	vst v63  }
0x3bd: {  	s8 =	simm.s32 $0x13400  }
0x3be: {  	[tilespmem:s8], [sflag:$0x1] =	stream.indirect_vreg.gather [hbm4b:s4+s3], $0x80, v4, vm0, $0xb8;
	[tilespmem:$0x18C00] =	vst v63  }
0x3bf: {  	s8 =	simm.s32 $0x13C00  }
0x3c0: {  	[tilespmem:s8], [sflag:$0x1] =	stream.indirect_vreg.gather [hbm4b:s1+s3], $0x80, v3, vm0, $0xb8;
	[tilespmem:$0x18C00] =	vst v63  }
0x3c1: {  	s8 =	simm.s32 $0x14400  }
0x3c2: {  	[tilespmem:s8], [sflag:$0x1] =	stream.indirect_vreg.gather [hbm4b:s4+s3], $0x80, v3, vm0, $0xb8;
	[tilespmem:$0x18C00] =	vst v63  }
0x3c3: {  	v3 =	vld [tilespmem:$0x4C0];
	_ =	sdelay $0x4  }
0x3c4: {  	v20 =	vshll.u32 v3, $0x2  }
0x3c5: {  	v3 =	vand.u32 $0x7, v3;
	v4 =	vand.u32 $0xFFFFFFE0, v20  }
0x3c6: {  	v3 =	vor.u32 v3, v4  }
0x3c7: {  	v4 =	vperm.xlane v3, v0;
	_ =	sdelay $0x1  }
0x3c8: {  	v4 =	vadd.s32 v1, v4;
	_ =	sdelay $0x1  }
0x3c9: {  	v3 =	vperm.xlane v3, v2;
	_ =	sdelay $0x1  }
0x3ca: {  	s8 =	simm.s32 $0x14C00;
	v3 =	vadd.s32 v1, v3  }
0x3cb: {  	[tilespmem:s8], [sflag:$0x1] =	stream.indirect_vreg.gather [hbm4b:s1+s3], $0x80, v4, vm0, $0xb8;
	[tilespmem:$0x18C00] =	vst v63  }
0x3cc: {  	s8 =	simm.s32 $0x15400  }
0x3cd: {  	[tilespmem:s8], [sflag:$0x1] =	stream.indirect_vreg.gather [hbm4b:s4+s3], $0x80, v4, vm0, $0xb8;
	[tilespmem:$0x18C00] =	vst v63  }
0x3ce: {  	s8 =	simm.s32 $0x15C00  }
0x3cf: {  	[tilespmem:s8], [sflag:$0x1] =	stream.indirect_vreg.gather [hbm4b:s1+s3], $0x80, v3, vm0, $0xb8;
	[tilespmem:$0x18C00] =	vst v63  }
0x3d0: {  	s8 =	simm.s32 $0x16400  }
0x3d1: {  	[tilespmem:s8], [sflag:$0x1] =	stream.indirect_vreg.gather [hbm4b:s4+s3], $0x80, v3, vm0, $0xb8;
	[tilespmem:$0x18C00] =	vst v63  }
0x3d2: {  	v3 =	vld [tilespmem:$0x4D0];
	_ =	sdelay $0x4  }
0x3d3: {  	v21 =	vshll.u32 v3, $0x2  }
0x3d4: {  	v3 =	vand.u32 $0x7, v3;
	v4 =	vand.u32 $0xFFFFFFE0, v21  }
0x3d5: {  	v3 =	vor.u32 v3, v4  }
0x3d6: {  	v4 =	vperm.xlane v3, v0;
	_ =	sdelay $0x1  }
0x3d7: {  	v4 =	vadd.s32 v1, v4;
	_ =	sdelay $0x1  }
0x3d8: {  	v3 =	vperm.xlane v3, v2;
	_ =	sdelay $0x1  }
0x3d9: {  	s8 =	simm.s32 $0x16C00;
	v3 =	vadd.s32 v1, v3  }
0x3da: {  	[tilespmem:s8], [sflag:$0x1] =	stream.indirect_vreg.gather [hbm4b:s1+s3], $0x80, v4, vm0, $0xb8;
	[tilespmem:$0x18C00] =	vst v63  }
0x3db: {  	s8 =	simm.s32 $0x17400  }
0x3dc: {  	[tilespmem:s8], [sflag:$0x1] =	stream.indirect_vreg.gather [hbm4b:s4+s3], $0x80, v4, vm0, $0xb8;
	[tilespmem:$0x18C00] =	vst v63  }
0x3dd: {  	s8 =	simm.s32 $0x17C00  }
0x3de: {  	[tilespmem:s8], [sflag:$0x1] =	stream.indirect_vreg.gather [hbm4b:s1+s3], $0x80, v3, vm0, $0xb8;
	[tilespmem:$0x18C00] =	vst v63  }
0x3df: {  	s8 =	simm.s32 $0x18400  }
0x3e0: {  	[tilespmem:s8], [sflag:$0x1] =	stream.indirect_vreg.gather [hbm4b:s4+s3], $0x80, v3, vm0, $0xb8;
	[tilespmem:$0x18C00] =	vst v63  }
0x3e1: {  	_ =	swait.ge [sflag:s2], $0xC000  }
0x3e2: {  	[sflag:s2] =	ssyncset.done $0x0  }
0x3e3: {  	s8 =	rddreg [dreg:$0xe];
	[sflag:s2] =	ssyncadd.s32 $0xFFFF4000  }
0x3e4: {  	[hbm4b:s8+s3] =	stream.linear.scatter [tilespmem:s0], [sflag:$0x2], $0xC000, $0x38;
	[tilespmem:$0x18C00] =	vst v63  }
0x3e5: {  	_ =	swait.ge [sflag:s6], $0xC000  }
0x3e6: {  	[sflag:s6] =	ssyncset.done $0x0  }
0x3e7: {  	[sflag:s6] =	ssyncadd.s32 $0xFFFF4000  }
0x3e8: {  	v3 =	vld [tilespmem:$0x500];
	_ =	sdelay $0x4  }
0x3e9: {  	v22 =	vshll.u32 v3, $0x2  }
0x3ea: {  	v3 =	vand.u32 $0x7, v3;
	v4 =	vand.u32 $0xFFFFFFE0, v22  }
0x3eb: {  	v3 =	vor.u32 v3, v4  }
0x3ec: {  	v4 =	vperm.xlane v3, v0;
	_ =	sdelay $0x1  }
0x3ed: {  	v4 =	vadd.s32 v1, v4;
	_ =	sdelay $0x1  }
0x3ee: {  	v3 =	vperm.xlane v3, v2;
	_ =	sdelay $0x1  }
0x3ef: {  	v3 =	vadd.s32 v1, v3  }
0x3f0: {  	[tilespmem:s7], [sflag:$0x1] =	stream.indirect_vreg.gather [hbm4b:s1+s3], $0x80, v4, vm0, $0xb8;
	[tilespmem:$0x18C00] =	vst v63  }
0x3f1: {  	s5 =	simm.s32 $0x1400  }
0x3f2: {  	[tilespmem:s5], [sflag:$0x1] =	stream.indirect_vreg.gather [hbm4b:s4+s3], $0x80, v4, vm0, $0xb8;
	[tilespmem:$0x18C00] =	vst v63  }
0x3f3: {  	s9 =	simm.s32 $0x1C00  }
0x3f4: {  	[tilespmem:s9], [sflag:$0x1] =	stream.indirect_vreg.gather [hbm4b:s1+s3], $0x80, v3, vm0, $0xb8;
	[tilespmem:$0x18C00] =	vst v63  }
0x3f5: {  	s25 =	simm.s32 $0x2400  }
0x3f6: {  	[tilespmem:s25], [sflag:$0x1] =	stream.indirect_vreg.gather [hbm4b:s4+s3], $0x80, v3, vm0, $0xb8;
	[tilespmem:$0x18C00] =	vst v63  }
0x3f7: {  	v3 =	vld [tilespmem:$0x510];
	_ =	sdelay $0x4  }
0x3f8: {  	v23 =	vshll.u32 v3, $0x2  }
0x3f9: {  	v3 =	vand.u32 $0x7, v3;
	v4 =	vand.u32 $0xFFFFFFE0, v23  }
0x3fa: {  	v3 =	vor.u32 v3, v4  }
0x3fb: {  	v4 =	vperm.xlane v3, v0;
	_ =	sdelay $0x1  }
0x3fc: {  	v4 =	vadd.s32 v1, v4;
	_ =	sdelay $0x1  }
0x3fd: {  	v3 =	vperm.xlane v3, v2;
	_ =	sdelay $0x1  }
0x3fe: {  	s10 =	simm.s32 $0x2C00;
	v3 =	vadd.s32 v1, v3  }
0x3ff: {  	[tilespmem:s10], [sflag:$0x1] =	stream.indirect_vreg.gather [hbm4b:s1+s3], $0x80, v4, vm0, $0xb8;
	[tilespmem:$0x18C00] =	vst v63  }
0x400: {  	s11 =	simm.s32 $0x3400  }
0x401: {  	[tilespmem:s11], [sflag:$0x1] =	stream.indirect_vreg.gather [hbm4b:s4+s3], $0x80, v4, vm0, $0xb8;
	[tilespmem:$0x18C00] =	vst v63  }
0x402: {  	s12 =	simm.s32 $0x3C00  }
0x403: {  	[tilespmem:s12], [sflag:$0x1] =	stream.indirect_vreg.gather [hbm4b:s1+s3], $0x80, v3, vm0, $0xb8;
	[tilespmem:$0x18C00] =	vst v63  }
0x404: {  	s26 =	simm.s32 $0x4400  }
0x405: {  	[tilespmem:s26], [sflag:$0x1] =	stream.indirect_vreg.gather [hbm4b:s4+s3], $0x80, v3, vm0, $0xb8;
	[tilespmem:$0x18C00] =	vst v63  }
0x406: {  	v3 =	vld [tilespmem:$0x520];
	_ =	sdelay $0x4  }
0x407: {  	v24 =	vshll.u32 v3, $0x2  }
0x408: {  	v3 =	vand.u32 $0x7, v3;
	v4 =	vand.u32 $0xFFFFFFE0, v24  }
0x409: {  	v3 =	vor.u32 v3, v4  }
0x40a: {  	v4 =	vperm.xlane v3, v0;
	_ =	sdelay $0x1  }
0x40b: {  	v4 =	vadd.s32 v1, v4;
	_ =	sdelay $0x1  }
0x40c: {  	v3 =	vperm.xlane v3, v2;
	_ =	sdelay $0x1  }
0x40d: {  	s13 =	simm.s32 $0x4C00;
	v3 =	vadd.s32 v1, v3  }
0x40e: {  	[tilespmem:s13], [sflag:$0x1] =	stream.indirect_vreg.gather [hbm4b:s1+s3], $0x80, v4, vm0, $0xb8;
	[tilespmem:$0x18C00] =	vst v63  }
0x40f: {  	s14 =	simm.s32 $0x5400  }
0x410: {  	[tilespmem:s14], [sflag:$0x1] =	stream.indirect_vreg.gather [hbm4b:s4+s3], $0x80, v4, vm0, $0xb8;
	[tilespmem:$0x18C00] =	vst v63  }
0x411: {  	s15 =	simm.s32 $0x5C00  }
0x412: {  	[tilespmem:s15], [sflag:$0x1] =	stream.indirect_vreg.gather [hbm4b:s1+s3], $0x80, v3, vm0, $0xb8;
	[tilespmem:$0x18C00] =	vst v63  }
0x413: {  	s28 =	simm.s32 $0x6400  }
0x414: {  	[tilespmem:s28], [sflag:$0x1] =	stream.indirect_vreg.gather [hbm4b:s4+s3], $0x80, v3, vm0, $0xb8;
	[tilespmem:$0x18C00] =	vst v63  }
0x415: {  	v3 =	vld [tilespmem:$0x530];
	_ =	sdelay $0x4  }
0x416: {  	v25 =	vshll.u32 v3, $0x2  }
0x417: {  	v3 =	vand.u32 $0x7, v3;
	v4 =	vand.u32 $0xFFFFFFE0, v25  }
0x418: {  	v3 =	vor.u32 v3, v4  }
0x419: {  	v4 =	vperm.xlane v3, v0;
	_ =	sdelay $0x1  }
0x41a: {  	v4 =	vadd.s32 v1, v4;
	_ =	sdelay $0x1  }
0x41b: {  	v3 =	vperm.xlane v3, v2;
	_ =	sdelay $0x1  }
0x41c: {  	s16 =	simm.s32 $0x6C00;
	v3 =	vadd.s32 v1, v3  }
0x41d: {  	[tilespmem:s16], [sflag:$0x1] =	stream.indirect_vreg.gather [hbm4b:s1+s3], $0x80, v4, vm0, $0xb8;
	[tilespmem:$0x18C00] =	vst v63  }
0x41e: {  	s17 =	simm.s32 $0x7400  }
0x41f: {  	[tilespmem:s17], [sflag:$0x1] =	stream.indirect_vreg.gather [hbm4b:s4+s3], $0x80, v4, vm0, $0xb8;
	[tilespmem:$0x18C00] =	vst v63  }
0x420: {  	s18 =	simm.s32 $0x7C00  }
0x421: {  	[tilespmem:s18], [sflag:$0x1] =	stream.indirect_vreg.gather [hbm4b:s1+s3], $0x80, v3, vm0, $0xb8;
	[tilespmem:$0x18C00] =	vst v63  }
0x422: {  	s29 =	simm.s32 $0x8400  }
0x423: {  	[tilespmem:s29], [sflag:$0x1] =	stream.indirect_vreg.gather [hbm4b:s4+s3], $0x80, v3, vm0, $0xb8;
	[tilespmem:$0x18C00] =	vst v63  }
0x424: {  	v3 =	vld [tilespmem:$0x540];
	_ =	sdelay $0x4  }
0x425: {  	v26 =	vshll.u32 v3, $0x2  }
0x426: {  	v3 =	vand.u32 $0x7, v3;
	v4 =	vand.u32 $0xFFFFFFE0, v26  }
0x427: {  	v3 =	vor.u32 v3, v4  }
0x428: {  	v4 =	vperm.xlane v3, v0;
	_ =	sdelay $0x1  }
0x429: {  	v4 =	vadd.s32 v1, v4;
	_ =	sdelay $0x1  }
0x42a: {  	v3 =	vperm.xlane v3, v2;
	_ =	sdelay $0x1  }
0x42b: {  	s19 =	simm.s32 $0x8C00;
	v3 =	vadd.s32 v1, v3  }
0x42c: {  	[tilespmem:s19], [sflag:$0x1] =	stream.indirect_vreg.gather [hbm4b:s1+s3], $0x80, v4, vm0, $0xb8;
	[tilespmem:$0x18C00] =	vst v63  }
0x42d: {  	s20 =	simm.s32 $0x9400  }
0x42e: {  	[tilespmem:s20], [sflag:$0x1] =	stream.indirect_vreg.gather [hbm4b:s4+s3], $0x80, v4, vm0, $0xb8;
	[tilespmem:$0x18C00] =	vst v63  }
0x42f: {  	s21 =	simm.s32 $0x9C00  }
0x430: {  	[tilespmem:s21], [sflag:$0x1] =	stream.indirect_vreg.gather [hbm4b:s1+s3], $0x80, v3, vm0, $0xb8;
	[tilespmem:$0x18C00] =	vst v63  }
0x431: {  	s30 =	simm.s32 $0xA400  }
0x432: {  	[tilespmem:s30], [sflag:$0x1] =	stream.indirect_vreg.gather [hbm4b:s4+s3], $0x80, v3, vm0, $0xb8;
	[tilespmem:$0x18C00] =	vst v63  }
0x433: {  	v3 =	vld [tilespmem:$0x550];
	_ =	sdelay $0x4  }
0x434: {  	v27 =	vshll.u32 v3, $0x2  }
0x435: {  	v3 =	vand.u32 $0x7, v3;
	v4 =	vand.u32 $0xFFFFFFE0, v27  }
0x436: {  	v3 =	vor.u32 v3, v4  }
0x437: {  	v4 =	vperm.xlane v3, v0;
	_ =	sdelay $0x1  }
0x438: {  	v4 =	vadd.s32 v1, v4;
	_ =	sdelay $0x1  }
0x439: {  	v3 =	vperm.xlane v3, v2;
	_ =	sdelay $0x1  }
0x43a: {  	s22 =	simm.s32 $0xAC00;
	v3 =	vadd.s32 v1, v3  }
0x43b: {  	[tilespmem:s22], [sflag:$0x1] =	stream.indirect_vreg.gather [hbm4b:s1+s3], $0x80, v4, vm0, $0xb8;
	[tilespmem:$0x18C00] =	vst v63  }
0x43c: {  	s23 =	simm.s32 $0xB400  }
0x43d: {  	[tilespmem:s23], [sflag:$0x1] =	stream.indirect_vreg.gather [hbm4b:s4+s3], $0x80, v4, vm0, $0xb8;
	[tilespmem:$0x18C00] =	vst v63  }
0x43e: {  	s24 =	simm.s32 $0xBC00  }
0x43f: {  	[tilespmem:s24], [sflag:$0x1] =	stream.indirect_vreg.gather [hbm4b:s1+s3], $0x80, v3, vm0, $0xb8;
	[tilespmem:$0x18C00] =	vst v63  }
0x440: {  	s31 =	simm.s32 $0xC400  }
0x441: {  	[tilespmem:s31], [sflag:$0x1] =	stream.indirect_vreg.gather [hbm4b:s4+s3], $0x80, v3, vm0, $0xb8;
	[tilespmem:$0x18C00] =	vst v63  }
0x442: {  	_ =	swait.ge [sflag:s2], $0xC000  }
0x443: {  	[sflag:s2] =	ssyncset.done $0x0  }
0x444: {  	s8 =	rddreg [dreg:$0xf];
	[sflag:s2] =	ssyncadd.s32 $0xFFFF4000  }
0x445: {  	[hbm4b:s8+s3] =	stream.linear.scatter [tilespmem:s7], [sflag:$0x2], $0xC000, $0x38;
	[tilespmem:$0x18C00] =	vst v63  }
0x446: {  	_ =	swait.ge [sflag:s6], $0xC000  }
0x447: {  	[sflag:s6] =	ssyncset.done $0x0  }
0x448: {  	[sflag:s6] =	ssyncadd.s32 $0xFFFF4000  }
0x449: {  	v3 =	vld [tilespmem:$0x580];
	_ =	sdelay $0x4  }
0x44a: {  	v28 =	vshll.u32 v3, $0x2  }
0x44b: {  	v3 =	vand.u32 $0x7, v3;
	v4 =	vand.u32 $0xFFFFFFE0, v28  }
0x44c: {  	v3 =	vor.u32 v3, v4  }
0x44d: {  	v4 =	vperm.xlane v3, v0;
	_ =	sdelay $0x1  }
0x44e: {  	v4 =	vadd.s32 v1, v4;
	_ =	sdelay $0x1  }
0x44f: {  	v3 =	vperm.xlane v3, v2;
	_ =	sdelay $0x1  }
0x450: {  	v3 =	vadd.s32 v1, v3  }
0x451: {  	[tilespmem:s0], [sflag:$0x1] =	stream.indirect_vreg.gather [hbm4b:s1+s3], $0x80, v4, vm0, $0xb8;
	[tilespmem:$0x18C00] =	vst v63  }
0x452: {  	s8 =	simm.s32 $0xD400  }
0x453: {  	[tilespmem:s8], [sflag:$0x1] =	stream.indirect_vreg.gather [hbm4b:s4+s3], $0x80, v4, vm0, $0xb8;
	[tilespmem:$0x18C00] =	vst v63  }
0x454: {  	s8 =	simm.s32 $0xDC00  }
0x455: {  	[tilespmem:s8], [sflag:$0x1] =	stream.indirect_vreg.gather [hbm4b:s1+s3], $0x80, v3, vm0, $0xb8;
	[tilespmem:$0x18C00] =	vst v63  }
0x456: {  	s8 =	simm.s32 $0xE400  }
0x457: {  	[tilespmem:s8], [sflag:$0x1] =	stream.indirect_vreg.gather [hbm4b:s4+s3], $0x80, v3, vm0, $0xb8;
	[tilespmem:$0x18C00] =	vst v63  }
0x458: {  	v3 =	vld [tilespmem:$0x590];
	_ =	sdelay $0x4  }
0x459: {  	v29 =	vshll.u32 v3, $0x2  }
0x45a: {  	v3 =	vand.u32 $0x7, v3;
	v4 =	vand.u32 $0xFFFFFFE0, v29  }
0x45b: {  	v3 =	vor.u32 v3, v4  }
0x45c: {  	v4 =	vperm.xlane v3, v0;
	_ =	sdelay $0x1  }
0x45d: {  	v4 =	vadd.s32 v1, v4;
	_ =	sdelay $0x1  }
0x45e: {  	v3 =	vperm.xlane v3, v2;
	_ =	sdelay $0x1  }
0x45f: {  	s8 =	simm.s32 $0xEC00;
	v3 =	vadd.s32 v1, v3  }
0x460: {  	[tilespmem:s8], [sflag:$0x1] =	stream.indirect_vreg.gather [hbm4b:s1+s3], $0x80, v4, vm0, $0xb8;
	[tilespmem:$0x18C00] =	vst v63  }
0x461: {  	s8 =	simm.s32 $0xF400  }
0x462: {  	[tilespmem:s8], [sflag:$0x1] =	stream.indirect_vreg.gather [hbm4b:s4+s3], $0x80, v4, vm0, $0xb8;
	[tilespmem:$0x18C00] =	vst v63  }
0x463: {  	s8 =	simm.s32 $0xFC00  }
0x464: {  	[tilespmem:s8], [sflag:$0x1] =	stream.indirect_vreg.gather [hbm4b:s1+s3], $0x80, v3, vm0, $0xb8;
	[tilespmem:$0x18C00] =	vst v63  }
0x465: {  	s8 =	simm.s32 $0x10400  }
0x466: {  	[tilespmem:s8], [sflag:$0x1] =	stream.indirect_vreg.gather [hbm4b:s4+s3], $0x80, v3, vm0, $0xb8;
	[tilespmem:$0x18C00] =	vst v63  }
0x467: {  	v3 =	vld [tilespmem:$0x5A0];
	_ =	sdelay $0x4  }
0x468: {  	v30 =	vshll.u32 v3, $0x2  }
0x469: {  	v3 =	vand.u32 $0x7, v3;
	v4 =	vand.u32 $0xFFFFFFE0, v30  }
0x46a: {  	v3 =	vor.u32 v3, v4  }
0x46b: {  	v4 =	vperm.xlane v3, v0;
	_ =	sdelay $0x1  }
0x46c: {  	v4 =	vadd.s32 v1, v4;
	_ =	sdelay $0x1  }
0x46d: {  	v3 =	vperm.xlane v3, v2;
	_ =	sdelay $0x1  }
0x46e: {  	s8 =	simm.s32 $0x10C00;
	v3 =	vadd.s32 v1, v3  }
0x46f: {  	[tilespmem:s8], [sflag:$0x1] =	stream.indirect_vreg.gather [hbm4b:s1+s3], $0x80, v4, vm0, $0xb8;
	[tilespmem:$0x18C00] =	vst v63  }
0x470: {  	s8 =	simm.s32 $0x11400  }
0x471: {  	[tilespmem:s8], [sflag:$0x1] =	stream.indirect_vreg.gather [hbm4b:s4+s3], $0x80, v4, vm0, $0xb8;
	[tilespmem:$0x18C00] =	vst v63  }
0x472: {  	s8 =	simm.s32 $0x11C00  }
0x473: {  	[tilespmem:s8], [sflag:$0x1] =	stream.indirect_vreg.gather [hbm4b:s1+s3], $0x80, v3, vm0, $0xb8;
	[tilespmem:$0x18C00] =	vst v63  }
0x474: {  	s8 =	simm.s32 $0x12400  }
0x475: {  	[tilespmem:s8], [sflag:$0x1] =	stream.indirect_vreg.gather [hbm4b:s4+s3], $0x80, v3, vm0, $0xb8;
	[tilespmem:$0x18C00] =	vst v63  }
0x476: {  	v3 =	vld [tilespmem:$0x5B0];
	_ =	sdelay $0x4  }
0x477: {  	v31 =	vshll.u32 v3, $0x2  }
0x478: {  	v3 =	vand.u32 $0x7, v3;
	v4 =	vand.u32 $0xFFFFFFE0, v31  }
0x479: {  	v3 =	vor.u32 v3, v4  }
0x47a: {  	v4 =	vperm.xlane v3, v0;
	_ =	sdelay $0x1  }
0x47b: {  	v4 =	vadd.s32 v1, v4;
	_ =	sdelay $0x1  }
0x47c: {  	v3 =	vperm.xlane v3, v2;
	_ =	sdelay $0x1  }
0x47d: {  	s8 =	simm.s32 $0x12C00;
	v3 =	vadd.s32 v1, v3  }
0x47e: {  	[tilespmem:s8], [sflag:$0x1] =	stream.indirect_vreg.gather [hbm4b:s1+s3], $0x80, v4, vm0, $0xb8;
	[tilespmem:$0x18C00] =	vst v63  }
0x47f: {  	s8 =	simm.s32 $0x13400  }
0x480: {  	[tilespmem:s8], [sflag:$0x1] =	stream.indirect_vreg.gather [hbm4b:s4+s3], $0x80, v4, vm0, $0xb8;
	[tilespmem:$0x18C00] =	vst v63  }
0x481: {  	s8 =	simm.s32 $0x13C00  }
0x482: {  	[tilespmem:s8], [sflag:$0x1] =	stream.indirect_vreg.gather [hbm4b:s1+s3], $0x80, v3, vm0, $0xb8;
	[tilespmem:$0x18C00] =	vst v63  }
0x483: {  	s8 =	simm.s32 $0x14400  }
0x484: {  	[tilespmem:s8], [sflag:$0x1] =	stream.indirect_vreg.gather [hbm4b:s4+s3], $0x80, v3, vm0, $0xb8;
	[tilespmem:$0x18C00] =	vst v63  }
0x485: {  	v3 =	vld [tilespmem:$0x5C0];
	_ =	sdelay $0x4  }
0x486: {  	v32 =	vshll.u32 v3, $0x2  }
0x487: {  	v3 =	vand.u32 $0x7, v3;
	v4 =	vand.u32 $0xFFFFFFE0, v32  }
0x488: {  	v3 =	vor.u32 v3, v4  }
0x489: {  	v4 =	vperm.xlane v3, v0;
	_ =	sdelay $0x1  }
0x48a: {  	v4 =	vadd.s32 v1, v4;
	_ =	sdelay $0x1  }
0x48b: {  	v3 =	vperm.xlane v3, v2;
	_ =	sdelay $0x1  }
0x48c: {  	s8 =	simm.s32 $0x14C00;
	v3 =	vadd.s32 v1, v3  }
0x48d: {  	[tilespmem:s8], [sflag:$0x1] =	stream.indirect_vreg.gather [hbm4b:s1+s3], $0x80, v4, vm0, $0xb8;
	[tilespmem:$0x18C00] =	vst v63  }
0x48e: {  	s8 =	simm.s32 $0x15400  }
0x48f: {  	[tilespmem:s8], [sflag:$0x1] =	stream.indirect_vreg.gather [hbm4b:s4+s3], $0x80, v4, vm0, $0xb8;
	[tilespmem:$0x18C00] =	vst v63  }
0x490: {  	s8 =	simm.s32 $0x15C00  }
0x491: {  	[tilespmem:s8], [sflag:$0x1] =	stream.indirect_vreg.gather [hbm4b:s1+s3], $0x80, v3, vm0, $0xb8;
	[tilespmem:$0x18C00] =	vst v63  }
0x492: {  	s8 =	simm.s32 $0x16400  }
0x493: {  	[tilespmem:s8], [sflag:$0x1] =	stream.indirect_vreg.gather [hbm4b:s4+s3], $0x80, v3, vm0, $0xb8;
	[tilespmem:$0x18C00] =	vst v63  }
0x494: {  	v3 =	vld [tilespmem:$0x5D0];
	_ =	sdelay $0x4  }
0x495: {  	v33 =	vshll.u32 v3, $0x2  }
0x496: {  	v3 =	vand.u32 $0x7, v3;
	v4 =	vand.u32 $0xFFFFFFE0, v33  }
0x497: {  	v3 =	vor.u32 v3, v4  }
0x498: {  	v4 =	vperm.xlane v3, v0;
	_ =	sdelay $0x1  }
0x499: {  	v4 =	vadd.s32 v1, v4;
	_ =	sdelay $0x1  }
0x49a: {  	v3 =	vperm.xlane v3, v2;
	_ =	sdelay $0x1  }
0x49b: {  	s8 =	simm.s32 $0x16C00;
	v3 =	vadd.s32 v1, v3  }
0x49c: {  	[tilespmem:s8], [sflag:$0x1] =	stream.indirect_vreg.gather [hbm4b:s1+s3], $0x80, v4, vm0, $0xb8;
	[tilespmem:$0x18C00] =	vst v63  }
0x49d: {  	s8 =	simm.s32 $0x17400  }
0x49e: {  	[tilespmem:s8], [sflag:$0x1] =	stream.indirect_vreg.gather [hbm4b:s4+s3], $0x80, v4, vm0, $0xb8;
	[tilespmem:$0x18C00] =	vst v63  }
0x49f: {  	s8 =	simm.s32 $0x17C00  }
0x4a0: {  	[tilespmem:s8], [sflag:$0x1] =	stream.indirect_vreg.gather [hbm4b:s1+s3], $0x80, v3, vm0, $0xb8;
	[tilespmem:$0x18C00] =	vst v63  }
0x4a1: {  	s8 =	simm.s32 $0x18400  }
0x4a2: {  	[tilespmem:s8], [sflag:$0x1] =	stream.indirect_vreg.gather [hbm4b:s4+s3], $0x80, v3, vm0, $0xb8;
	[tilespmem:$0x18C00] =	vst v63  }
0x4a3: {  	_ =	swait.ge [sflag:s2], $0xC000  }
0x4a4: {  	[sflag:s2] =	ssyncset.done $0x0  }
0x4a5: {  	s8 =	rddreg [dreg:$0x10];
	[sflag:s2] =	ssyncadd.s32 $0xFFFF4000  }
0x4a6: {  	[hbm4b:s8+s3] =	stream.linear.scatter [tilespmem:s0], [sflag:$0x2], $0xC000, $0x38;
	[tilespmem:$0x18C00] =	vst v63  }
0x4a7: {  	_ =	swait.ge [sflag:s6], $0xC000  }
0x4a8: {  	[sflag:s6] =	ssyncset.done $0x0  }
0x4a9: {  	[sflag:s6] =	ssyncadd.s32 $0xFFFF4000  }
0x4aa: {  	v3 =	vld [tilespmem:$0x600];
	_ =	sdelay $0x4  }
0x4ab: {  	v34 =	vshll.u32 v3, $0x2  }
0x4ac: {  	v3 =	vand.u32 $0x7, v3;
	v4 =	vand.u32 $0xFFFFFFE0, v34  }
0x4ad: {  	v3 =	vor.u32 v3, v4  }
0x4ae: {  	v4 =	vperm.xlane v3, v0;
	_ =	sdelay $0x1  }
0x4af: {  	v4 =	vadd.s32 v1, v4;
	_ =	sdelay $0x1  }
0x4b0: {  	v3 =	vperm.xlane v3, v2;
	_ =	sdelay $0x1  }
0x4b1: {  	v3 =	vadd.s32 v1, v3  }
0x4b2: {  	[tilespmem:s7], [sflag:$0x1] =	stream.indirect_vreg.gather [hbm4b:s1+s3], $0x80, v4, vm0, $0xb8;
	[tilespmem:$0x18C00] =	vst v63  }
0x4b3: {  	s5 =	simm.s32 $0x1400  }
0x4b4: {  	[tilespmem:s5], [sflag:$0x1] =	stream.indirect_vreg.gather [hbm4b:s4+s3], $0x80, v4, vm0, $0xb8;
	[tilespmem:$0x18C00] =	vst v63  }
0x4b5: {  	s9 =	simm.s32 $0x1C00  }
0x4b6: {  	[tilespmem:s9], [sflag:$0x1] =	stream.indirect_vreg.gather [hbm4b:s1+s3], $0x80, v3, vm0, $0xb8;
	[tilespmem:$0x18C00] =	vst v63  }
0x4b7: {  	s25 =	simm.s32 $0x2400  }
0x4b8: {  	[tilespmem:s25], [sflag:$0x1] =	stream.indirect_vreg.gather [hbm4b:s4+s3], $0x80, v3, vm0, $0xb8;
	[tilespmem:$0x18C00] =	vst v63  }
0x4b9: {  	v3 =	vld [tilespmem:$0x610];
	_ =	sdelay $0x4  }
0x4ba: {  	v35 =	vshll.u32 v3, $0x2  }
0x4bb: {  	v3 =	vand.u32 $0x7, v3;
	v4 =	vand.u32 $0xFFFFFFE0, v35  }
0x4bc: {  	v3 =	vor.u32 v3, v4  }
0x4bd: {  	v4 =	vperm.xlane v3, v0;
	_ =	sdelay $0x1  }
0x4be: {  	v4 =	vadd.s32 v1, v4;
	_ =	sdelay $0x1  }
0x4bf: {  	v3 =	vperm.xlane v3, v2;
	_ =	sdelay $0x1  }
0x4c0: {  	s10 =	simm.s32 $0x2C00;
	v3 =	vadd.s32 v1, v3  }
0x4c1: {  	[tilespmem:s10], [sflag:$0x1] =	stream.indirect_vreg.gather [hbm4b:s1+s3], $0x80, v4, vm0, $0xb8;
	[tilespmem:$0x18C00] =	vst v63  }
0x4c2: {  	s11 =	simm.s32 $0x3400  }
0x4c3: {  	[tilespmem:s11], [sflag:$0x1] =	stream.indirect_vreg.gather [hbm4b:s4+s3], $0x80, v4, vm0, $0xb8;
	[tilespmem:$0x18C00] =	vst v63  }
0x4c4: {  	s12 =	simm.s32 $0x3C00  }
0x4c5: {  	[tilespmem:s12], [sflag:$0x1] =	stream.indirect_vreg.gather [hbm4b:s1+s3], $0x80, v3, vm0, $0xb8;
	[tilespmem:$0x18C00] =	vst v63  }
0x4c6: {  	s26 =	simm.s32 $0x4400  }
0x4c7: {  	[tilespmem:s26], [sflag:$0x1] =	stream.indirect_vreg.gather [hbm4b:s4+s3], $0x80, v3, vm0, $0xb8;
	[tilespmem:$0x18C00] =	vst v63  }
0x4c8: {  	v3 =	vld [tilespmem:$0x620];
	_ =	sdelay $0x4  }
0x4c9: {  	v36 =	vshll.u32 v3, $0x2  }
0x4ca: {  	v3 =	vand.u32 $0x7, v3;
	v4 =	vand.u32 $0xFFFFFFE0, v36  }
0x4cb: {  	v3 =	vor.u32 v3, v4  }
0x4cc: {  	v4 =	vperm.xlane v3, v0;
	_ =	sdelay $0x1  }
0x4cd: {  	v4 =	vadd.s32 v1, v4;
	_ =	sdelay $0x1  }
0x4ce: {  	v3 =	vperm.xlane v3, v2;
	_ =	sdelay $0x1  }
0x4cf: {  	s13 =	simm.s32 $0x4C00;
	v3 =	vadd.s32 v1, v3  }
0x4d0: {  	[tilespmem:s13], [sflag:$0x1] =	stream.indirect_vreg.gather [hbm4b:s1+s3], $0x80, v4, vm0, $0xb8;
	[tilespmem:$0x18C00] =	vst v63  }
0x4d1: {  	s14 =	simm.s32 $0x5400  }
0x4d2: {  	[tilespmem:s14], [sflag:$0x1] =	stream.indirect_vreg.gather [hbm4b:s4+s3], $0x80, v4, vm0, $0xb8;
	[tilespmem:$0x18C00] =	vst v63  }
0x4d3: {  	s15 =	simm.s32 $0x5C00  }
0x4d4: {  	[tilespmem:s15], [sflag:$0x1] =	stream.indirect_vreg.gather [hbm4b:s1+s3], $0x80, v3, vm0, $0xb8;
	[tilespmem:$0x18C00] =	vst v63  }
0x4d5: {  	s28 =	simm.s32 $0x6400  }
0x4d6: {  	[tilespmem:s28], [sflag:$0x1] =	stream.indirect_vreg.gather [hbm4b:s4+s3], $0x80, v3, vm0, $0xb8;
	[tilespmem:$0x18C00] =	vst v63  }
0x4d7: {  	v3 =	vld [tilespmem:$0x630];
	_ =	sdelay $0x4  }
0x4d8: {  	v37 =	vshll.u32 v3, $0x2  }
0x4d9: {  	v3 =	vand.u32 $0x7, v3;
	v4 =	vand.u32 $0xFFFFFFE0, v37  }
0x4da: {  	v3 =	vor.u32 v3, v4  }
0x4db: {  	v4 =	vperm.xlane v3, v0;
	_ =	sdelay $0x1  }
0x4dc: {  	v4 =	vadd.s32 v1, v4;
	_ =	sdelay $0x1  }
0x4dd: {  	v3 =	vperm.xlane v3, v2;
	_ =	sdelay $0x1  }
0x4de: {  	s16 =	simm.s32 $0x6C00;
	v3 =	vadd.s32 v1, v3  }
0x4df: {  	[tilespmem:s16], [sflag:$0x1] =	stream.indirect_vreg.gather [hbm4b:s1+s3], $0x80, v4, vm0, $0xb8;
	[tilespmem:$0x18C00] =	vst v63  }
0x4e0: {  	s17 =	simm.s32 $0x7400  }
0x4e1: {  	[tilespmem:s17], [sflag:$0x1] =	stream.indirect_vreg.gather [hbm4b:s4+s3], $0x80, v4, vm0, $0xb8;
	[tilespmem:$0x18C00] =	vst v63  }
0x4e2: {  	s18 =	simm.s32 $0x7C00  }
0x4e3: {  	[tilespmem:s18], [sflag:$0x1] =	stream.indirect_vreg.gather [hbm4b:s1+s3], $0x80, v3, vm0, $0xb8;
	[tilespmem:$0x18C00] =	vst v63  }
0x4e4: {  	s29 =	simm.s32 $0x8400  }
0x4e5: {  	[tilespmem:s29], [sflag:$0x1] =	stream.indirect_vreg.gather [hbm4b:s4+s3], $0x80, v3, vm0, $0xb8;
	[tilespmem:$0x18C00] =	vst v63  }
0x4e6: {  	v3 =	vld [tilespmem:$0x640];
	_ =	sdelay $0x4  }
0x4e7: {  	v38 =	vshll.u32 v3, $0x2  }
0x4e8: {  	v3 =	vand.u32 $0x7, v3;
	v4 =	vand.u32 $0xFFFFFFE0, v38  }
0x4e9: {  	v3 =	vor.u32 v3, v4  }
0x4ea: {  	v4 =	vperm.xlane v3, v0;
	_ =	sdelay $0x1  }
0x4eb: {  	v4 =	vadd.s32 v1, v4;
	_ =	sdelay $0x1  }
0x4ec: {  	v3 =	vperm.xlane v3, v2;
	_ =	sdelay $0x1  }
0x4ed: {  	s19 =	simm.s32 $0x8C00;
	v3 =	vadd.s32 v1, v3  }
0x4ee: {  	[tilespmem:s19], [sflag:$0x1] =	stream.indirect_vreg.gather [hbm4b:s1+s3], $0x80, v4, vm0, $0xb8;
	[tilespmem:$0x18C00] =	vst v63  }
0x4ef: {  	s20 =	simm.s32 $0x9400  }
0x4f0: {  	[tilespmem:s20], [sflag:$0x1] =	stream.indirect_vreg.gather [hbm4b:s4+s3], $0x80, v4, vm0, $0xb8;
	[tilespmem:$0x18C00] =	vst v63  }
0x4f1: {  	s21 =	simm.s32 $0x9C00  }
0x4f2: {  	[tilespmem:s21], [sflag:$0x1] =	stream.indirect_vreg.gather [hbm4b:s1+s3], $0x80, v3, vm0, $0xb8;
	[tilespmem:$0x18C00] =	vst v63  }
0x4f3: {  	s30 =	simm.s32 $0xA400  }
0x4f4: {  	[tilespmem:s30], [sflag:$0x1] =	stream.indirect_vreg.gather [hbm4b:s4+s3], $0x80, v3, vm0, $0xb8;
	[tilespmem:$0x18C00] =	vst v63  }
0x4f5: {  	v3 =	vld [tilespmem:$0x650];
	_ =	sdelay $0x4  }
0x4f6: {  	v39 =	vshll.u32 v3, $0x2  }
0x4f7: {  	v3 =	vand.u32 $0x7, v3;
	v4 =	vand.u32 $0xFFFFFFE0, v39  }
0x4f8: {  	v3 =	vor.u32 v3, v4  }
0x4f9: {  	v4 =	vperm.xlane v3, v0;
	_ =	sdelay $0x1  }
0x4fa: {  	v4 =	vadd.s32 v1, v4;
	_ =	sdelay $0x1  }
0x4fb: {  	v3 =	vperm.xlane v3, v2;
	_ =	sdelay $0x1  }
0x4fc: {  	s22 =	simm.s32 $0xAC00;
	v3 =	vadd.s32 v1, v3  }
0x4fd: {  	[tilespmem:s22], [sflag:$0x1] =	stream.indirect_vreg.gather [hbm4b:s1+s3], $0x80, v4, vm0, $0xb8;
	[tilespmem:$0x18C00] =	vst v63  }
0x4fe: {  	s23 =	simm.s32 $0xB400  }
0x4ff: {  	[tilespmem:s23], [sflag:$0x1] =	stream.indirect_vreg.gather [hbm4b:s4+s3], $0x80, v4, vm0, $0xb8;
	[tilespmem:$0x18C00] =	vst v63  }
0x500: {  	s24 =	simm.s32 $0xBC00  }
0x501: {  	[tilespmem:s24], [sflag:$0x1] =	stream.indirect_vreg.gather [hbm4b:s1+s3], $0x80, v3, vm0, $0xb8;
	[tilespmem:$0x18C00] =	vst v63  }
0x502: {  	s31 =	simm.s32 $0xC400  }
0x503: {  	[tilespmem:s31], [sflag:$0x1] =	stream.indirect_vreg.gather [hbm4b:s4+s3], $0x80, v3, vm0, $0xb8;
	[tilespmem:$0x18C00] =	vst v63  }
0x504: {  	_ =	swait.ge [sflag:s2], $0xC000  }
0x505: {  	[sflag:s2] =	ssyncset.done $0x0  }
0x506: {  	s5 =	rddreg [dreg:$0x11];
	[sflag:s2] =	ssyncadd.s32 $0xFFFF4000  }
0x507: {  	[hbm4b:s5+s3] =	stream.linear.scatter [tilespmem:s7], [sflag:$0x2], $0xC000, $0x38;
	[tilespmem:$0x18C00] =	vst v63  }
0x508: {  	_ =	swait.ge [sflag:s6], $0xC000  }
0x509: {  	[sflag:s6] =	ssyncset.done $0x0  }
0x50a: {  	[sflag:s6] =	ssyncadd.s32 $0xFFFF4000  }
0x50b: {  	v3 =	vld [tilespmem:$0x680];
	_ =	sdelay $0x4  }
0x50c: {  	v40 =	vshll.u32 v3, $0x2  }
0x50d: {  	v3 =	vand.u32 $0x7, v3;
	v4 =	vand.u32 $0xFFFFFFE0, v40  }
0x50e: {  	v3 =	vor.u32 v3, v4  }
0x50f: {  	v4 =	vperm.xlane v3, v0;
	_ =	sdelay $0x1  }
0x510: {  	v4 =	vadd.s32 v1, v4;
	_ =	sdelay $0x1  }
0x511: {  	v3 =	vperm.xlane v3, v2;
	_ =	sdelay $0x1  }
0x512: {  	v3 =	vadd.s32 v1, v3  }
0x513: {  	[tilespmem:s0], [sflag:$0x1] =	stream.indirect_vreg.gather [hbm4b:s1+s3], $0x80, v4, vm0, $0xb8;
	[tilespmem:$0x18C00] =	vst v63  }
0x514: {  	s9 =	simm.s32 $0xD400  }
0x515: {  	[tilespmem:s9], [sflag:$0x1] =	stream.indirect_vreg.gather [hbm4b:s4+s3], $0x80, v4, vm0, $0xb8;
	[tilespmem:$0x18C00] =	vst v63  }
0x516: {  	s10 =	simm.s32 $0xDC00  }
0x517: {  	[tilespmem:s10], [sflag:$0x1] =	stream.indirect_vreg.gather [hbm4b:s1+s3], $0x80, v3, vm0, $0xb8;
	[tilespmem:$0x18C00] =	vst v63  }
0x518: {  	s11 =	simm.s32 $0xE400  }
0x519: {  	[tilespmem:s11], [sflag:$0x1] =	stream.indirect_vreg.gather [hbm4b:s4+s3], $0x80, v3, vm0, $0xb8;
	[tilespmem:$0x18C00] =	vst v63  }
0x51a: {  	v3 =	vld [tilespmem:$0x690];
	_ =	sdelay $0x4  }
0x51b: {  	v41 =	vshll.u32 v3, $0x2  }
0x51c: {  	v3 =	vand.u32 $0x7, v3;
	v4 =	vand.u32 $0xFFFFFFE0, v41  }
0x51d: {  	v3 =	vor.u32 v3, v4  }
0x51e: {  	v4 =	vperm.xlane v3, v0;
	_ =	sdelay $0x1  }
0x51f: {  	v4 =	vadd.s32 v1, v4;
	_ =	sdelay $0x1  }
0x520: {  	v3 =	vperm.xlane v3, v2;
	_ =	sdelay $0x1  }
0x521: {  	s12 =	simm.s32 $0xEC00;
	v3 =	vadd.s32 v1, v3  }
0x522: {  	[tilespmem:s12], [sflag:$0x1] =	stream.indirect_vreg.gather [hbm4b:s1+s3], $0x80, v4, vm0, $0xb8;
	[tilespmem:$0x18C00] =	vst v63  }
0x523: {  	s13 =	simm.s32 $0xF400  }
0x524: {  	[tilespmem:s13], [sflag:$0x1] =	stream.indirect_vreg.gather [hbm4b:s4+s3], $0x80, v4, vm0, $0xb8;
	[tilespmem:$0x18C00] =	vst v63  }
0x525: {  	s14 =	simm.s32 $0xFC00  }
0x526: {  	[tilespmem:s14], [sflag:$0x1] =	stream.indirect_vreg.gather [hbm4b:s1+s3], $0x80, v3, vm0, $0xb8;
	[tilespmem:$0x18C00] =	vst v63  }
0x527: {  	s15 =	simm.s32 $0x10400  }
0x528: {  	[tilespmem:s15], [sflag:$0x1] =	stream.indirect_vreg.gather [hbm4b:s4+s3], $0x80, v3, vm0, $0xb8;
	[tilespmem:$0x18C00] =	vst v63  }
0x529: {  	v3 =	vld [tilespmem:$0x6A0];
	_ =	sdelay $0x4  }
0x52a: {  	v42 =	vshll.u32 v3, $0x2  }
0x52b: {  	v3 =	vand.u32 $0x7, v3;
	v4 =	vand.u32 $0xFFFFFFE0, v42  }
0x52c: {  	v3 =	vor.u32 v3, v4  }
0x52d: {  	v4 =	vperm.xlane v3, v0;
	_ =	sdelay $0x1  }
0x52e: {  	v4 =	vadd.s32 v1, v4;
	_ =	sdelay $0x1  }
0x52f: {  	v3 =	vperm.xlane v3, v2;
	_ =	sdelay $0x1  }
0x530: {  	s16 =	simm.s32 $0x10C00;
	v3 =	vadd.s32 v1, v3  }
0x531: {  	[tilespmem:s16], [sflag:$0x1] =	stream.indirect_vreg.gather [hbm4b:s1+s3], $0x80, v4, vm0, $0xb8;
	[tilespmem:$0x18C00] =	vst v63  }
0x532: {  	s17 =	simm.s32 $0x11400  }
0x533: {  	[tilespmem:s17], [sflag:$0x1] =	stream.indirect_vreg.gather [hbm4b:s4+s3], $0x80, v4, vm0, $0xb8;
	[tilespmem:$0x18C00] =	vst v63  }
0x534: {  	s18 =	simm.s32 $0x11C00  }
0x535: {  	[tilespmem:s18], [sflag:$0x1] =	stream.indirect_vreg.gather [hbm4b:s1+s3], $0x80, v3, vm0, $0xb8;
	[tilespmem:$0x18C00] =	vst v63  }
0x536: {  	s19 =	simm.s32 $0x12400  }
0x537: {  	[tilespmem:s19], [sflag:$0x1] =	stream.indirect_vreg.gather [hbm4b:s4+s3], $0x80, v3, vm0, $0xb8;
	[tilespmem:$0x18C00] =	vst v63  }
0x538: {  	v3 =	vld [tilespmem:$0x6B0];
	_ =	sdelay $0x4  }
0x539: {  	v43 =	vshll.u32 v3, $0x2  }
0x53a: {  	v3 =	vand.u32 $0x7, v3;
	v4 =	vand.u32 $0xFFFFFFE0, v43  }
0x53b: {  	v3 =	vor.u32 v3, v4  }
0x53c: {  	v4 =	vperm.xlane v3, v0;
	_ =	sdelay $0x1  }
0x53d: {  	v4 =	vadd.s32 v1, v4;
	_ =	sdelay $0x1  }
0x53e: {  	v3 =	vperm.xlane v3, v2;
	_ =	sdelay $0x1  }
0x53f: {  	s20 =	simm.s32 $0x12C00;
	v3 =	vadd.s32 v1, v3  }
0x540: {  	[tilespmem:s20], [sflag:$0x1] =	stream.indirect_vreg.gather [hbm4b:s1+s3], $0x80, v4, vm0, $0xb8;
	[tilespmem:$0x18C00] =	vst v63  }
0x541: {  	s21 =	simm.s32 $0x13400  }
0x542: {  	[tilespmem:s21], [sflag:$0x1] =	stream.indirect_vreg.gather [hbm4b:s4+s3], $0x80, v4, vm0, $0xb8;
	[tilespmem:$0x18C00] =	vst v63  }
0x543: {  	s22 =	simm.s32 $0x13C00  }
0x544: {  	[tilespmem:s22], [sflag:$0x1] =	stream.indirect_vreg.gather [hbm4b:s1+s3], $0x80, v3, vm0, $0xb8;
	[tilespmem:$0x18C00] =	vst v63  }
0x545: {  	s23 =	simm.s32 $0x14400  }
0x546: {  	[tilespmem:s23], [sflag:$0x1] =	stream.indirect_vreg.gather [hbm4b:s4+s3], $0x80, v3, vm0, $0xb8;
	[tilespmem:$0x18C00] =	vst v63  }
0x547: {  	v3 =	vld [tilespmem:$0x6C0];
	_ =	sdelay $0x4  }
0x548: {  	v44 =	vshll.u32 v3, $0x2  }
0x549: {  	v3 =	vand.u32 $0x7, v3;
	v4 =	vand.u32 $0xFFFFFFE0, v44  }
0x54a: {  	v3 =	vor.u32 v3, v4  }
0x54b: {  	v4 =	vperm.xlane v3, v0;
	_ =	sdelay $0x1  }
0x54c: {  	v4 =	vadd.s32 v1, v4;
	_ =	sdelay $0x1  }
0x54d: {  	v3 =	vperm.xlane v3, v2;
	_ =	sdelay $0x1  }
0x54e: {  	s24 =	simm.s32 $0x14C00;
	v3 =	vadd.s32 v1, v3  }
0x54f: {  	[tilespmem:s24], [sflag:$0x1] =	stream.indirect_vreg.gather [hbm4b:s1+s3], $0x80, v4, vm0, $0xb8;
	[tilespmem:$0x18C00] =	vst v63  }
0x550: {  	s26 =	simm.s32 $0x15400  }
0x551: {  	[tilespmem:s26], [sflag:$0x1] =	stream.indirect_vreg.gather [hbm4b:s4+s3], $0x80, v4, vm0, $0xb8;
	[tilespmem:$0x18C00] =	vst v63  }
0x552: {  	s28 =	simm.s32 $0x15C00  }
0x553: {  	[tilespmem:s28], [sflag:$0x1] =	stream.indirect_vreg.gather [hbm4b:s1+s3], $0x80, v3, vm0, $0xb8;
	[tilespmem:$0x18C00] =	vst v63  }
0x554: {  	s29 =	simm.s32 $0x16400  }
0x555: {  	[tilespmem:s29], [sflag:$0x1] =	stream.indirect_vreg.gather [hbm4b:s4+s3], $0x80, v3, vm0, $0xb8;
	[tilespmem:$0x18C00] =	vst v63  }
0x556: {  	v3 =	vld [tilespmem:$0x6D0];
	_ =	sdelay $0x4  }
0x557: {  	v45 =	vshll.u32 v3, $0x2  }
0x558: {  	v3 =	vand.u32 $0x7, v3;
	v4 =	vand.u32 $0xFFFFFFE0, v45  }
0x559: {  	v3 =	vor.u32 v3, v4  }
0x55a: {  	v4 =	vperm.xlane v3, v0;
	_ =	sdelay $0x1  }
0x55b: {  	v4 =	vadd.s32 v1, v4;
	_ =	sdelay $0x1  }
0x55c: {  	v3 =	vperm.xlane v3, v2;
	_ =	sdelay $0x1  }
0x55d: {  	s20 =	simm.s32 $0x16C00;
	v3 =	vadd.s32 v1, v3  }
0x55e: {  	[tilespmem:s20], [sflag:$0x1] =	stream.indirect_vreg.gather [hbm4b:s1+s3], $0x80, v4, vm0, $0xb8;
	[tilespmem:$0x18C00] =	vst v63  }
0x55f: {  	s21 =	simm.s32 $0x17400  }
0x560: {  	[tilespmem:s21], [sflag:$0x1] =	stream.indirect_vreg.gather [hbm4b:s4+s3], $0x80, v4, vm0, $0xb8;
	[tilespmem:$0x18C00] =	vst v63  }
0x561: {  	s22 =	simm.s32 $0x17C00  }
0x562: {  	[tilespmem:s22], [sflag:$0x1] =	stream.indirect_vreg.gather [hbm4b:s1+s3], $0x80, v3, vm0, $0xb8;
	[tilespmem:$0x18C00] =	vst v63  }
0x563: {  	s23 =	simm.s32 $0x18400  }
0x564: {  	[tilespmem:s23], [sflag:$0x1] =	stream.indirect_vreg.gather [hbm4b:s4+s3], $0x80, v3, vm0, $0xb8;
	[tilespmem:$0x18C00] =	vst v63  }
0x565: {  	_ =	swait.ge [sflag:s2], $0xC000  }
0x566: {  	[sflag:s2] =	ssyncset.done $0x0  }
0x567: {  	s24 =	rddreg [dreg:$0x12];
	[sflag:s2] =	ssyncadd.s32 $0xFFFF4000  }
0x568: {  	[hbm4b:s24+s3] =	stream.linear.scatter [tilespmem:s0], [sflag:$0x2], $0xC000, $0x38;
	[tilespmem:$0x18C00] =	vst v63  }
0x569: {  	_ =	swait.ge [sflag:s6], $0xC000  }
0x56a: {  	[sflag:s6] =	ssyncset.done $0x0  }
0x56b: {  	[sflag:s6] =	ssyncadd.s32 $0xFFFF4000  }
0x56c: {  	v3 =	vld [tilespmem:$0x700];
	_ =	sdelay $0x4  }
0x56d: {  	v46 =	vshll.u32 v3, $0x2  }
0x56e: {  	v3 =	vand.u32 $0x7, v3;
	v4 =	vand.u32 $0xFFFFFFE0, v46  }
0x56f: {  	v3 =	vor.u32 v3, v4  }
0x570: {  	v4 =	vperm.xlane v3, v0;
	_ =	sdelay $0x1  }
0x571: {  	v4 =	vadd.s32 v1, v4;
	_ =	sdelay $0x1  }
0x572: {  	v3 =	vperm.xlane v3, v2;
	_ =	sdelay $0x1  }
0x573: {  	v3 =	vadd.s32 v1, v3  }
0x574: {  	[tilespmem:s7], [sflag:$0x1] =	stream.indirect_vreg.gather [hbm4b:s1+s3], $0x80, v4, vm0, $0xb8;
	[tilespmem:$0x18C00] =	vst v63  }
0x575: {  	s26 =	simm.s32 $0x1400  }
0x576: {  	[tilespmem:s26], [sflag:$0x1] =	stream.indirect_vreg.gather [hbm4b:s4+s3], $0x80, v4, vm0, $0xb8;
	[tilespmem:$0x18C00] =	vst v63  }
0x577: {  	s28 =	simm.s32 $0x1C00  }
0x578: {  	[tilespmem:s28], [sflag:$0x1] =	stream.indirect_vreg.gather [hbm4b:s1+s3], $0x80, v3, vm0, $0xb8;
	[tilespmem:$0x18C00] =	vst v63  }
0x579: {  	s29 =	simm.s32 $0x2400  }
0x57a: {  	[tilespmem:s29], [sflag:$0x1] =	stream.indirect_vreg.gather [hbm4b:s4+s3], $0x80, v3, vm0, $0xb8;
	[tilespmem:$0x18C00] =	vst v63  }
0x57b: {  	v3 =	vld [tilespmem:$0x710];
	_ =	sdelay $0x4  }
0x57c: {  	v47 =	vshll.u32 v3, $0x2  }
0x57d: {  	v3 =	vand.u32 $0x7, v3;
	v4 =	vand.u32 $0xFFFFFFE0, v47  }
0x57e: {  	v3 =	vor.u32 v3, v4  }
0x57f: {  	v4 =	vperm.xlane v3, v0;
	_ =	sdelay $0x1  }
0x580: {  	v4 =	vadd.s32 v1, v4;
	_ =	sdelay $0x1  }
0x581: {  	v3 =	vperm.xlane v3, v2;
	_ =	sdelay $0x1  }
0x582: {  	s25 =	simm.s32 $0x2C00;
	v3 =	vadd.s32 v1, v3  }
0x583: {  	[tilespmem:s25], [sflag:$0x1] =	stream.indirect_vreg.gather [hbm4b:s1+s3], $0x80, v4, vm0, $0xb8;
	[tilespmem:$0x18C00] =	vst v63  }
0x584: {  	s26 =	simm.s32 $0x3400  }
0x585: {  	[tilespmem:s26], [sflag:$0x1] =	stream.indirect_vreg.gather [hbm4b:s4+s3], $0x80, v4, vm0, $0xb8;
	[tilespmem:$0x18C00] =	vst v63  }
0x586: {  	s28 =	simm.s32 $0x3C00  }
0x587: {  	[tilespmem:s28], [sflag:$0x1] =	stream.indirect_vreg.gather [hbm4b:s1+s3], $0x80, v3, vm0, $0xb8;
	[tilespmem:$0x18C00] =	vst v63  }
0x588: {  	s29 =	simm.s32 $0x4400  }
0x589: {  	[tilespmem:s29], [sflag:$0x1] =	stream.indirect_vreg.gather [hbm4b:s4+s3], $0x80, v3, vm0, $0xb8;
	[tilespmem:$0x18C00] =	vst v63  }
0x58a: {  	v3 =	vld [tilespmem:$0x720];
	_ =	sdelay $0x4  }
0x58b: {  	v48 =	vshll.u32 v3, $0x2  }
0x58c: {  	v3 =	vand.u32 $0x7, v3;
	v4 =	vand.u32 $0xFFFFFFE0, v48  }
0x58d: {  	v3 =	vor.u32 v3, v4  }
0x58e: {  	v4 =	vperm.xlane v3, v0;
	_ =	sdelay $0x1  }
0x58f: {  	v4 =	vadd.s32 v1, v4;
	_ =	sdelay $0x1  }
0x590: {  	v3 =	vperm.xlane v3, v2;
	_ =	sdelay $0x1  }
0x591: {  	s29 =	simm.s32 $0x4C00;
	v3 =	vadd.s32 v1, v3  }
0x592: {  	[tilespmem:s29], [sflag:$0x1] =	stream.indirect_vreg.gather [hbm4b:s1+s3], $0x80, v4, vm0, $0xb8;
	[tilespmem:$0x18C00] =	vst v63  }
0x593: {  	s8 =	simm.s32 $0x5400  }
0x594: {  	[tilespmem:s8], [sflag:$0x1] =	stream.indirect_vreg.gather [hbm4b:s4+s3], $0x80, v4, vm0, $0xb8;
	[tilespmem:$0x18C00] =	vst v63  }
0x595: {  	s8 =	simm.s32 $0x5C00  }
0x596: {  	[tilespmem:s8], [sflag:$0x1] =	stream.indirect_vreg.gather [hbm4b:s1+s3], $0x80, v3, vm0, $0xb8;
	[tilespmem:$0x18C00] =	vst v63  }
0x597: {  	s8 =	simm.s32 $0x6400  }
0x598: {  	[tilespmem:s8], [sflag:$0x1] =	stream.indirect_vreg.gather [hbm4b:s4+s3], $0x80, v3, vm0, $0xb8;
	[tilespmem:$0x18C00] =	vst v63  }
0x599: {  	v3 =	vld [tilespmem:$0x730];
	_ =	sdelay $0x4  }
0x59a: {  	v49 =	vshll.u32 v3, $0x2  }
0x59b: {  	v3 =	vand.u32 $0x7, v3;
	v4 =	vand.u32 $0xFFFFFFE0, v49  }
0x59c: {  	v3 =	vor.u32 v3, v4  }
0x59d: {  	v4 =	vperm.xlane v3, v0;
	_ =	sdelay $0x1  }
0x59e: {  	v4 =	vadd.s32 v1, v4;
	_ =	sdelay $0x1  }
0x59f: {  	v3 =	vperm.xlane v3, v2;
	_ =	sdelay $0x1  }
0x5a0: {  	s8 =	simm.s32 $0x6C00;
	v3 =	vadd.s32 v1, v3  }
0x5a1: {  	[tilespmem:s8], [sflag:$0x1] =	stream.indirect_vreg.gather [hbm4b:s1+s3], $0x80, v4, vm0, $0xb8;
	[tilespmem:$0x18C00] =	vst v63  }
0x5a2: {  	s8 =	simm.s32 $0x7400  }
0x5a3: {  	[tilespmem:s8], [sflag:$0x1] =	stream.indirect_vreg.gather [hbm4b:s4+s3], $0x80, v4, vm0, $0xb8;
	[tilespmem:$0x18C00] =	vst v63  }
0x5a4: {  	s8 =	simm.s32 $0x7C00  }
0x5a5: {  	[tilespmem:s8], [sflag:$0x1] =	stream.indirect_vreg.gather [hbm4b:s1+s3], $0x80, v3, vm0, $0xb8;
	[tilespmem:$0x18C00] =	vst v63  }
0x5a6: {  	s8 =	simm.s32 $0x8400  }
0x5a7: {  	[tilespmem:s8], [sflag:$0x1] =	stream.indirect_vreg.gather [hbm4b:s4+s3], $0x80, v3, vm0, $0xb8;
	[tilespmem:$0x18C00] =	vst v63  }
0x5a8: {  	v3 =	vld [tilespmem:$0x740];
	_ =	sdelay $0x4  }
0x5a9: {  	v50 =	vshll.u32 v3, $0x2  }
0x5aa: {  	v3 =	vand.u32 $0x7, v3;
	v4 =	vand.u32 $0xFFFFFFE0, v50  }
0x5ab: {  	v3 =	vor.u32 v3, v4  }
0x5ac: {  	v4 =	vperm.xlane v3, v0;
	_ =	sdelay $0x1  }
0x5ad: {  	v4 =	vadd.s32 v1, v4;
	_ =	sdelay $0x1  }
0x5ae: {  	v3 =	vperm.xlane v3, v2;
	_ =	sdelay $0x1  }
0x5af: {  	s8 =	simm.s32 $0x8C00;
	v3 =	vadd.s32 v1, v3  }
0x5b0: {  	[tilespmem:s8], [sflag:$0x1] =	stream.indirect_vreg.gather [hbm4b:s1+s3], $0x80, v4, vm0, $0xb8;
	[tilespmem:$0x18C00] =	vst v63  }
0x5b1: {  	s8 =	simm.s32 $0x9400  }
0x5b2: {  	[tilespmem:s8], [sflag:$0x1] =	stream.indirect_vreg.gather [hbm4b:s4+s3], $0x80, v4, vm0, $0xb8;
	[tilespmem:$0x18C00] =	vst v63  }
0x5b3: {  	s8 =	simm.s32 $0x9C00  }
0x5b4: {  	[tilespmem:s8], [sflag:$0x1] =	stream.indirect_vreg.gather [hbm4b:s1+s3], $0x80, v3, vm0, $0xb8;
	[tilespmem:$0x18C00] =	vst v63  }
0x5b5: {  	s8 =	simm.s32 $0xA400  }
0x5b6: {  	[tilespmem:s8], [sflag:$0x1] =	stream.indirect_vreg.gather [hbm4b:s4+s3], $0x80, v3, vm0, $0xb8;
	[tilespmem:$0x18C00] =	vst v63  }
0x5b7: {  	v3 =	vld [tilespmem:$0x750];
	_ =	sdelay $0x4  }
0x5b8: {  	v51 =	vshll.u32 v3, $0x2  }
0x5b9: {  	v3 =	vand.u32 $0x7, v3;
	v4 =	vand.u32 $0xFFFFFFE0, v51  }
0x5ba: {  	v3 =	vor.u32 v3, v4  }
0x5bb: {  	v4 =	vperm.xlane v3, v0;
	_ =	sdelay $0x1  }
0x5bc: {  	v4 =	vadd.s32 v1, v4;
	_ =	sdelay $0x1  }
0x5bd: {  	v3 =	vperm.xlane v3, v2;
	_ =	sdelay $0x1  }
0x5be: {  	s8 =	simm.s32 $0xAC00;
	v3 =	vadd.s32 v1, v3  }
0x5bf: {  	[tilespmem:s8], [sflag:$0x1] =	stream.indirect_vreg.gather [hbm4b:s1+s3], $0x80, v4, vm0, $0xb8;
	[tilespmem:$0x18C00] =	vst v63  }
0x5c0: {  	s8 =	simm.s32 $0xB400  }
0x5c1: {  	[tilespmem:s8], [sflag:$0x1] =	stream.indirect_vreg.gather [hbm4b:s4+s3], $0x80, v4, vm0, $0xb8;
	[tilespmem:$0x18C00] =	vst v63  }
0x5c2: {  	s8 =	simm.s32 $0xBC00  }
0x5c3: {  	[tilespmem:s8], [sflag:$0x1] =	stream.indirect_vreg.gather [hbm4b:s1+s3], $0x80, v3, vm0, $0xb8;
	[tilespmem:$0x18C00] =	vst v63  }
0x5c4: {  	s8 =	simm.s32 $0xC400  }
0x5c5: {  	[tilespmem:s8], [sflag:$0x1] =	stream.indirect_vreg.gather [hbm4b:s4+s3], $0x80, v3, vm0, $0xb8;
	[tilespmem:$0x18C00] =	vst v63  }
0x5c6: {  	_ =	swait.ge [sflag:s2], $0xC000  }
0x5c7: {  	[sflag:s2] =	ssyncset.done $0x0  }
0x5c8: {  	s8 =	rddreg [dreg:$0x13];
	[sflag:s2] =	ssyncadd.s32 $0xFFFF4000  }
0x5c9: {  	[hbm4b:s8+s3] =	stream.linear.scatter [tilespmem:s7], [sflag:$0x2], $0xC000, $0x38;
	[tilespmem:$0x18C00] =	vst v63  }
0x5ca: {  	_ =	swait.ge [sflag:s6], $0xC000  }
0x5cb: {  	[sflag:s6] =	ssyncset.done $0x0  }
0x5cc: {  	[sflag:s6] =	ssyncadd.s32 $0xFFFF4000  }
0x5cd: {  	v3 =	vld [tilespmem:$0x780];
	_ =	sdelay $0x4  }
0x5ce: {  	v52 =	vshll.u32 v3, $0x2  }
0x5cf: {  	v3 =	vand.u32 $0x7, v3;
	v4 =	vand.u32 $0xFFFFFFE0, v52  }
0x5d0: {  	v3 =	vor.u32 v3, v4  }
0x5d1: {  	v4 =	vperm.xlane v3, v0;
	_ =	sdelay $0x1  }
0x5d2: {  	v4 =	vadd.s32 v1, v4;
	_ =	sdelay $0x1  }
0x5d3: {  	v3 =	vperm.xlane v3, v2;
	_ =	sdelay $0x1  }
0x5d4: {  	v3 =	vadd.s32 v1, v3  }
0x5d5: {  	[tilespmem:s0], [sflag:$0x1] =	stream.indirect_vreg.gather [hbm4b:s1+s3], $0x80, v4, vm0, $0xb8;
	[tilespmem:$0x18C00] =	vst v63  }
0x5d6: {  	s30 =	simm.s32 $0xD400  }
0x5d7: {  	[tilespmem:s30], [sflag:$0x1] =	stream.indirect_vreg.gather [hbm4b:s4+s3], $0x80, v4, vm0, $0xb8;
	[tilespmem:$0x18C00] =	vst v63  }
0x5d8: {  	s31 =	simm.s32 $0xDC00  }
0x5d9: {  	[tilespmem:s31], [sflag:$0x1] =	stream.indirect_vreg.gather [hbm4b:s1+s3], $0x80, v3, vm0, $0xb8;
	[tilespmem:$0x18C00] =	vst v63  }
0x5da: {  	s31 =	simm.s32 $0xE400  }
0x5db: {  	[tilespmem:s31], [sflag:$0x1] =	stream.indirect_vreg.gather [hbm4b:s4+s3], $0x80, v3, vm0, $0xb8;
	[tilespmem:$0x18C00] =	vst v63  }
0x5dc: {  	v3 =	vld [tilespmem:$0x790];
	_ =	sdelay $0x4  }
0x5dd: {  	v53 =	vshll.u32 v3, $0x2  }
0x5de: {  	v3 =	vand.u32 $0x7, v3;
	v4 =	vand.u32 $0xFFFFFFE0, v53  }
0x5df: {  	v3 =	vor.u32 v3, v4  }
0x5e0: {  	v4 =	vperm.xlane v3, v0;
	_ =	sdelay $0x1  }
0x5e1: {  	v4 =	vadd.s32 v1, v4;
	_ =	sdelay $0x1  }
0x5e2: {  	v3 =	vperm.xlane v3, v2;
	_ =	sdelay $0x1  }
0x5e3: {  	s5 =	simm.s32 $0xEC00;
	v3 =	vadd.s32 v1, v3  }
0x5e4: {  	[tilespmem:s5], [sflag:$0x1] =	stream.indirect_vreg.gather [hbm4b:s1+s3], $0x80, v4, vm0, $0xb8;
	[tilespmem:$0x18C00] =	vst v63  }
0x5e5: {  	s9 =	simm.s32 $0xF400  }
0x5e6: {  	[tilespmem:s9], [sflag:$0x1] =	stream.indirect_vreg.gather [hbm4b:s4+s3], $0x80, v4, vm0, $0xb8;
	[tilespmem:$0x18C00] =	vst v63  }
0x5e7: {  	s10 =	simm.s32 $0xFC00  }
0x5e8: {  	[tilespmem:s10], [sflag:$0x1] =	stream.indirect_vreg.gather [hbm4b:s1+s3], $0x80, v3, vm0, $0xb8;
	[tilespmem:$0x18C00] =	vst v63  }
0x5e9: {  	s30 =	simm.s32 $0x10400  }
0x5ea: {  	[tilespmem:s30], [sflag:$0x1] =	stream.indirect_vreg.gather [hbm4b:s4+s3], $0x80, v3, vm0, $0xb8;
	[tilespmem:$0x18C00] =	vst v63  }
0x5eb: {  	v3 =	vld [tilespmem:$0x7A0];
	_ =	sdelay $0x4  }
0x5ec: {  	v54 =	vshll.u32 v3, $0x2  }
0x5ed: {  	v3 =	vand.u32 $0x7, v3;
	v4 =	vand.u32 $0xFFFFFFE0, v54  }
0x5ee: {  	v3 =	vor.u32 v3, v4  }
0x5ef: {  	v4 =	vperm.xlane v3, v0;
	_ =	sdelay $0x1  }
0x5f0: {  	v4 =	vadd.s32 v1, v4;
	_ =	sdelay $0x1  }
0x5f1: {  	v3 =	vperm.xlane v3, v2;
	_ =	sdelay $0x1  }
0x5f2: {  	s11 =	simm.s32 $0x10C00;
	v3 =	vadd.s32 v1, v3  }
0x5f3: {  	[tilespmem:s11], [sflag:$0x1] =	stream.indirect_vreg.gather [hbm4b:s1+s3], $0x80, v4, vm0, $0xb8;
	[tilespmem:$0x18C00] =	vst v63  }
0x5f4: {  	s12 =	simm.s32 $0x11400  }
0x5f5: {  	[tilespmem:s12], [sflag:$0x1] =	stream.indirect_vreg.gather [hbm4b:s4+s3], $0x80, v4, vm0, $0xb8;
	[tilespmem:$0x18C00] =	vst v63  }
0x5f6: {  	s13 =	simm.s32 $0x11C00  }
0x5f7: {  	[tilespmem:s13], [sflag:$0x1] =	stream.indirect_vreg.gather [hbm4b:s1+s3], $0x80, v3, vm0, $0xb8;
	[tilespmem:$0x18C00] =	vst v63  }
0x5f8: {  	s31 =	simm.s32 $0x12400  }
0x5f9: {  	[tilespmem:s31], [sflag:$0x1] =	stream.indirect_vreg.gather [hbm4b:s4+s3], $0x80, v3, vm0, $0xb8;
	[tilespmem:$0x18C00] =	vst v63  }
0x5fa: {  	v3 =	vld [tilespmem:$0x7B0];
	_ =	sdelay $0x4  }
0x5fb: {  	v55 =	vshll.u32 v3, $0x2  }
0x5fc: {  	v3 =	vand.u32 $0x7, v3;
	v4 =	vand.u32 $0xFFFFFFE0, v55  }
0x5fd: {  	v3 =	vor.u32 v3, v4  }
0x5fe: {  	v4 =	vperm.xlane v3, v0;
	_ =	sdelay $0x1  }
0x5ff: {  	v4 =	vadd.s32 v1, v4;
	_ =	sdelay $0x1  }
0x600: {  	v3 =	vperm.xlane v3, v2;
	_ =	sdelay $0x1  }
0x601: {  	s14 =	simm.s32 $0x12C00;
	v3 =	vadd.s32 v1, v3  }
0x602: {  	[tilespmem:s14], [sflag:$0x1] =	stream.indirect_vreg.gather [hbm4b:s1+s3], $0x80, v4, vm0, $0xb8;
	[tilespmem:$0x18C00] =	vst v63  }
0x603: {  	s15 =	simm.s32 $0x13400  }
0x604: {  	[tilespmem:s15], [sflag:$0x1] =	stream.indirect_vreg.gather [hbm4b:s4+s3], $0x80, v4, vm0, $0xb8;
	[tilespmem:$0x18C00] =	vst v63  }
0x605: {  	s16 =	simm.s32 $0x13C00  }
0x606: {  	[tilespmem:s16], [sflag:$0x1] =	stream.indirect_vreg.gather [hbm4b:s1+s3], $0x80, v3, vm0, $0xb8;
	[tilespmem:$0x18C00] =	vst v63  }
0x607: {  	s8 =	simm.s32 $0x14400  }
0x608: {  	[tilespmem:s8], [sflag:$0x1] =	stream.indirect_vreg.gather [hbm4b:s4+s3], $0x80, v3, vm0, $0xb8;
	[tilespmem:$0x18C00] =	vst v63  }
0x609: {  	v3 =	vld [tilespmem:$0x7C0];
	_ =	sdelay $0x4  }
0x60a: {  	v56 =	vshll.u32 v3, $0x2  }
0x60b: {  	v3 =	vand.u32 $0x7, v3;
	v4 =	vand.u32 $0xFFFFFFE0, v56  }
0x60c: {  	v3 =	vor.u32 v3, v4  }
0x60d: {  	v4 =	vperm.xlane v3, v0;
	_ =	sdelay $0x1  }
0x60e: {  	v4 =	vadd.s32 v1, v4;
	_ =	sdelay $0x1  }
0x60f: {  	v3 =	vperm.xlane v3, v2;
	_ =	sdelay $0x1  }
0x610: {  	s17 =	simm.s32 $0x14C00;
	v3 =	vadd.s32 v1, v3  }
0x611: {  	[tilespmem:s17], [sflag:$0x1] =	stream.indirect_vreg.gather [hbm4b:s1+s3], $0x80, v4, vm0, $0xb8;
	[tilespmem:$0x18C00] =	vst v63  }
0x612: {  	s18 =	simm.s32 $0x15400  }
0x613: {  	[tilespmem:s18], [sflag:$0x1] =	stream.indirect_vreg.gather [hbm4b:s4+s3], $0x80, v4, vm0, $0xb8;
	[tilespmem:$0x18C00] =	vst v63  }
0x614: {  	s19 =	simm.s32 $0x15C00  }
0x615: {  	[tilespmem:s19], [sflag:$0x1] =	stream.indirect_vreg.gather [hbm4b:s1+s3], $0x80, v3, vm0, $0xb8;
	[tilespmem:$0x18C00] =	vst v63  }
0x616: {  	s9 =	simm.s32 $0x16400  }
0x617: {  	[tilespmem:s9], [sflag:$0x1] =	stream.indirect_vreg.gather [hbm4b:s4+s3], $0x80, v3, vm0, $0xb8;
	[tilespmem:$0x18C00] =	vst v63  }
0x618: {  	v3 =	vld [tilespmem:$0x7D0];
	_ =	sdelay $0x4  }
0x619: {  	v57 =	vshll.u32 v3, $0x2  }
0x61a: {  	v3 =	vand.u32 $0x7, v3;
	v4 =	vand.u32 $0xFFFFFFE0, v57  }
0x61b: {  	v3 =	vor.u32 v3, v4  }
0x61c: {  	v4 =	vperm.xlane v3, v0;
	_ =	sdelay $0x1  }
0x61d: {  	v4 =	vadd.s32 v1, v4;
	_ =	sdelay $0x1  }
0x61e: {  	v3 =	vperm.xlane v3, v2;
	_ =	sdelay $0x1  }
0x61f: {  	s20 =	simm.s32 $0x16C00;
	v3 =	vadd.s32 v1, v3  }
0x620: {  	[tilespmem:s20], [sflag:$0x1] =	stream.indirect_vreg.gather [hbm4b:s1+s3], $0x80, v4, vm0, $0xb8;
	[tilespmem:$0x18C00] =	vst v63  }
0x621: {  	s21 =	simm.s32 $0x17400  }
0x622: {  	[tilespmem:s21], [sflag:$0x1] =	stream.indirect_vreg.gather [hbm4b:s4+s3], $0x80, v4, vm0, $0xb8;
	[tilespmem:$0x18C00] =	vst v63  }
0x623: {  	s22 =	simm.s32 $0x17C00  }
0x624: {  	[tilespmem:s22], [sflag:$0x1] =	stream.indirect_vreg.gather [hbm4b:s1+s3], $0x80, v3, vm0, $0xb8;
	[tilespmem:$0x18C00] =	vst v63  }
0x625: {  	s10 =	simm.s32 $0x18400  }
0x626: {  	[tilespmem:s10], [sflag:$0x1] =	stream.indirect_vreg.gather [hbm4b:s4+s3], $0x80, v3, vm0, $0xb8;
	[tilespmem:$0x18C00] =	vst v63  }
0x627: {  	_ =	swait.ge [sflag:s2], $0xC000  }
0x628: {  	[sflag:s2] =	ssyncset.done $0x0  }
0x629: {  	s11 =	rddreg [dreg:$0x14];
	[sflag:s2] =	ssyncadd.s32 $0xFFFF4000  }
0x62a: {  	[hbm4b:s11+s3] =	stream.linear.scatter [tilespmem:s0], [sflag:$0x2], $0xC000, $0x38;
	[tilespmem:$0x18C00] =	vst v63  }
0x62b: {  	_ =	swait.ge [sflag:s6], $0xC000  }
0x62c: {  	[sflag:s6] =	ssyncset.done $0x0  }
0x62d: {  	[sflag:s6] =	ssyncadd.s32 $0xFFFF4000  }
0x62e: {  	v3 =	vld [tilespmem:$0x800];
	_ =	sdelay $0x4  }
0x62f: {  	v58 =	vshll.u32 v3, $0x2  }
0x630: {  	v3 =	vand.u32 $0x7, v3;
	v4 =	vand.u32 $0xFFFFFFE0, v58  }
0x631: {  	v3 =	vor.u32 v3, v4  }
0x632: {  	v4 =	vperm.xlane v3, v0;
	_ =	sdelay $0x1  }
0x633: {  	v4 =	vadd.s32 v1, v4;
	_ =	sdelay $0x1  }
0x634: {  	v3 =	vperm.xlane v3, v2;
	_ =	sdelay $0x1  }
0x635: {  	v3 =	vadd.s32 v1, v3  }
0x636: {  	[tilespmem:s7], [sflag:$0x1] =	stream.indirect_vreg.gather [hbm4b:s1+s3], $0x80, v4, vm0, $0xb8;
	[tilespmem:$0x18C00] =	vst v63  }
0x637: {  	s23 =	simm.s32 $0x1400  }
0x638: {  	[tilespmem:s23], [sflag:$0x1] =	stream.indirect_vreg.gather [hbm4b:s4+s3], $0x80, v4, vm0, $0xb8;
	[tilespmem:$0x18C00] =	vst v63  }
0x639: {  	s24 =	simm.s32 $0x1C00  }
0x63a: {  	[tilespmem:s24], [sflag:$0x1] =	stream.indirect_vreg.gather [hbm4b:s1+s3], $0x80, v3, vm0, $0xb8;
	[tilespmem:$0x18C00] =	vst v63  }
0x63b: {  	s13 =	simm.s32 $0x2400  }
0x63c: {  	[tilespmem:s13], [sflag:$0x1] =	stream.indirect_vreg.gather [hbm4b:s4+s3], $0x80, v3, vm0, $0xb8;
	[tilespmem:$0x18C00] =	vst v63  }
0x63d: {  	v3 =	vld [tilespmem:$0x810];
	_ =	sdelay $0x4  }
0x63e: {  	v59 =	vshll.u32 v3, $0x2  }
0x63f: {  	v3 =	vand.u32 $0x7, v3;
	v4 =	vand.u32 $0xFFFFFFE0, v59  }
0x640: {  	v3 =	vor.u32 v3, v4  }
0x641: {  	v4 =	vperm.xlane v3, v0;
	_ =	sdelay $0x1  }
0x642: {  	v4 =	vadd.s32 v1, v4;
	_ =	sdelay $0x1  }
0x643: {  	v3 =	vperm.xlane v3, v2;
	_ =	sdelay $0x1  }
0x644: {  	s25 =	simm.s32 $0x2C00;
	v3 =	vadd.s32 v1, v3  }
0x645: {  	[tilespmem:s25], [sflag:$0x1] =	stream.indirect_vreg.gather [hbm4b:s1+s3], $0x80, v4, vm0, $0xb8;
	[tilespmem:$0x18C00] =	vst v63  }
0x646: {  	s26 =	simm.s32 $0x3400  }
0x647: {  	[tilespmem:s26], [sflag:$0x1] =	stream.indirect_vreg.gather [hbm4b:s4+s3], $0x80, v4, vm0, $0xb8;
	[tilespmem:$0x18C00] =	vst v63  }
0x648: {  	s28 =	simm.s32 $0x3C00  }
0x649: {  	[tilespmem:s28], [sflag:$0x1] =	stream.indirect_vreg.gather [hbm4b:s1+s3], $0x80, v3, vm0, $0xb8;
	[tilespmem:$0x18C00] =	vst v63  }
0x64a: {  	s14 =	simm.s32 $0x4400  }
0x64b: {  	[tilespmem:s14], [sflag:$0x1] =	stream.indirect_vreg.gather [hbm4b:s4+s3], $0x80, v3, vm0, $0xb8;
	[tilespmem:$0x18C00] =	vst v63  }
0x64c: {  	v3 =	vld [tilespmem:$0x820];
	_ =	sdelay $0x4  }
0x64d: {  	v60 =	vshll.u32 v3, $0x2  }
0x64e: {  	v3 =	vand.u32 $0x7, v3;
	v4 =	vand.u32 $0xFFFFFFE0, v60  }
0x64f: {  	v3 =	vor.u32 v3, v4  }
0x650: {  	v4 =	vperm.xlane v3, v0;
	_ =	sdelay $0x1  }
0x651: {  	v4 =	vadd.s32 v1, v4;
	_ =	sdelay $0x1  }
0x652: {  	v3 =	vperm.xlane v3, v2;
	_ =	sdelay $0x1  }
0x653: {  	s29 =	simm.s32 $0x4C00;
	v3 =	vadd.s32 v1, v3  }
0x654: {  	[tilespmem:s29], [sflag:$0x1] =	stream.indirect_vreg.gather [hbm4b:s1+s3], $0x80, v4, vm0, $0xb8;
	[tilespmem:$0x18C00] =	vst v63  }
0x655: {  	s15 =	simm.s32 $0x5400  }
0x656: {  	[tilespmem:s15], [sflag:$0x1] =	stream.indirect_vreg.gather [hbm4b:s4+s3], $0x80, v4, vm0, $0xb8;
	[tilespmem:$0x18C00] =	vst v63  }
0x657: {  	s16 =	simm.s32 $0x5C00  }
0x658: {  	[tilespmem:s16], [sflag:$0x1] =	stream.indirect_vreg.gather [hbm4b:s1+s3], $0x80, v3, vm0, $0xb8;
	[tilespmem:$0x18C00] =	vst v63  }
0x659: {  	s17 =	simm.s32 $0x6400  }
0x65a: {  	[tilespmem:s17], [sflag:$0x1] =	stream.indirect_vreg.gather [hbm4b:s4+s3], $0x80, v3, vm0, $0xb8;
	[tilespmem:$0x18C00] =	vst v63  }
0x65b: {  	v3 =	vld [tilespmem:$0x830];
	_ =	sdelay $0x4  }
0x65c: {  	v61 =	vshll.u32 v3, $0x2  }
0x65d: {  	v3 =	vand.u32 $0x7, v3;
	v4 =	vand.u32 $0xFFFFFFE0, v61  }
0x65e: {  	v3 =	vor.u32 v3, v4  }
0x65f: {  	v4 =	vperm.xlane v3, v0;
	_ =	sdelay $0x1  }
0x660: {  	v4 =	vadd.s32 v1, v4;
	_ =	sdelay $0x1  }
0x661: {  	v3 =	vperm.xlane v3, v2;
	_ =	sdelay $0x1  }
0x662: {  	s18 =	simm.s32 $0x6C00;
	v3 =	vadd.s32 v1, v3  }
0x663: {  	[tilespmem:s18], [sflag:$0x1] =	stream.indirect_vreg.gather [hbm4b:s1+s3], $0x80, v4, vm0, $0xb8;
	[tilespmem:$0x18C00] =	vst v63  }
0x664: {  	s19 =	simm.s32 $0x7400  }
0x665: {  	[tilespmem:s19], [sflag:$0x1] =	stream.indirect_vreg.gather [hbm4b:s4+s3], $0x80, v4, vm0, $0xb8;
	[tilespmem:$0x18C00] =	vst v63  }
0x666: {  	s20 =	simm.s32 $0x7C00  }
0x667: {  	[tilespmem:s20], [sflag:$0x1] =	stream.indirect_vreg.gather [hbm4b:s1+s3], $0x80, v3, vm0, $0xb8;
	[tilespmem:$0x18C00] =	vst v63  }
0x668: {  	s21 =	simm.s32 $0x8400  }
0x669: {  	[tilespmem:s21], [sflag:$0x1] =	stream.indirect_vreg.gather [hbm4b:s4+s3], $0x80, v3, vm0, $0xb8;
	[tilespmem:$0x18C00] =	vst v63  }
0x66a: {  	v3 =	vld [tilespmem:$0x840];
	_ =	sdelay $0x4  }
0x66b: {  	v62 =	vshll.u32 v3, $0x2  }
0x66c: {  	v3 =	vand.u32 $0x7, v3;
	v4 =	vand.u32 $0xFFFFFFE0, v62  }
0x66d: {  	v3 =	vor.u32 v3, v4  }
0x66e: {  	v4 =	vperm.xlane v3, v0;
	_ =	sdelay $0x1  }
0x66f: {  	v4 =	vadd.s32 v1, v4;
	_ =	sdelay $0x1  }
0x670: {  	v3 =	vperm.xlane v3, v2;
	_ =	sdelay $0x1  }
0x671: {  	s22 =	simm.s32 $0x8C00;
	v3 =	vadd.s32 v1, v3  }
0x672: {  	[tilespmem:s22], [sflag:$0x1] =	stream.indirect_vreg.gather [hbm4b:s1+s3], $0x80, v4, vm0, $0xb8;
	[tilespmem:$0x18C00] =	vst v63  }
0x673: {  	s23 =	simm.s32 $0x9400  }
0x674: {  	[tilespmem:s23], [sflag:$0x1] =	stream.indirect_vreg.gather [hbm4b:s4+s3], $0x80, v4, vm0, $0xb8;
	[tilespmem:$0x18C00] =	vst v63  }
0x675: {  	s24 =	simm.s32 $0x9C00  }
0x676: {  	[tilespmem:s24], [sflag:$0x1] =	stream.indirect_vreg.gather [hbm4b:s1+s3], $0x80, v3, vm0, $0xb8;
	[tilespmem:$0x18C00] =	vst v63  }
0x677: {  	s25 =	simm.s32 $0xA400  }
0x678: {  	[tilespmem:s25], [sflag:$0x1] =	stream.indirect_vreg.gather [hbm4b:s4+s3], $0x80, v3, vm0, $0xb8;
	[tilespmem:$0x18C00] =	vst v63  }
0x679: {  	v3 =	vld [tilespmem:$0x850];
	_ =	sdelay $0x4  }
0x67a: {  	v63 =	vshll.u32 v3, $0x2  }
0x67b: {  	v3 =	vand.u32 $0x7, v3;
	v4 =	vand.u32 $0xFFFFFFE0, v63  }
0x67c: {  	v3 =	vor.u32 v3, v4  }
0x67d: {  	v4 =	vperm.xlane v3, v0;
	_ =	sdelay $0x1  }
0x67e: {  	v4 =	vadd.s32 v1, v4;
	_ =	sdelay $0x1  }
0x67f: {  	v3 =	vperm.xlane v3, v2;
	_ =	sdelay $0x1  }
0x680: {  	s26 =	simm.s32 $0xAC00;
	v3 =	vadd.s32 v1, v3  }
0x681: {  	[tilespmem:s26], [sflag:$0x1] =	stream.indirect_vreg.gather [hbm4b:s1+s3], $0x80, v4, vm0, $0xb8;
	[tilespmem:$0x18C00] =	vst v63  }
0x682: {  	s28 =	simm.s32 $0xB400  }
0x683: {  	[tilespmem:s28], [sflag:$0x1] =	stream.indirect_vreg.gather [hbm4b:s4+s3], $0x80, v4, vm0, $0xb8;
	[tilespmem:$0x18C00] =	vst v63  }
0x684: {  	s29 =	simm.s32 $0xBC00  }
0x685: {  	[tilespmem:s29], [sflag:$0x1] =	stream.indirect_vreg.gather [hbm4b:s1+s3], $0x80, v3, vm0, $0xb8;
	[tilespmem:$0x18C00] =	vst v63  }
0x686: {  	s30 =	simm.s32 $0xC400  }
0x687: {  	[tilespmem:s30], [sflag:$0x1] =	stream.indirect_vreg.gather [hbm4b:s4+s3], $0x80, v3, vm0, $0xb8;
	[tilespmem:$0x18C00] =	vst v63  }
0x688: {  	s12 =	rddreg [dreg:$0x16];
	_ =	swait.ge [sflag:s2], $0xC000  }
0x689: {  	[sflag:s2] =	ssyncset.done $0x0  }
0x68a: {  	s31 =	rddreg [dreg:$0x15];
	[sflag:s2] =	ssyncadd.s32 $0xFFFF4000  }
0x68b: {  	[hbm4b:s31+s3] =	stream.linear.scatter [tilespmem:s7], [sflag:$0x2], $0xC000, $0x38;
	[tilespmem:$0x18C00] =	vst v63  }
0x68c: {  	p0 =	sne.s32 s12, $0x1;
	_ =	swait.ge [sflag:s6], $0xC000  }
.Ltmp0:
0x68d: {  	[sflag:s6] =	ssyncset.done $0x0;
	(pc) =	sbr.rel @p0 .LBB2_1-.Ltmp0, $4  }
0x68e: {  	[sflag:s6] =	ssyncadd.s32 $0xFFFF4000  }
0x68f: {  	_ =	swait.ge [sflag:s6], $0xC000  }
0x690: {  	[sflag:s6] =	ssyncset.done $0x0  }
0x691: {  	s5 =	sadd.s32 $0xFFFFFFFF, s12;
	[sflag:s6] =	ssyncadd.s32 $0xFFFF4000  }
0x692: {  	_ =	sfence.sel $0x180000  }
0x693: {  	[bflag:$0x0] =	sbarrier.arrive $0xFFFF  }
0x694: {  	_ =	strace $0x90000047  }
0x695: {  	s0 =	stileid.u32;
	[bflag:$0x2] =	sbarrier.arrive $0xFFFF  }
0x696: {  	p0 =	sne.s32 s0, $0x0;
	s0 =	rddreg [dreg:$0x3]  }
0x697: {  	s0 =	sadd.s32 @!p0 $0x100000, s0  }
0x698: {  	[sflag:s0] =	ssyncadd.tile.s32 @!p0 $0x1;
	_ =	shalt  }
.Lfunc_end2:
_tile_overlayer_lowered:
.L_overlay_start_2:
0x699: {  	(tag) =	ssettag $0x2  }
0x69a: {  	s0 =	rddreg [dreg:$0x0];
	s2 =	stileid.u32  }
0x69b: {  	s1 =	rddreg [dreg:$0x1];
	p0 =	sne.s32 s2, $0x0  }
0x69c: {  	s3 =	rddreg [dreg:$0x2];
	[bflag:$0x3] =	sbarrier.arrive $0xFFFF;
	s2 =	simm.s32 @!p0 $0x1C03  }
0x69d: {  	[timem:s3], [sflag:s2] =	dma.local @!p0 [hbm:s0], s1  }
0x69e: {  	s0 =	simm.s32 @!p0 $0x3  }
0x69f: {  	_ =	swait.ge @!p0 [sflag:s0], s1  }
0x6a0: {  	s1 =	ssub.s32 @!p0 $0x0, s1;
	[sflag:s0] =	ssyncset.done @!p0 $0x0  }
0x6a1: {  	[sflag:s0] =	ssyncadd.s32 @!p0 s1  }
0x6a2: {  	[bflag:$0x3] =	sbarrier.arrive $0xFFFF  }
0x6a3: {  	_ =	shalt  }

</sc_bundles>
